<compile_context>
chip_gen: v7x
topology: tpu7x:2x2x1
jax: 0.10.2.dev20260603
libtpu: 0.0.44.dev20260713+nightly
codegen_flags: <defaults>
</compile_context>

<pallas_src>
import functools

import jax
import jax.numpy as jnp
from jax import lax
from jax.experimental import pallas as pl
from jax.experimental.pallas import tpu as pltpu
from jax.experimental.pallas import tpu_sc as plsc

F32 = jnp.float32

_LANE = 128
_KB = 128
_TILES = 16
_BN = 1000
_EPS = 1e-5


def _npad(n):
    rpt = -(-(-(-n // _TILES)) // 8) * 8
    while rpt * _TILES <= n:
        rpt += 8
    return rpt * _TILES


@functools.lru_cache(maxsize=None)
def _make_agg(C, npad, nb):
    rpt = npad // _TILES
    cpc = C // 2
    mesh = plsc.VectorSubcoreMesh(core_axis_name="c", subcore_axis_name="s")

    def body(hflat, gidx, sidx, out, gidx_v, sidx_v, rows_v, acc, sem):
        cid = lax.axis_index("c")
        sid = lax.axis_index("s")
        r0 = sid * rpt
        pltpu.sync_copy(sidx.at[sid], sidx_v)
        for cc in range(cpc):
            c = cid * cpc + cc
            pltpu.sync_copy(hflat.at[pl.ds(c * npad + r0, rpt)],
                            acc.at[pl.ds(r0, rpt)])
            pltpu.sync_copy(gidx.at[c, sid], gidx_v)
            plsc.subcore_barrier()

            @pl.loop(0, nb)
            def _edges(j):
                pltpu.async_copy(hflat.at[gidx_v.at[j]], rows_v, sem).wait()
                pltpu.sync_copy(rows_v, acc.at[sidx_v.at[j]], add=True)

            plsc.subcore_barrier()
            pltpu.sync_copy(acc.at[pl.ds(r0, rpt)], out.at[c, pl.ds(r0, rpt)])
            plsc.subcore_barrier()

    return pl.kernel(
        body,
        out_type=jax.ShapeDtypeStruct((C, npad, _LANE), F32),
        mesh=mesh,
        scratch_types=[
            pltpu.VMEM((nb, _KB), jnp.int32),
            pltpu.VMEM((nb, _KB), jnp.int32),
            pltpu.VMEM((_KB, _LANE), F32),
            pltpu.VMEM_SHARED((npad, _LANE), F32),
            pltpu.SemaphoreType.DMA,
        ],
    )


def _acc_stats(ref, st, i):
    @pl.when(i == 0)
    def _():
        ref[...] = st

    @pl.when(i > 0)
    def _():
        ref[...] = ref[...] + st


def _k0(x, npad):
    n, din = x.shape
    C = din // _LANE
    nblk = n // _BN

    def body(x_ref, xc_ref, gp_ref):
        i = pl.program_id(0)
        xb = x_ref[...]
        for c in range(C):
            xc_ref[c] = xb[:, c * _LANE:(c + 1) * _LANE]
        st = jnp.concatenate(
            [jnp.sum(xb, axis=0)[None], jnp.zeros((7, din), F32)], axis=0)
        _acc_stats(gp_ref, st, i)

    return pl.pallas_call(
        body,
        grid=(nblk,),
        in_specs=[pl.BlockSpec((_BN, din), lambda i: (i, 0))],
        out_specs=[pl.BlockSpec((C, _BN, _LANE), lambda i: (0, i, 0)),
                   pl.BlockSpec((8, din), lambda i: (0, 0))],
        out_shape=[jax.ShapeDtypeStruct((C, npad, _LANE), F32),
                   jax.ShapeDtypeStruct((8, din), F32)],
    )(x)


def _s1(pooled, w1r, b1, n):
    C, _, wc = pooled.shape
    H = w1r.shape[2]
    nblk = n // _BN

    def body(p_ref, w_ref, b_ref, m_ref, st_ref):
        i = pl.program_id(0)
        acc = jnp.zeros((_BN, H), F32)
        for c in range(C):
            acc = acc + jnp.dot(p_ref[c], w_ref[c], preferred_element_type=F32)
        m = acc + b_ref[...]
        m_ref[...] = m
        st = jnp.concatenate(
            [jnp.sum(m, axis=0)[None], jnp.sum(m * m, axis=0)[None],
             jnp.zeros((6, H), F32)], axis=0)
        _acc_stats(st_ref, st, i)

    return pl.pallas_call(
        body,
        grid=(nblk,),
        in_specs=[pl.BlockSpec((C, _BN, wc), lambda i: (0, i, 0)),
                  pl.BlockSpec((C, wc, H), lambda i: (0, 0, 0)),
                  pl.BlockSpec((1, H), lambda i: (0, 0))],
        out_specs=[pl.BlockSpec((_BN, H), lambda i: (i, 0)),
                   pl.BlockSpec((8, H), lambda i: (0, 0))],
        out_shape=[jax.ShapeDtypeStruct((n, H), F32),
                   jax.ShapeDtypeStruct((8, H), F32)],
    )(pooled, w1r, b1)


def _bn_affine(st_ref, g_ref, b_ref, inv_n):
    mean = st_ref[0:1, :] * inv_n
    var = st_ref[1:2, :] * inv_n - mean * mean
    scale = g_ref[...] * lax.rsqrt(var + _EPS)
    shift = b_ref[...] - mean * scale
    return scale, shift


def _s2(m, st, g, b, w2, b2):
    n, H = m.shape
    nblk = n // _BN
    inv_n = 1.0 / n

    def body(m_ref, st_ref, g_ref, b_ref, w_ref, b2_ref, m2_ref, st2_ref):
        i = pl.program_id(0)
        scale, shift = _bn_affine(st_ref, g_ref, b_ref, inv_n)
        t = jnp.maximum(m_ref[...] * scale + shift, 0.0)
        m2 = jnp.dot(t, w_ref[...], preferred_element_type=F32) + b2_ref[...]
        m2_ref[...] = m2
        st = jnp.concatenate(
            [jnp.sum(m2, axis=0)[None], jnp.sum(m2 * m2, axis=0)[None],
             jnp.zeros((6, H), F32)], axis=0)
        _acc_stats(st2_ref, st, i)

    return pl.pallas_call(
        body,
        grid=(nblk,),
        in_specs=[pl.BlockSpec((_BN, H), lambda i: (i, 0)),
                  pl.BlockSpec((8, H), lambda i: (0, 0)),
                  pl.BlockSpec((1, H), lambda i: (0, 0)),
                  pl.BlockSpec((1, H), lambda i: (0, 0)),
                  pl.BlockSpec((H, H), lambda i: (0, 0)),
                  pl.BlockSpec((1, H), lambda i: (0, 0))],
        out_specs=[pl.BlockSpec((_BN, H), lambda i: (i, 0)),
                   pl.BlockSpec((8, H), lambda i: (0, 0))],
        out_shape=[jax.ShapeDtypeStruct((n, H), F32),
                   jax.ShapeDtypeStruct((8, H), F32)],
    )(m, st, g, b, w2, b2)


def _s3(m2, st2, g, b, npad):
    n, H = m2.shape
    C = H // _LANE
    nblk = n // _BN
    inv_n = 1.0 / n

    def body(m2_ref, st_ref, g_ref, b_ref, hc_ref, gp_ref):
        i = pl.program_id(0)
        scale, shift = _bn_affine(st_ref, g_ref, b_ref, inv_n)
        h = jnp.maximum(m2_ref[...] * scale + shift, 0.0)
        for c in range(C):
            hc_ref[c] = h[:, c * _LANE:(c + 1) * _LANE]
        st = jnp.concatenate(
            [jnp.sum(h, axis=0)[None], jnp.zeros((7, H), F32)], axis=0)
        _acc_stats(gp_ref, st, i)

    return pl.pallas_call(
        body,
        grid=(nblk,),
        in_specs=[pl.BlockSpec((_BN, H), lambda i: (i, 0)),
                  pl.BlockSpec((8, H), lambda i: (0, 0)),
                  pl.BlockSpec((1, H), lambda i: (0, 0)),
                  pl.BlockSpec((1, H), lambda i: (0, 0))],
        out_specs=[pl.BlockSpec((C, _BN, _LANE), lambda i: (0, i, 0)),
                   pl.BlockSpec((8, H), lambda i: (0, 0))],
        out_shape=[jax.ShapeDtypeStruct((C, npad, _LANE), F32),
                   jax.ShapeDtypeStruct((8, H), F32)],
    )(m2, st2, g, b)


def _head(gps, ws, bs):
    od = ws[0].shape[1]
    nl = len(ws)

    def body(*refs):
        gp_refs = refs[:nl]
        w_refs = refs[nl:2 * nl]
        b_refs = refs[2 * nl:3 * nl]
        out_ref = refs[3 * nl]
        tot = jnp.zeros((8, od), F32)
        bsum = jnp.zeros((1, od), F32)
        for gp, w, bb in zip(gp_refs, w_refs, b_refs):
            tot = tot + jnp.dot(gp[...], w[...], preferred_element_type=F32)
            bsum = bsum + bb[...]
        rows = lax.broadcasted_iota(jnp.int32, (8, od), 0)
        out_ref[...] = tot + jnp.where(rows == 0, bsum, 0.0)

    specs = ([pl.BlockSpec(g.shape, lambda i: (0, 0)) for g in gps]
             + [pl.BlockSpec(w.shape, lambda i: (0, 0)) for w in ws]
             + [pl.BlockSpec(b.shape, lambda i: (0, 0)) for b in bs])
    return pl.pallas_call(
        body,
        grid=(1,),
        in_specs=specs,
        out_specs=pl.BlockSpec((8, od), lambda i: (0, 0)),
        out_shape=jax.ShapeDtypeStruct((8, od), F32),
    )(*gps, *ws, *bs)


def _agg(hflat, gidx, sidx, C, npad, nb):
    return _make_agg(C, npad, nb)(hflat, gidx, sidx)


def kernel(x, edge_index, batch, params):
    n, din = x.shape
    e = edge_index.shape[1]
    convs = params['convs']
    preds = params['preds']

    nb = -(-e // (_TILES * _KB))
    epad = _TILES * nb * _KB
    npad = _npad(n)
    src = edge_index[0]
    dst = edge_index[1]
    dsta = jnp.concatenate(
        [dst, jnp.zeros((epad - e,), jnp.int32)]).reshape(_TILES, nb, _KB)
    sidx = jnp.concatenate(
        [src, jnp.full((epad - e,), n, jnp.int32)]).reshape(_TILES, nb, _KB)

    def gidx_for(C):
        offs = (jnp.arange(C, dtype=jnp.int32) * npad)[:, None, None, None]
        return dsta[None] + offs

    xc, gp0 = _k0(x, npad)
    gps = [gp0]
    hflat = xc.reshape(-1, _LANE)
    C = din // _LANE
    for cv in convs:
        pooled = _agg(hflat, gidx_for(C), sidx, C, npad, nb)
        hid = cv['W1'].shape[1]
        m, st = _s1(pooled, cv['W1'].reshape(C, _LANE, hid),
                    cv['b1'].reshape(1, -1), n)
        m2, st2 = _s2(m, st, cv['bn1_g'].reshape(1, -1),
                      cv['bn1_b'].reshape(1, -1), cv['W2'],
                      cv['b2'].reshape(1, -1))
        hc, gp = _s3(m2, st2, cv['bn_g'].reshape(1, -1),
                     cv['bn_b'].reshape(1, -1), npad)
        gps.append(gp)
        hflat = hc.reshape(-1, _LANE)
        C = hc.shape[0]

    score8 = _head(gps, [p['W'] for p in preds],
                   [p['b'].reshape(1, -1) for p in preds])
    return score8[0:1]

# --- scband reference (transcript-rebuilt; emitter-appended) ---
"""Pipeline reference for scband-graph-cnn-17695265259558 (READ-ONLY COPY).

The authoritative reference and input builder live on the scoring server;
editing this copy changes nothing except your own understanding.
"""

import jax, jax.numpy as jnp
import numpy as np

N = 10000
E = 160000
IN_DIM = 256
HID = 512
OUT_DIM = 128
NUM_LAYERS = 5


def _bn(h, g, b):
    m = jnp.mean(h, axis=0)
    v = jnp.var(h, axis=0)
    return g * (h - m) / jnp.sqrt(v + 1e-5) + b


def setup_inputs(seed: int = 0) -> dict:
    key = jax.random.key(seed)
    ks = jax.random.split(key, 40)
    x = jax.random.normal(ks[0], (N, IN_DIM), dtype=jnp.float32)
    edge_index = jax.random.randint(ks[1], (2, E), 0, N, dtype=jnp.int32)
    batch = jnp.zeros((N,), dtype=jnp.int32)
    convs = []
    ki = 2
    for l in range(NUM_LAYERS - 1):
        din = IN_DIM if l == 0 else HID
        convs.append({
            'W1': jax.random.normal(ks[ki], (din, HID), dtype=jnp.float32) * (1.0 / np.sqrt(din)),
            'b1': jnp.zeros((HID,), jnp.float32),
            'bn1_g': jnp.ones((HID,), jnp.float32),
            'bn1_b': jnp.zeros((HID,), jnp.float32),
            'W2': jax.random.normal(ks[ki + 1], (HID, HID), dtype=jnp.float32) * (1.0 / np.sqrt(HID)),
            'b2': jnp.zeros((HID,), jnp.float32),
            'bn_g': jnp.ones((HID,), jnp.float32),
            'bn_b': jnp.zeros((HID,), jnp.float32),
        })
        ki += 2
    preds = []
    for l in range(NUM_LAYERS):
        din = IN_DIM if l == 0 else HID
        preds.append({
            'W': jax.random.normal(ks[ki], (din, OUT_DIM), dtype=jnp.float32) * (1.0 / np.sqrt(din)),
            'b': jnp.zeros((OUT_DIM,), jnp.float32),
        })
        ki += 1
    params = {'eps': jnp.zeros((NUM_LAYERS - 1,), jnp.float32), 'convs': convs, 'preds': preds}
    return {'x': x, 'edge_index': edge_index, 'batch': batch, 'params': params}


def _forward(x, params, edge_index, batch):
    # GIN-style forward: learn_eps=False -> Adj block has explicit self-loops,
    # neighbor_pooling_type='sum' -> pooled = Adj @ h = scatter-add over edges + self
    src = edge_index[0]
    dst = edge_index[1]
    hidden_rep = [x]
    h = x
    for l in range(NUM_LAYERS - 1):
        pooled = jax.ops.segment_sum(h[dst], src, num_segments=N) + h
        c = params['convs'][l]
        m = pooled @ c['W1'] + c['b1']
        m = jax.nn.relu(_bn(m, c['bn1_g'], c['bn1_b']))
        m = m @ c['W2'] + c['b2']
        h = jax.nn.relu(_bn(m, c['bn_g'], c['bn_b']))
        hidden_rep.append(h)
    # graph_pooling_type='sum': single graph (batch all zeros) -> segment_sum over nodes
    score = jnp.zeros((1, OUT_DIM), jnp.float32)
    for l, hl in enumerate(hidden_rep):
        gp = jax.ops.segment_sum(hl, batch, num_segments=1)
        p = params['preds'][l]
        score = score + gp @ p['W'] + p['b']
    # final_dropout skipped (eval mode)
    return score


def reference(x, edge_index, batch, params):
    return _forward(x, params, edge_index, batch)

if __name__ == "__main__":
    import jax
    _d = setup_inputs()
    print(jax.jit(kernel)(*tuple(_d.values())))

</pallas_src>

<mosaic_0001>
#map = affine_map<(d0, d1) -> (0, 0)>
#map1 = affine_map<(d0, d1) -> (0, 0, 0, 0)>
#map2 = affine_map<(d0, d1) -> (0, 0, 0)>
module attributes {stable_mosaic.version = 14 : i64} {
  func.func @body(%arg0: i32, %arg1: i32, %arg2: memref<40448x128xf32, #tpu.memory_space<hbm>>, %arg3: memref<4x16x79x128xi32, #tpu.memory_space<hbm>>, %arg4: memref<16x79x128xi32, #tpu.memory_space<hbm>>, %arg5: memref<4x10112x128xf32, #tpu.memory_space<hbm>>, %arg6: memref<79x128xi32, #tpu.memory_space<vmem>>, %arg7: memref<79x128xi32, #tpu.memory_space<vmem>>, %arg8: memref<128x128xf32, #tpu.memory_space<vmem>>, %arg9: memref<10112x128xf32, #tpu.memory_space<vmem_shared>>, %arg10: memref<!tpu.dma_semaphore, #tpu.memory_space<semaphore_mem>>) attributes {dimension_semantics = [#tpu.dimension_semantics<core_parallel>, #tpu.dimension_semantics<subcore_parallel>], iteration_bounds = array<i64: 2, 16>, scalar_prefetch = 0 : i64, scratch_operands = 5 : i64, tpu.core_type = #tpu.core_type<sc_vector_subcore>, window_params = [{transform_indices = #map}, {transform_indices = #map1}, {transform_indices = #map2}, {transform_indices = #map2}]} {
    %mul3A = arith.constant 632 : i32
    %mul3A_0 = arith.muli %arg1, %mul3A : i32
    "tpu.region"() ({
      %run_scoped3A = tpu.sem_alloc : memref<!tpu.dma_semaphore, #tpu.memory_space<semaphore_mem>>
      %dma_start3A = arith.constant 0 : i32
      %dma_start3A_28 = arith.constant 0 : i32
      %dma_start3A_29 = tpu.memref_slice %arg4[%arg1, %dma_start3A, %dma_start3A_28] : memref<16x79x128xi32, #tpu.memory_space<hbm>> -> memref<1x79x128xi32, #tpu.memory_space<hbm>>
      %dma_start3A_30 = tpu.memref_squeeze %dma_start3A_29 : memref<1x79x128xi32, #tpu.memory_space<hbm>> -> memref<79x128xi32, #tpu.memory_space<hbm>>
      %dma_start3A_31 = arith.constant 0 : i32
      %dma_start3A_32 = arith.constant 0 : i32
      %dma_start3A_33 = tpu.memref_slice %arg4[%arg1, %dma_start3A_31, %dma_start3A_32] : memref<16x79x128xi32, #tpu.memory_space<hbm>> -> memref<1x79x128xi32, #tpu.memory_space<hbm>>
      %dma_start3A_34 = tpu.memref_squeeze %dma_start3A_33 : memref<1x79x128xi32, #tpu.memory_space<hbm>> -> memref<79x128xi32, #tpu.memory_space<hbm>>
      tpu.enqueue_dma source(%dma_start3A_34 : memref<79x128xi32, #tpu.memory_space<hbm>>) target(%arg7 : memref<79x128xi32, #tpu.memory_space<vmem>>) target_semaphore(%run_scoped3A : memref<!tpu.dma_semaphore, #tpu.memory_space<semaphore_mem>>)
      %dma_wait3A = arith.constant 0 : i32
      %dma_wait3A_35 = arith.constant 0 : i32
      %dma_wait3A_36 = tpu.memref_slice %arg4[%arg1, %dma_wait3A, %dma_wait3A_35] : memref<16x79x128xi32, #tpu.memory_space<hbm>> -> memref<1x79x128xi32, #tpu.memory_space<hbm>>
      %dma_wait3A_37 = tpu.memref_squeeze %dma_wait3A_36 : memref<1x79x128xi32, #tpu.memory_space<hbm>> -> memref<79x128xi32, #tpu.memory_space<hbm>>
      %dma_wait3A_38 = arith.constant 0 : i32
      %dma_wait3A_39 = arith.constant 0 : i32
      %dma_wait3A_40 = tpu.memref_slice %arg4[%arg1, %dma_wait3A_38, %dma_wait3A_39] : memref<16x79x128xi32, #tpu.memory_space<hbm>> -> memref<1x79x128xi32, #tpu.memory_space<hbm>>
      %dma_wait3A_41 = tpu.memref_squeeze %dma_wait3A_40 : memref<1x79x128xi32, #tpu.memory_space<hbm>> -> memref<79x128xi32, #tpu.memory_space<hbm>>
      tpu.wait_dma2 semaphore(%run_scoped3A : memref<!tpu.dma_semaphore, #tpu.memory_space<semaphore_mem>>) src(%dma_wait3A_41 : memref<79x128xi32, #tpu.memory_space<hbm>>) dst(%arg7 : memref<79x128xi32, #tpu.memory_space<vmem>>)
      tpu.yield
    }) : () -> ()
    %mul3A_1 = arith.constant 2 : i32
    %mul3A_2 = arith.muli %arg0, %mul3A_1 : i32
    %add3A = arith.constant 0 : i32
    %add3A_3 = arith.addi %mul3A_2, %add3A : i32
    %mul3A_4 = arith.constant 10112 : i32
    %mul3A_5 = arith.muli %add3A_3, %mul3A_4 : i32
    %add3A_6 = arith.addi %mul3A_5, %mul3A_0 : i32
    "tpu.region"() ({
      %run_scoped3A = tpu.sem_alloc : memref<!tpu.dma_semaphore, #tpu.memory_space<semaphore_mem>>
      %dma_start3A = arith.constant 0 : i32
      %dma_start3A_28 = tpu.memref_slice %arg9[%mul3A_0, %dma_start3A] : memref<10112x128xf32, #tpu.memory_space<vmem_shared>> -> memref<632x128xf32, #tpu.memory_space<vmem_shared>>
      %dma_start3A_29 = arith.constant 0 : i32
      %dma_start3A_30 = tpu.memref_slice %arg2[%add3A_6, %dma_start3A_29] : memref<40448x128xf32, #tpu.memory_space<hbm>> -> memref<632x128xf32, #tpu.memory_space<hbm>>
      tpu.enqueue_dma source(%dma_start3A_30 : memref<632x128xf32, #tpu.memory_space<hbm>>) target(%dma_start3A_28 : memref<632x128xf32, #tpu.memory_space<vmem_shared>>) target_semaphore(%run_scoped3A : memref<!tpu.dma_semaphore, #tpu.memory_space<semaphore_mem>>)
      %dma_wait3A = arith.constant 0 : i32
      %dma_wait3A_31 = tpu.memref_slice %arg9[%mul3A_0, %dma_wait3A] : memref<10112x128xf32, #tpu.memory_space<vmem_shared>> -> memref<632x128xf32, #tpu.memory_space<vmem_shared>>
      %dma_wait3A_32 = arith.constant 0 : i32
      %dma_wait3A_33 = tpu.memref_slice %arg2[%add3A_6, %dma_wait3A_32] : memref<40448x128xf32, #tpu.memory_space<hbm>> -> memref<632x128xf32, #tpu.memory_space<hbm>>
      tpu.wait_dma2 semaphore(%run_scoped3A : memref<!tpu.dma_semaphore, #tpu.memory_space<semaphore_mem>>) src(%dma_wait3A_33 : memref<632x128xf32, #tpu.memory_space<hbm>>) dst(%dma_wait3A_31 : memref<632x128xf32, #tpu.memory_space<vmem_shared>>)
      tpu.yield
    }) : () -> ()
    "tpu.region"() ({
      %run_scoped3A = tpu.sem_alloc : memref<!tpu.dma_semaphore, #tpu.memory_space<semaphore_mem>>
      %dma_start3A = arith.constant 0 : i32
      %dma_start3A_28 = arith.constant 0 : i32
      %dma_start3A_29 = tpu.memref_slice %arg3[%add3A_3, %arg1, %dma_start3A, %dma_start3A_28] : memref<4x16x79x128xi32, #tpu.memory_space<hbm>> -> memref<1x1x79x128xi32, #tpu.memory_space<hbm>>
      %dma_start3A_30 = tpu.memref_squeeze %dma_start3A_29 : memref<1x1x79x128xi32, #tpu.memory_space<hbm>> -> memref<79x128xi32, #tpu.memory_space<hbm>>
      %dma_start3A_31 = arith.constant 0 : i32
      %dma_start3A_32 = arith.constant 0 : i32
      %dma_start3A_33 = tpu.memref_slice %arg3[%add3A_3, %arg1, %dma_start3A_31, %dma_start3A_32] : memref<4x16x79x128xi32, #tpu.memory_space<hbm>> -> memref<1x1x79x128xi32, #tpu.memory_space<hbm>>
      %dma_start3A_34 = tpu.memref_squeeze %dma_start3A_33 : memref<1x1x79x128xi32, #tpu.memory_space<hbm>> -> memref<79x128xi32, #tpu.memory_space<hbm>>
      tpu.enqueue_dma source(%dma_start3A_34 : memref<79x128xi32, #tpu.memory_space<hbm>>) target(%arg6 : memref<79x128xi32, #tpu.memory_space<vmem>>) target_semaphore(%run_scoped3A : memref<!tpu.dma_semaphore, #tpu.memory_space<semaphore_mem>>)
      %dma_wait3A = arith.constant 0 : i32
      %dma_wait3A_35 = arith.constant 0 : i32
      %dma_wait3A_36 = tpu.memref_slice %arg3[%add3A_3, %arg1, %dma_wait3A, %dma_wait3A_35] : memref<4x16x79x128xi32, #tpu.memory_space<hbm>> -> memref<1x1x79x128xi32, #tpu.memory_space<hbm>>
      %dma_wait3A_37 = tpu.memref_squeeze %dma_wait3A_36 : memref<1x1x79x128xi32, #tpu.memory_space<hbm>> -> memref<79x128xi32, #tpu.memory_space<hbm>>
      %dma_wait3A_38 = arith.constant 0 : i32
      %dma_wait3A_39 = arith.constant 0 : i32
      %dma_wait3A_40 = tpu.memref_slice %arg3[%add3A_3, %arg1, %dma_wait3A_38, %dma_wait3A_39] : memref<4x16x79x128xi32, #tpu.memory_space<hbm>> -> memref<1x1x79x128xi32, #tpu.memory_space<hbm>>
      %dma_wait3A_41 = tpu.memref_squeeze %dma_wait3A_40 : memref<1x1x79x128xi32, #tpu.memory_space<hbm>> -> memref<79x128xi32, #tpu.memory_space<hbm>>
      tpu.wait_dma2 semaphore(%run_scoped3A : memref<!tpu.dma_semaphore, #tpu.memory_space<semaphore_mem>>) src(%dma_wait3A_41 : memref<79x128xi32, #tpu.memory_space<hbm>>) dst(%arg6 : memref<79x128xi32, #tpu.memory_space<vmem>>)
      tpu.yield
    }) : () -> ()
    %barrier3A = arith.constant 0 : index
    tpu.barrier barrier_id(%barrier3A)
    %scan3A = arith.constant 0 : i32
    %scan3A_7 = arith.constant 79 : i32
    %scan3A_8 = arith.addi %scan3A, %scan3A_7 : i32
    %scan3A_9 = arith.constant 1 : i32
    scf.for %scan3A_28 = %scan3A to %scan3A_8 step %scan3A_9  : i32 {
      %mul3A_29 = arith.constant 1 : i32
      %mul3A_30 = arith.muli %scan3A_28, %mul3A_29 : i32
      %add3A_31 = arith.constant 0 : i32
      %add3A_32 = arith.addi %add3A_31, %mul3A_30 : i32
      %dma_start3A = arith.constant 0 : i32
      %dma_start3A_33 = tpu.memref_slice %arg6[%add3A_32, %dma_start3A] : memref<79x128xi32, #tpu.memory_space<vmem>> -> memref<1x128xi32, #tpu.memory_space<vmem>>
      %dma_start3A_34 = tpu.memref_squeeze %dma_start3A_33 : memref<1x128xi32, #tpu.memory_space<vmem>> -> memref<128xi32, #tpu.memory_space<vmem>>
      %dma_start3A_35 = arith.constant 0 : i32
      %dma_start3A_36 = arith.constant 0 : i32
      %dma_start3A_37 = tpu.memref_slice %arg2[%dma_start3A_35, %dma_start3A_36] : memref<40448x128xf32, #tpu.memory_space<hbm>> -> memref<40448x128xf32, #tpu.memory_space<hbm>>
      tpu.enqueue_indirect_dma source(%dma_start3A_37 : memref<40448x128xf32, #tpu.memory_space<hbm>>) target(%arg8 : memref<128x128xf32, #tpu.memory_space<vmem>>) offsets(%dma_start3A_34 : memref<128xi32, #tpu.memory_space<vmem>>) semaphore(%arg10 : memref<!tpu.dma_semaphore, #tpu.memory_space<semaphore_mem>>)
      %dma_wait3A = arith.constant 0 : i32
      %dma_wait3A_38 = tpu.memref_slice %arg6[%add3A_32, %dma_wait3A] : memref<79x128xi32, #tpu.memory_space<vmem>> -> memref<1x128xi32, #tpu.memory_space<vmem>>
      %dma_wait3A_39 = tpu.memref_squeeze %dma_wait3A_38 : memref<1x128xi32, #tpu.memory_space<vmem>> -> memref<128xi32, #tpu.memory_space<vmem>>
      %dma_wait3A_40 = arith.constant 0 : i32
      %dma_wait3A_41 = arith.constant 0 : i32
      %dma_wait3A_42 = tpu.memref_slice %arg2[%dma_wait3A_40, %dma_wait3A_41] : memref<40448x128xf32, #tpu.memory_space<hbm>> -> memref<40448x128xf32, #tpu.memory_space<hbm>>
      tpu.wait_indirect_dma semaphore(%arg10 : memref<!tpu.dma_semaphore, #tpu.memory_space<semaphore_mem>>) src(%dma_wait3A_42 : memref<40448x128xf32, #tpu.memory_space<hbm>>) dst(%arg8 : memref<128x128xf32, #tpu.memory_space<vmem>>)
      "tpu.region"() ({
        %run_scoped3A = tpu.sem_alloc : memref<!tpu.dma_semaphore, #tpu.memory_space<semaphore_mem>>
        %dma_start3A_43 = arith.constant 0 : i32
        %dma_start3A_44 = tpu.memref_slice %arg7[%add3A_32, %dma_start3A_43] : memref<79x128xi32, #tpu.memory_space<vmem>> -> memref<1x128xi32, #tpu.memory_space<vmem>>
        %dma_start3A_45 = tpu.memref_squeeze %dma_start3A_44 : memref<1x128xi32, #tpu.memory_space<vmem>> -> memref<128xi32, #tpu.memory_space<vmem>>
        %dma_start3A_46 = arith.constant 0 : i32
        %dma_start3A_47 = arith.constant 0 : i32
        %dma_start3A_48 = tpu.memref_slice %arg9[%dma_start3A_46, %dma_start3A_47] : memref<10112x128xf32, #tpu.memory_space<vmem_shared>> -> memref<10112x128xf32, #tpu.memory_space<vmem_shared>>
        tpu.enqueue_indirect_dma source(%arg8 : memref<128x128xf32, #tpu.memory_space<vmem>>) target(%dma_start3A_48 : memref<10112x128xf32, #tpu.memory_space<vmem_shared>>) offsets(%dma_start3A_45 : memref<128xi32, #tpu.memory_space<vmem>>) semaphore(%run_scoped3A : memref<!tpu.dma_semaphore, #tpu.memory_space<semaphore_mem>>) {add = true}
        %dma_wait3A_49 = arith.constant 0 : i32
        %dma_wait3A_50 = tpu.memref_slice %arg7[%add3A_32, %dma_wait3A_49] : memref<79x128xi32, #tpu.memory_space<vmem>> -> memref<1x128xi32, #tpu.memory_space<vmem>>
        %dma_wait3A_51 = tpu.memref_squeeze %dma_wait3A_50 : memref<1x128xi32, #tpu.memory_space<vmem>> -> memref<128xi32, #tpu.memory_space<vmem>>
        %dma_wait3A_52 = arith.constant 0 : i32
        %dma_wait3A_53 = arith.constant 0 : i32
        %dma_wait3A_54 = tpu.memref_slice %arg9[%dma_wait3A_52, %dma_wait3A_53] : memref<10112x128xf32, #tpu.memory_space<vmem_shared>> -> memref<10112x128xf32, #tpu.memory_space<vmem_shared>>
        tpu.wait_indirect_dma semaphore(%run_scoped3A : memref<!tpu.dma_semaphore, #tpu.memory_space<semaphore_mem>>) src(%arg8 : memref<128x128xf32, #tpu.memory_space<vmem>>) dst(%dma_wait3A_54 : memref<10112x128xf32, #tpu.memory_space<vmem_shared>>)
        tpu.yield
      }) : () -> ()
    }
    %scan3A_10 = arith.constant 79 : i32
    %barrier3A_11 = arith.constant 0 : index
    tpu.barrier barrier_id(%barrier3A_11)
    "tpu.region"() ({
      %run_scoped3A = tpu.sem_alloc : memref<!tpu.dma_semaphore, #tpu.memory_space<semaphore_mem>>
      %dma_start3A = arith.constant 0 : i32
      %dma_start3A_28 = tpu.memref_slice %arg5[%add3A_3, %mul3A_0, %dma_start3A] : memref<4x10112x128xf32, #tpu.memory_space<hbm>> -> memref<1x632x128xf32, #tpu.memory_space<hbm>>
      %dma_start3A_29 = tpu.memref_squeeze %dma_start3A_28 : memref<1x632x128xf32, #tpu.memory_space<hbm>> -> memref<632x128xf32, #tpu.memory_space<hbm>>
      %dma_start3A_30 = arith.constant 0 : i32
      %dma_start3A_31 = tpu.memref_slice %arg9[%mul3A_0, %dma_start3A_30] : memref<10112x128xf32, #tpu.memory_space<vmem_shared>> -> memref<632x128xf32, #tpu.memory_space<vmem_shared>>
      tpu.enqueue_dma source(%dma_start3A_31 : memref<632x128xf32, #tpu.memory_space<vmem_shared>>) target(%dma_start3A_29 : memref<632x128xf32, #tpu.memory_space<hbm>>) target_semaphore(%run_scoped3A : memref<!tpu.dma_semaphore, #tpu.memory_space<semaphore_mem>>)
      %dma_wait3A = arith.constant 0 : i32
      %dma_wait3A_32 = tpu.memref_slice %arg5[%add3A_3, %mul3A_0, %dma_wait3A] : memref<4x10112x128xf32, #tpu.memory_space<hbm>> -> memref<1x632x128xf32, #tpu.memory_space<hbm>>
      %dma_wait3A_33 = tpu.memref_squeeze %dma_wait3A_32 : memref<1x632x128xf32, #tpu.memory_space<hbm>> -> memref<632x128xf32, #tpu.memory_space<hbm>>
      %dma_wait3A_34 = arith.constant 0 : i32
      %dma_wait3A_35 = tpu.memref_slice %arg9[%mul3A_0, %dma_wait3A_34] : memref<10112x128xf32, #tpu.memory_space<vmem_shared>> -> memref<632x128xf32, #tpu.memory_space<vmem_shared>>
      tpu.wait_dma2 semaphore(%run_scoped3A : memref<!tpu.dma_semaphore, #tpu.memory_space<semaphore_mem>>) src(%dma_wait3A_35 : memref<632x128xf32, #tpu.memory_space<vmem_shared>>) dst(%dma_wait3A_33 : memref<632x128xf32, #tpu.memory_space<hbm>>)
      tpu.yield
    }) : () -> ()
    %barrier3A_12 = arith.constant 0 : index
    tpu.barrier barrier_id(%barrier3A_12)
    %mul3A_13 = arith.constant 2 : i32
    %mul3A_14 = arith.muli %arg0, %mul3A_13 : i32
    %add3A_15 = arith.constant 1 : i32
    %add3A_16 = arith.addi %mul3A_14, %add3A_15 : i32
    %mul3A_17 = arith.constant 10112 : i32
    %mul3A_18 = arith.muli %add3A_16, %mul3A_17 : i32
    %add3A_19 = arith.addi %mul3A_18, %mul3A_0 : i32
    "tpu.region"() ({
      %run_scoped3A = tpu.sem_alloc : memref<!tpu.dma_semaphore, #tpu.memory_space<semaphore_mem>>
      %dma_start3A = arith.constant 0 : i32
      %dma_start3A_28 = tpu.memref_slice %arg9[%mul3A_0, %dma_start3A] : memref<10112x128xf32, #tpu.memory_space<vmem_shared>> -> memref<632x128xf32, #tpu.memory_space<vmem_shared>>
      %dma_start3A_29 = arith.constant 0 : i32
      %dma_start3A_30 = tpu.memref_slice %arg2[%add3A_19, %dma_start3A_29] : memref<40448x128xf32, #tpu.memory_space<hbm>> -> memref<632x128xf32, #tpu.memory_space<hbm>>
      tpu.enqueue_dma source(%dma_start3A_30 : memref<632x128xf32, #tpu.memory_space<hbm>>) target(%dma_start3A_28 : memref<632x128xf32, #tpu.memory_space<vmem_shared>>) target_semaphore(%run_scoped3A : memref<!tpu.dma_semaphore, #tpu.memory_space<semaphore_mem>>)
      %dma_wait3A = arith.constant 0 : i32
      %dma_wait3A_31 = tpu.memref_slice %arg9[%mul3A_0, %dma_wait3A] : memref<10112x128xf32, #tpu.memory_space<vmem_shared>> -> memref<632x128xf32, #tpu.memory_space<vmem_shared>>
      %dma_wait3A_32 = arith.constant 0 : i32
      %dma_wait3A_33 = tpu.memref_slice %arg2[%add3A_19, %dma_wait3A_32] : memref<40448x128xf32, #tpu.memory_space<hbm>> -> memref<632x128xf32, #tpu.memory_space<hbm>>
      tpu.wait_dma2 semaphore(%run_scoped3A : memref<!tpu.dma_semaphore, #tpu.memory_space<semaphore_mem>>) src(%dma_wait3A_33 : memref<632x128xf32, #tpu.memory_space<hbm>>) dst(%dma_wait3A_31 : memref<632x128xf32, #tpu.memory_space<vmem_shared>>)
      tpu.yield
    }) : () -> ()
    "tpu.region"() ({
      %run_scoped3A = tpu.sem_alloc : memref<!tpu.dma_semaphore, #tpu.memory_space<semaphore_mem>>
      %dma_start3A = arith.constant 0 : i32
      %dma_start3A_28 = arith.constant 0 : i32
      %dma_start3A_29 = tpu.memref_slice %arg3[%add3A_16, %arg1, %dma_start3A, %dma_start3A_28] : memref<4x16x79x128xi32, #tpu.memory_space<hbm>> -> memref<1x1x79x128xi32, #tpu.memory_space<hbm>>
      %dma_start3A_30 = tpu.memref_squeeze %dma_start3A_29 : memref<1x1x79x128xi32, #tpu.memory_space<hbm>> -> memref<79x128xi32, #tpu.memory_space<hbm>>
      %dma_start3A_31 = arith.constant 0 : i32
      %dma_start3A_32 = arith.constant 0 : i32
      %dma_start3A_33 = tpu.memref_slice %arg3[%add3A_16, %arg1, %dma_start3A_31, %dma_start3A_32] : memref<4x16x79x128xi32, #tpu.memory_space<hbm>> -> memref<1x1x79x128xi32, #tpu.memory_space<hbm>>
      %dma_start3A_34 = tpu.memref_squeeze %dma_start3A_33 : memref<1x1x79x128xi32, #tpu.memory_space<hbm>> -> memref<79x128xi32, #tpu.memory_space<hbm>>
      tpu.enqueue_dma source(%dma_start3A_34 : memref<79x128xi32, #tpu.memory_space<hbm>>) target(%arg6 : memref<79x128xi32, #tpu.memory_space<vmem>>) target_semaphore(%run_scoped3A : memref<!tpu.dma_semaphore, #tpu.memory_space<semaphore_mem>>)
      %dma_wait3A = arith.constant 0 : i32
      %dma_wait3A_35 = arith.constant 0 : i32
      %dma_wait3A_36 = tpu.memref_slice %arg3[%add3A_16, %arg1, %dma_wait3A, %dma_wait3A_35] : memref<4x16x79x128xi32, #tpu.memory_space<hbm>> -> memref<1x1x79x128xi32, #tpu.memory_space<hbm>>
      %dma_wait3A_37 = tpu.memref_squeeze %dma_wait3A_36 : memref<1x1x79x128xi32, #tpu.memory_space<hbm>> -> memref<79x128xi32, #tpu.memory_space<hbm>>
      %dma_wait3A_38 = arith.constant 0 : i32
      %dma_wait3A_39 = arith.constant 0 : i32
      %dma_wait3A_40 = tpu.memref_slice %arg3[%add3A_16, %arg1, %dma_wait3A_38, %dma_wait3A_39] : memref<4x16x79x128xi32, #tpu.memory_space<hbm>> -> memref<1x1x79x128xi32, #tpu.memory_space<hbm>>
      %dma_wait3A_41 = tpu.memref_squeeze %dma_wait3A_40 : memref<1x1x79x128xi32, #tpu.memory_space<hbm>> -> memref<79x128xi32, #tpu.memory_space<hbm>>
      tpu.wait_dma2 semaphore(%run_scoped3A : memref<!tpu.dma_semaphore, #tpu.memory_space<semaphore_mem>>) src(%dma_wait3A_41 : memref<79x128xi32, #tpu.memory_space<hbm>>) dst(%arg6 : memref<79x128xi32, #tpu.memory_space<vmem>>)
      tpu.yield
    }) : () -> ()
    %barrier3A_20 = arith.constant 0 : index
    tpu.barrier barrier_id(%barrier3A_20)
    %scan3A_21 = arith.constant 0 : i32
    %scan3A_22 = arith.constant 79 : i32
    %scan3A_23 = arith.addi %scan3A_21, %scan3A_22 : i32
    %scan3A_24 = arith.constant 1 : i32
    scf.for %scan3A_28 = %scan3A_21 to %scan3A_23 step %scan3A_24  : i32 {
      %mul3A_29 = arith.constant 1 : i32
      %mul3A_30 = arith.muli %scan3A_28, %mul3A_29 : i32
      %add3A_31 = arith.constant 0 : i32
      %add3A_32 = arith.addi %add3A_31, %mul3A_30 : i32
      %dma_start3A = arith.constant 0 : i32
      %dma_start3A_33 = tpu.memref_slice %arg6[%add3A_32, %dma_start3A] : memref<79x128xi32, #tpu.memory_space<vmem>> -> memref<1x128xi32, #tpu.memory_space<vmem>>
      %dma_start3A_34 = tpu.memref_squeeze %dma_start3A_33 : memref<1x128xi32, #tpu.memory_space<vmem>> -> memref<128xi32, #tpu.memory_space<vmem>>
      %dma_start3A_35 = arith.constant 0 : i32
      %dma_start3A_36 = arith.constant 0 : i32
      %dma_start3A_37 = tpu.memref_slice %arg2[%dma_start3A_35, %dma_start3A_36] : memref<40448x128xf32, #tpu.memory_space<hbm>> -> memref<40448x128xf32, #tpu.memory_space<hbm>>
      tpu.enqueue_indirect_dma source(%dma_start3A_37 : memref<40448x128xf32, #tpu.memory_space<hbm>>) target(%arg8 : memref<128x128xf32, #tpu.memory_space<vmem>>) offsets(%dma_start3A_34 : memref<128xi32, #tpu.memory_space<vmem>>) semaphore(%arg10 : memref<!tpu.dma_semaphore, #tpu.memory_space<semaphore_mem>>)
      %dma_wait3A = arith.constant 0 : i32
      %dma_wait3A_38 = tpu.memref_slice %arg6[%add3A_32, %dma_wait3A] : memref<79x128xi32, #tpu.memory_space<vmem>> -> memref<1x128xi32, #tpu.memory_space<vmem>>
      %dma_wait3A_39 = tpu.memref_squeeze %dma_wait3A_38 : memref<1x128xi32, #tpu.memory_space<vmem>> -> memref<128xi32, #tpu.memory_space<vmem>>
      %dma_wait3A_40 = arith.constant 0 : i32
      %dma_wait3A_41 = arith.constant 0 : i32
      %dma_wait3A_42 = tpu.memref_slice %arg2[%dma_wait3A_40, %dma_wait3A_41] : memref<40448x128xf32, #tpu.memory_space<hbm>> -> memref<40448x128xf32, #tpu.memory_space<hbm>>
      tpu.wait_indirect_dma semaphore(%arg10 : memref<!tpu.dma_semaphore, #tpu.memory_space<semaphore_mem>>) src(%dma_wait3A_42 : memref<40448x128xf32, #tpu.memory_space<hbm>>) dst(%arg8 : memref<128x128xf32, #tpu.memory_space<vmem>>)
      "tpu.region"() ({
        %run_scoped3A = tpu.sem_alloc : memref<!tpu.dma_semaphore, #tpu.memory_space<semaphore_mem>>
        %dma_start3A_43 = arith.constant 0 : i32
        %dma_start3A_44 = tpu.memref_slice %arg7[%add3A_32, %dma_start3A_43] : memref<79x128xi32, #tpu.memory_space<vmem>> -> memref<1x128xi32, #tpu.memory_space<vmem>>
        %dma_start3A_45 = tpu.memref_squeeze %dma_start3A_44 : memref<1x128xi32, #tpu.memory_space<vmem>> -> memref<128xi32, #tpu.memory_space<vmem>>
        %dma_start3A_46 = arith.constant 0 : i32
        %dma_start3A_47 = arith.constant 0 : i32
        %dma_start3A_48 = tpu.memref_slice %arg9[%dma_start3A_46, %dma_start3A_47] : memref<10112x128xf32, #tpu.memory_space<vmem_shared>> -> memref<10112x128xf32, #tpu.memory_space<vmem_shared>>
        tpu.enqueue_indirect_dma source(%arg8 : memref<128x128xf32, #tpu.memory_space<vmem>>) target(%dma_start3A_48 : memref<10112x128xf32, #tpu.memory_space<vmem_shared>>) offsets(%dma_start3A_45 : memref<128xi32, #tpu.memory_space<vmem>>) semaphore(%run_scoped3A : memref<!tpu.dma_semaphore, #tpu.memory_space<semaphore_mem>>) {add = true}
        %dma_wait3A_49 = arith.constant 0 : i32
        %dma_wait3A_50 = tpu.memref_slice %arg7[%add3A_32, %dma_wait3A_49] : memref<79x128xi32, #tpu.memory_space<vmem>> -> memref<1x128xi32, #tpu.memory_space<vmem>>
        %dma_wait3A_51 = tpu.memref_squeeze %dma_wait3A_50 : memref<1x128xi32, #tpu.memory_space<vmem>> -> memref<128xi32, #tpu.memory_space<vmem>>
        %dma_wait3A_52 = arith.constant 0 : i32
        %dma_wait3A_53 = arith.constant 0 : i32
        %dma_wait3A_54 = tpu.memref_slice %arg9[%dma_wait3A_52, %dma_wait3A_53] : memref<10112x128xf32, #tpu.memory_space<vmem_shared>> -> memref<10112x128xf32, #tpu.memory_space<vmem_shared>>
        tpu.wait_indirect_dma semaphore(%run_scoped3A : memref<!tpu.dma_semaphore, #tpu.memory_space<semaphore_mem>>) src(%arg8 : memref<128x128xf32, #tpu.memory_space<vmem>>) dst(%dma_wait3A_54 : memref<10112x128xf32, #tpu.memory_space<vmem_shared>>)
        tpu.yield
      }) : () -> ()
    }
    %scan3A_25 = arith.constant 79 : i32
    %barrier3A_26 = arith.constant 0 : index
    tpu.barrier barrier_id(%barrier3A_26)
    "tpu.region"() ({
      %run_scoped3A = tpu.sem_alloc : memref<!tpu.dma_semaphore, #tpu.memory_space<semaphore_mem>>
      %dma_start3A = arith.constant 0 : i32
      %dma_start3A_28 = tpu.memref_slice %arg5[%add3A_16, %mul3A_0, %dma_start3A] : memref<4x10112x128xf32, #tpu.memory_space<hbm>> -> memref<1x632x128xf32, #tpu.memory_space<hbm>>
      %dma_start3A_29 = tpu.memref_squeeze %dma_start3A_28 : memref<1x632x128xf32, #tpu.memory_space<hbm>> -> memref<632x128xf32, #tpu.memory_space<hbm>>
      %dma_start3A_30 = arith.constant 0 : i32
      %dma_start3A_31 = tpu.memref_slice %arg9[%mul3A_0, %dma_start3A_30] : memref<10112x128xf32, #tpu.memory_space<vmem_shared>> -> memref<632x128xf32, #tpu.memory_space<vmem_shared>>
      tpu.enqueue_dma source(%dma_start3A_31 : memref<632x128xf32, #tpu.memory_space<vmem_shared>>) target(%dma_start3A_29 : memref<632x128xf32, #tpu.memory_space<hbm>>) target_semaphore(%run_scoped3A : memref<!tpu.dma_semaphore, #tpu.memory_space<semaphore_mem>>)
      %dma_wait3A = arith.constant 0 : i32
      %dma_wait3A_32 = tpu.memref_slice %arg5[%add3A_16, %mul3A_0, %dma_wait3A] : memref<4x10112x128xf32, #tpu.memory_space<hbm>> -> memref<1x632x128xf32, #tpu.memory_space<hbm>>
      %dma_wait3A_33 = tpu.memref_squeeze %dma_wait3A_32 : memref<1x632x128xf32, #tpu.memory_space<hbm>> -> memref<632x128xf32, #tpu.memory_space<hbm>>
      %dma_wait3A_34 = arith.constant 0 : i32
      %dma_wait3A_35 = tpu.memref_slice %arg9[%mul3A_0, %dma_wait3A_34] : memref<10112x128xf32, #tpu.memory_space<vmem_shared>> -> memref<632x128xf32, #tpu.memory_space<vmem_shared>>
      tpu.wait_dma2 semaphore(%run_scoped3A : memref<!tpu.dma_semaphore, #tpu.memory_space<semaphore_mem>>) src(%dma_wait3A_35 : memref<632x128xf32, #tpu.memory_space<vmem_shared>>) dst(%dma_wait3A_33 : memref<632x128xf32, #tpu.memory_space<hbm>>)
      tpu.yield
    }) : () -> ()
    %barrier3A_27 = arith.constant 0 : index
    tpu.barrier barrier_id(%barrier3A_27)
    return
  }
}

#map = affine_map<(d0, d1) -> (0, 0)>
#map1 = affine_map<(d0, d1) -> (0, 0, 0, 0)>
#map2 = affine_map<(d0, d1) -> (0, 0, 0)>
module attributes {stable_mosaic.version = 14 : i64} {
  func.func @body(%arg0: i32, %arg1: i32, %arg2: memref<20224x128xf32, #tpu.memory_space<hbm>>, %arg3: memref<2x16x79x128xi32, #tpu.memory_space<hbm>>, %arg4: memref<16x79x128xi32, #tpu.memory_space<hbm>>, %arg5: memref<2x10112x128xf32, #tpu.memory_space<hbm>>, %arg6: memref<79x128xi32, #tpu.memory_space<vmem>>, %arg7: memref<79x128xi32, #tpu.memory_space<vmem>>, %arg8: memref<128x128xf32, #tpu.memory_space<vmem>>, %arg9: memref<10112x128xf32, #tpu.memory_space<vmem_shared>>, %arg10: memref<!tpu.dma_semaphore, #tpu.memory_space<semaphore_mem>>) attributes {dimension_semantics = [#tpu.dimension_semantics<core_parallel>, #tpu.dimension_semantics<subcore_parallel>], iteration_bounds = array<i64: 2, 16>, scalar_prefetch = 0 : i64, scratch_operands = 5 : i64, tpu.core_type = #tpu.core_type<sc_vector_subcore>, window_params = [{transform_indices = #map}, {transform_indices = #map1}, {transform_indices = #map2}, {transform_indices = #map2}]} {
    %mul3A = arith.constant 632 : i32
    %mul3A_0 = arith.muli %arg1, %mul3A : i32
    "tpu.region"() ({
      %run_scoped3A = tpu.sem_alloc : memref<!tpu.dma_semaphore, #tpu.memory_space<semaphore_mem>>
      %dma_start3A = arith.constant 0 : i32
      %dma_start3A_13 = arith.constant 0 : i32
      %dma_start3A_14 = tpu.memref_slice %arg4[%arg1, %dma_start3A, %dma_start3A_13] : memref<16x79x128xi32, #tpu.memory_space<hbm>> -> memref<1x79x128xi32, #tpu.memory_space<hbm>>
      %dma_start3A_15 = tpu.memref_squeeze %dma_start3A_14 : memref<1x79x128xi32, #tpu.memory_space<hbm>> -> memref<79x128xi32, #tpu.memory_space<hbm>>
      %dma_start3A_16 = arith.constant 0 : i32
      %dma_start3A_17 = arith.constant 0 : i32
      %dma_start3A_18 = tpu.memref_slice %arg4[%arg1, %dma_start3A_16, %dma_start3A_17] : memref<16x79x128xi32, #tpu.memory_space<hbm>> -> memref<1x79x128xi32, #tpu.memory_space<hbm>>
      %dma_start3A_19 = tpu.memref_squeeze %dma_start3A_18 : memref<1x79x128xi32, #tpu.memory_space<hbm>> -> memref<79x128xi32, #tpu.memory_space<hbm>>
      tpu.enqueue_dma source(%dma_start3A_19 : memref<79x128xi32, #tpu.memory_space<hbm>>) target(%arg7 : memref<79x128xi32, #tpu.memory_space<vmem>>) target_semaphore(%run_scoped3A : memref<!tpu.dma_semaphore, #tpu.memory_space<semaphore_mem>>)
      %dma_wait3A = arith.constant 0 : i32
      %dma_wait3A_20 = arith.constant 0 : i32
      %dma_wait3A_21 = tpu.memref_slice %arg4[%arg1, %dma_wait3A, %dma_wait3A_20] : memref<16x79x128xi32, #tpu.memory_space<hbm>> -> memref<1x79x128xi32, #tpu.memory_space<hbm>>
      %dma_wait3A_22 = tpu.memref_squeeze %dma_wait3A_21 : memref<1x79x128xi32, #tpu.memory_space<hbm>> -> memref<79x128xi32, #tpu.memory_space<hbm>>
      %dma_wait3A_23 = arith.constant 0 : i32
      %dma_wait3A_24 = arith.constant 0 : i32
      %dma_wait3A_25 = tpu.memref_slice %arg4[%arg1, %dma_wait3A_23, %dma_wait3A_24] : memref<16x79x128xi32, #tpu.memory_space<hbm>> -> memref<1x79x128xi32, #tpu.memory_space<hbm>>
      %dma_wait3A_26 = tpu.memref_squeeze %dma_wait3A_25 : memref<1x79x128xi32, #tpu.memory_space<hbm>> -> memref<79x128xi32, #tpu.memory_space<hbm>>
      tpu.wait_dma2 semaphore(%run_scoped3A : memref<!tpu.dma_semaphore, #tpu.memory_space<semaphore_mem>>) src(%dma_wait3A_26 : memref<79x128xi32, #tpu.memory_space<hbm>>) dst(%arg7 : memref<79x128xi32, #tpu.memory_space<vmem>>)
      tpu.yield
    }) : () -> ()
    %mul3A_1 = arith.constant 1 : i32
    %mul3A_2 = arith.muli %arg0, %mul3A_1 : i32
    %add3A = arith.constant 0 : i32
    %add3A_3 = arith.addi %mul3A_2, %add3A : i32
    %mul3A_4 = arith.constant 10112 : i32
    %mul3A_5 = arith.muli %add3A_3, %mul3A_4 : i32
    %add3A_6 = arith.addi %mul3A_5, %mul3A_0 : i32
    "tpu.region"() ({
      %run_scoped3A = tpu.sem_alloc : memref<!tpu.dma_semaphore, #tpu.memory_space<semaphore_mem>>
      %dma_start3A = arith.constant 0 : i32
      %dma_start3A_13 = tpu.memref_slice %arg9[%mul3A_0, %dma_start3A] : memref<10112x128xf32, #tpu.memory_space<vmem_shared>> -> memref<632x128xf32, #tpu.memory_space<vmem_shared>>
      %dma_start3A_14 = arith.constant 0 : i32
      %dma_start3A_15 = tpu.memref_slice %arg2[%add3A_6, %dma_start3A_14] : memref<20224x128xf32, #tpu.memory_space<hbm>> -> memref<632x128xf32, #tpu.memory_space<hbm>>
      tpu.enqueue_dma source(%dma_start3A_15 : memref<632x128xf32, #tpu.memory_space<hbm>>) target(%dma_start3A_13 : memref<632x128xf32, #tpu.memory_space<vmem_shared>>) target_semaphore(%run_scoped3A : memref<!tpu.dma_semaphore, #tpu.memory_space<semaphore_mem>>)
      %dma_wait3A = arith.constant 0 : i32
      %dma_wait3A_16 = tpu.memref_slice %arg9[%mul3A_0, %dma_wait3A] : memref<10112x128xf32, #tpu.memory_space<vmem_shared>> -> memref<632x128xf32, #tpu.memory_space<vmem_shared>>
      %dma_wait3A_17 = arith.constant 0 : i32
      %dma_wait3A_18 = tpu.memref_slice %arg2[%add3A_6, %dma_wait3A_17] : memref<20224x128xf32, #tpu.memory_space<hbm>> -> memref<632x128xf32, #tpu.memory_space<hbm>>
      tpu.wait_dma2 semaphore(%run_scoped3A : memref<!tpu.dma_semaphore, #tpu.memory_space<semaphore_mem>>) src(%dma_wait3A_18 : memref<632x128xf32, #tpu.memory_space<hbm>>) dst(%dma_wait3A_16 : memref<632x128xf32, #tpu.memory_space<vmem_shared>>)
      tpu.yield
    }) : () -> ()
    "tpu.region"() ({
      %run_scoped3A = tpu.sem_alloc : memref<!tpu.dma_semaphore, #tpu.memory_space<semaphore_mem>>
      %dma_start3A = arith.constant 0 : i32
      %dma_start3A_13 = arith.constant 0 : i32
      %dma_start3A_14 = tpu.memref_slice %arg3[%add3A_3, %arg1, %dma_start3A, %dma_start3A_13] : memref<2x16x79x128xi32, #tpu.memory_space<hbm>> -> memref<1x1x79x128xi32, #tpu.memory_space<hbm>>
      %dma_start3A_15 = tpu.memref_squeeze %dma_start3A_14 : memref<1x1x79x128xi32, #tpu.memory_space<hbm>> -> memref<79x128xi32, #tpu.memory_space<hbm>>
      %dma_start3A_16 = arith.constant 0 : i32
      %dma_start3A_17 = arith.constant 0 : i32
      %dma_start3A_18 = tpu.memref_slice %arg3[%add3A_3, %arg1, %dma_start3A_16, %dma_start3A_17] : memref<2x16x79x128xi32, #tpu.memory_space<hbm>> -> memref<1x1x79x128xi32, #tpu.memory_space<hbm>>
      %dma_start3A_19 = tpu.memref_squeeze %dma_start3A_18 : memref<1x1x79x128xi32, #tpu.memory_space<hbm>> -> memref<79x128xi32, #tpu.memory_space<hbm>>
      tpu.enqueue_dma source(%dma_start3A_19 : memref<79x128xi32, #tpu.memory_space<hbm>>) target(%arg6 : memref<79x128xi32, #tpu.memory_space<vmem>>) target_semaphore(%run_scoped3A : memref<!tpu.dma_semaphore, #tpu.memory_space<semaphore_mem>>)
      %dma_wait3A = arith.constant 0 : i32
      %dma_wait3A_20 = arith.constant 0 : i32
      %dma_wait3A_21 = tpu.memref_slice %arg3[%add3A_3, %arg1, %dma_wait3A, %dma_wait3A_20] : memref<2x16x79x128xi32, #tpu.memory_space<hbm>> -> memref<1x1x79x128xi32, #tpu.memory_space<hbm>>
      %dma_wait3A_22 = tpu.memref_squeeze %dma_wait3A_21 : memref<1x1x79x128xi32, #tpu.memory_space<hbm>> -> memref<79x128xi32, #tpu.memory_space<hbm>>
      %dma_wait3A_23 = arith.constant 0 : i32
      %dma_wait3A_24 = arith.constant 0 : i32
      %dma_wait3A_25 = tpu.memref_slice %arg3[%add3A_3, %arg1, %dma_wait3A_23, %dma_wait3A_24] : memref<2x16x79x128xi32, #tpu.memory_space<hbm>> -> memref<1x1x79x128xi32, #tpu.memory_space<hbm>>
      %dma_wait3A_26 = tpu.memref_squeeze %dma_wait3A_25 : memref<1x1x79x128xi32, #tpu.memory_space<hbm>> -> memref<79x128xi32, #tpu.memory_space<hbm>>
      tpu.wait_dma2 semaphore(%run_scoped3A : memref<!tpu.dma_semaphore, #tpu.memory_space<semaphore_mem>>) src(%dma_wait3A_26 : memref<79x128xi32, #tpu.memory_space<hbm>>) dst(%arg6 : memref<79x128xi32, #tpu.memory_space<vmem>>)
      tpu.yield
    }) : () -> ()
    %barrier3A = arith.constant 0 : index
    tpu.barrier barrier_id(%barrier3A)
    %scan3A = arith.constant 0 : i32
    %scan3A_7 = arith.constant 79 : i32
    %scan3A_8 = arith.addi %scan3A, %scan3A_7 : i32
    %scan3A_9 = arith.constant 1 : i32
    scf.for %scan3A_13 = %scan3A to %scan3A_8 step %scan3A_9  : i32 {
      %mul3A_14 = arith.constant 1 : i32
      %mul3A_15 = arith.muli %scan3A_13, %mul3A_14 : i32
      %add3A_16 = arith.constant 0 : i32
      %add3A_17 = arith.addi %add3A_16, %mul3A_15 : i32
      %dma_start3A = arith.constant 0 : i32
      %dma_start3A_18 = tpu.memref_slice %arg6[%add3A_17, %dma_start3A] : memref<79x128xi32, #tpu.memory_space<vmem>> -> memref<1x128xi32, #tpu.memory_space<vmem>>
      %dma_start3A_19 = tpu.memref_squeeze %dma_start3A_18 : memref<1x128xi32, #tpu.memory_space<vmem>> -> memref<128xi32, #tpu.memory_space<vmem>>
      %dma_start3A_20 = arith.constant 0 : i32
      %dma_start3A_21 = arith.constant 0 : i32
      %dma_start3A_22 = tpu.memref_slice %arg2[%dma_start3A_20, %dma_start3A_21] : memref<20224x128xf32, #tpu.memory_space<hbm>> -> memref<20224x128xf32, #tpu.memory_space<hbm>>
      tpu.enqueue_indirect_dma source(%dma_start3A_22 : memref<20224x128xf32, #tpu.memory_space<hbm>>) target(%arg8 : memref<128x128xf32, #tpu.memory_space<vmem>>) offsets(%dma_start3A_19 : memref<128xi32, #tpu.memory_space<vmem>>) semaphore(%arg10 : memref<!tpu.dma_semaphore, #tpu.memory_space<semaphore_mem>>)
      %dma_wait3A = arith.constant 0 : i32
      %dma_wait3A_23 = tpu.memref_slice %arg6[%add3A_17, %dma_wait3A] : memref<79x128xi32, #tpu.memory_space<vmem>> -> memref<1x128xi32, #tpu.memory_space<vmem>>
      %dma_wait3A_24 = tpu.memref_squeeze %dma_wait3A_23 : memref<1x128xi32, #tpu.memory_space<vmem>> -> memref<128xi32, #tpu.memory_space<vmem>>
      %dma_wait3A_25 = arith.constant 0 : i32
      %dma_wait3A_26 = arith.constant 0 : i32
      %dma_wait3A_27 = tpu.memref_slice %arg2[%dma_wait3A_25, %dma_wait3A_26] : memref<20224x128xf32, #tpu.memory_space<hbm>> -> memref<20224x128xf32, #tpu.memory_space<hbm>>
      tpu.wait_indirect_dma semaphore(%arg10 : memref<!tpu.dma_semaphore, #tpu.memory_space<semaphore_mem>>) src(%dma_wait3A_27 : memref<20224x128xf32, #tpu.memory_space<hbm>>) dst(%arg8 : memref<128x128xf32, #tpu.memory_space<vmem>>)
      "tpu.region"() ({
        %run_scoped3A = tpu.sem_alloc : memref<!tpu.dma_semaphore, #tpu.memory_space<semaphore_mem>>
        %dma_start3A_28 = arith.constant 0 : i32
        %dma_start3A_29 = tpu.memref_slice %arg7[%add3A_17, %dma_start3A_28] : memref<79x128xi32, #tpu.memory_space<vmem>> -> memref<1x128xi32, #tpu.memory_space<vmem>>
        %dma_start3A_30 = tpu.memref_squeeze %dma_start3A_29 : memref<1x128xi32, #tpu.memory_space<vmem>> -> memref<128xi32, #tpu.memory_space<vmem>>
        %dma_start3A_31 = arith.constant 0 : i32
        %dma_start3A_32 = arith.constant 0 : i32
        %dma_start3A_33 = tpu.memref_slice %arg9[%dma_start3A_31, %dma_start3A_32] : memref<10112x128xf32, #tpu.memory_space<vmem_shared>> -> memref<10112x128xf32, #tpu.memory_space<vmem_shared>>
        tpu.enqueue_indirect_dma source(%arg8 : memref<128x128xf32, #tpu.memory_space<vmem>>) target(%dma_start3A_33 : memref<10112x128xf32, #tpu.memory_space<vmem_shared>>) offsets(%dma_start3A_30 : memref<128xi32, #tpu.memory_space<vmem>>) semaphore(%run_scoped3A : memref<!tpu.dma_semaphore, #tpu.memory_space<semaphore_mem>>) {add = true}
        %dma_wait3A_34 = arith.constant 0 : i32
        %dma_wait3A_35 = tpu.memref_slice %arg7[%add3A_17, %dma_wait3A_34] : memref<79x128xi32, #tpu.memory_space<vmem>> -> memref<1x128xi32, #tpu.memory_space<vmem>>
        %dma_wait3A_36 = tpu.memref_squeeze %dma_wait3A_35 : memref<1x128xi32, #tpu.memory_space<vmem>> -> memref<128xi32, #tpu.memory_space<vmem>>
        %dma_wait3A_37 = arith.constant 0 : i32
        %dma_wait3A_38 = arith.constant 0 : i32
        %dma_wait3A_39 = tpu.memref_slice %arg9[%dma_wait3A_37, %dma_wait3A_38] : memref<10112x128xf32, #tpu.memory_space<vmem_shared>> -> memref<10112x128xf32, #tpu.memory_space<vmem_shared>>
        tpu.wait_indirect_dma semaphore(%run_scoped3A : memref<!tpu.dma_semaphore, #tpu.memory_space<semaphore_mem>>) src(%arg8 : memref<128x128xf32, #tpu.memory_space<vmem>>) dst(%dma_wait3A_39 : memref<10112x128xf32, #tpu.memory_space<vmem_shared>>)
        tpu.yield
      }) : () -> ()
    }
    %scan3A_10 = arith.constant 79 : i32
    %barrier3A_11 = arith.constant 0 : index
    tpu.barrier barrier_id(%barrier3A_11)
    "tpu.region"() ({
      %run_scoped3A = tpu.sem_alloc : memref<!tpu.dma_semaphore, #tpu.memory_space<semaphore_mem>>
      %dma_start3A = arith.constant 0 : i32
      %dma_start3A_13 = tpu.memref_slice %arg5[%add3A_3, %mul3A_0, %dma_start3A] : memref<2x10112x128xf32, #tpu.memory_space<hbm>> -> memref<1x632x128xf32, #tpu.memory_space<hbm>>
      %dma_start3A_14 = tpu.memref_squeeze %dma_start3A_13 : memref<1x632x128xf32, #tpu.memory_space<hbm>> -> memref<632x128xf32, #tpu.memory_space<hbm>>
      %dma_start3A_15 = arith.constant 0 : i32
      %dma_start3A_16 = tpu.memref_slice %arg9[%mul3A_0, %dma_start3A_15] : memref<10112x128xf32, #tpu.memory_space<vmem_shared>> -> memref<632x128xf32, #tpu.memory_space<vmem_shared>>
      tpu.enqueue_dma source(%dma_start3A_16 : memref<632x128xf32, #tpu.memory_space<vmem_shared>>) target(%dma_start3A_14 : memref<632x128xf32, #tpu.memory_space<hbm>>) target_semaphore(%run_scoped3A : memref<!tpu.dma_semaphore, #tpu.memory_space<semaphore_mem>>)
      %dma_wait3A = arith.constant 0 : i32
      %dma_wait3A_17 = tpu.memref_slice %arg5[%add3A_3, %mul3A_0, %dma_wait3A] : memref<2x10112x128xf32, #tpu.memory_space<hbm>> -> memref<1x632x128xf32, #tpu.memory_space<hbm>>
      %dma_wait3A_18 = tpu.memref_squeeze %dma_wait3A_17 : memref<1x632x128xf32, #tpu.memory_space<hbm>> -> memref<632x128xf32, #tpu.memory_space<hbm>>
      %dma_wait3A_19 = arith.constant 0 : i32
      %dma_wait3A_20 = tpu.memref_slice %arg9[%mul3A_0, %dma_wait3A_19] : memref<10112x128xf32, #tpu.memory_space<vmem_shared>> -> memref<632x128xf32, #tpu.memory_space<vmem_shared>>
      tpu.wait_dma2 semaphore(%run_scoped3A : memref<!tpu.dma_semaphore, #tpu.memory_space<semaphore_mem>>) src(%dma_wait3A_20 : memref<632x128xf32, #tpu.memory_space<vmem_shared>>) dst(%dma_wait3A_18 : memref<632x128xf32, #tpu.memory_space<hbm>>)
      tpu.yield
    }) : () -> ()
    %barrier3A_12 = arith.constant 0 : index
    tpu.barrier barrier_id(%barrier3A_12)
    return
  }
}

#map = affine_map<(d0, d1) -> (0, 0)>
#map1 = affine_map<(d0, d1) -> (0, 0, 0, 0)>
#map2 = affine_map<(d0, d1) -> (0, 0, 0)>
module attributes {stable_mosaic.version = 14 : i64} {
  func.func @body(%arg0: i32, %arg1: i32, %arg2: memref<40448x128xf32, #tpu.memory_space<hbm>>, %arg3: memref<4x16x79x128xi32, #tpu.memory_space<hbm>>, %arg4: memref<16x79x128xi32, #tpu.memory_space<hbm>>, %arg5: memref<4x10112x128xf32, #tpu.memory_space<hbm>>, %arg6: memref<79x128xi32, #tpu.memory_space<vmem>>, %arg7: memref<79x128xi32, #tpu.memory_space<vmem>>, %arg8: memref<128x128xf32, #tpu.memory_space<vmem>>, %arg9: memref<10112x128xf32, #tpu.memory_space<vmem_shared>>, %arg10: memref<!tpu.dma_semaphore, #tpu.memory_space<semaphore_mem>>) attributes {dimension_semantics = [#tpu.dimension_semantics<core_parallel>, #tpu.dimension_semantics<subcore_parallel>], iteration_bounds = array<i64: 2, 16>, scalar_prefetch = 0 : i64, scratch_operands = 5 : i64, tpu.core_type = #tpu.core_type<sc_vector_subcore>, window_params = [{transform_indices = #map}, {transform_indices = #map1}, {transform_indices = #map2}, {transform_indices = #map2}]} {
    %mul3A = arith.constant 632 : i32
    %mul3A_0 = arith.muli %arg1, %mul3A : i32
    "tpu.region"() ({
      %run_scoped3A = tpu.sem_alloc : memref<!tpu.dma_semaphore, #tpu.memory_space<semaphore_mem>>
      %dma_start3A = arith.constant 0 : i32
      %dma_start3A_28 = arith.constant 0 : i32
      %dma_start3A_29 = tpu.memref_slice %arg4[%arg1, %dma_start3A, %dma_start3A_28] : memref<16x79x128xi32, #tpu.memory_space<hbm>> -> memref<1x79x128xi32, #tpu.memory_space<hbm>>
      %dma_start3A_30 = tpu.memref_squeeze %dma_start3A_29 : memref<1x79x128xi32, #tpu.memory_space<hbm>> -> memref<79x128xi32, #tpu.memory_space<hbm>>
      %dma_start3A_31 = arith.constant 0 : i32
      %dma_start3A_32 = arith.constant 0 : i32
      %dma_start3A_33 = tpu.memref_slice %arg4[%arg1, %dma_start3A_31, %dma_start3A_32] : memref<16x79x128xi32, #tpu.memory_space<hbm>> -> memref<1x79x128xi32, #tpu.memory_space<hbm>>
      %dma_start3A_34 = tpu.memref_squeeze %dma_start3A_33 : memref<1x79x128xi32, #tpu.memory_space<hbm>> -> memref<79x128xi32, #tpu.memory_space<hbm>>
      tpu.enqueue_dma source(%dma_start3A_34 : memref<79x128xi32, #tpu.memory_space<hbm>>) target(%arg7 : memref<79x128xi32, #tpu.memory_space<vmem>>) target_semaphore(%run_scoped3A : memref<!tpu.dma_semaphore, #tpu.memory_space<semaphore_mem>>)
      %dma_wait3A = arith.constant 0 : i32
      %dma_wait3A_35 = arith.constant 0 : i32
      %dma_wait3A_36 = tpu.memref_slice %arg4[%arg1, %dma_wait3A, %dma_wait3A_35] : memref<16x79x128xi32, #tpu.memory_space<hbm>> -> memref<1x79x128xi32, #tpu.memory_space<hbm>>
      %dma_wait3A_37 = tpu.memref_squeeze %dma_wait3A_36 : memref<1x79x128xi32, #tpu.memory_space<hbm>> -> memref<79x128xi32, #tpu.memory_space<hbm>>
      %dma_wait3A_38 = arith.constant 0 : i32
      %dma_wait3A_39 = arith.constant 0 : i32
      %dma_wait3A_40 = tpu.memref_slice %arg4[%arg1, %dma_wait3A_38, %dma_wait3A_39] : memref<16x79x128xi32, #tpu.memory_space<hbm>> -> memref<1x79x128xi32, #tpu.memory_space<hbm>>
      %dma_wait3A_41 = tpu.memref_squeeze %dma_wait3A_40 : memref<1x79x128xi32, #tpu.memory_space<hbm>> -> memref<79x128xi32, #tpu.memory_space<hbm>>
      tpu.wait_dma2 semaphore(%run_scoped3A : memref<!tpu.dma_semaphore, #tpu.memory_space<semaphore_mem>>) src(%dma_wait3A_41 : memref<79x128xi32, #tpu.memory_space<hbm>>) dst(%arg7 : memref<79x128xi32, #tpu.memory_space<vmem>>)
      tpu.yield
    }) : () -> ()
    %mul3A_1 = arith.constant 2 : i32
    %mul3A_2 = arith.muli %arg0, %mul3A_1 : i32
    %add3A = arith.constant 0 : i32
    %add3A_3 = arith.addi %mul3A_2, %add3A : i32
    %mul3A_4 = arith.constant 10112 : i32
    %mul3A_5 = arith.muli %add3A_3, %mul3A_4 : i32
    %add3A_6 = arith.addi %mul3A_5, %mul3A_0 : i32
    "tpu.region"() ({
      %run_scoped3A = tpu.sem_alloc : memref<!tpu.dma_semaphore, #tpu.memory_space<semaphore_mem>>
      %dma_start3A = arith.constant 0 : i32
      %dma_start3A_28 = tpu.memref_slice %arg9[%mul3A_0, %dma_start3A] : memref<10112x128xf32, #tpu.memory_space<vmem_shared>> -> memref<632x128xf32, #tpu.memory_space<vmem_shared>>
      %dma_start3A_29 = arith.constant 0 : i32
      %dma_start3A_30 = tpu.memref_slice %arg2[%add3A_6, %dma_start3A_29] : memref<40448x128xf32, #tpu.memory_space<hbm>> -> memref<632x128xf32, #tpu.memory_space<hbm>>
      tpu.enqueue_dma source(%dma_start3A_30 : memref<632x128xf32, #tpu.memory_space<hbm>>) target(%dma_start3A_28 : memref<632x128xf32, #tpu.memory_space<vmem_shared>>) target_semaphore(%run_scoped3A : memref<!tpu.dma_semaphore, #tpu.memory_space<semaphore_mem>>)
      %dma_wait3A = arith.constant 0 : i32
      %dma_wait3A_31 = tpu.memref_slice %arg9[%mul3A_0, %dma_wait3A] : memref<10112x128xf32, #tpu.memory_space<vmem_shared>> -> memref<632x128xf32, #tpu.memory_space<vmem_shared>>
      %dma_wait3A_32 = arith.constant 0 : i32
      %dma_wait3A_33 = tpu.memref_slice %arg2[%add3A_6, %dma_wait3A_32] : memref<40448x128xf32, #tpu.memory_space<hbm>> -> memref<632x128xf32, #tpu.memory_space<hbm>>
      tpu.wait_dma2 semaphore(%run_scoped3A : memref<!tpu.dma_semaphore, #tpu.memory_space<semaphore_mem>>) src(%dma_wait3A_33 : memref<632x128xf32, #tpu.memory_space<hbm>>) dst(%dma_wait3A_31 : memref<632x128xf32, #tpu.memory_space<vmem_shared>>)
      tpu.yield
    }) : () -> ()
    "tpu.region"() ({
      %run_scoped3A = tpu.sem_alloc : memref<!tpu.dma_semaphore, #tpu.memory_space<semaphore_mem>>
      %dma_start3A = arith.constant 0 : i32
      %dma_start3A_28 = arith.constant 0 : i32
      %dma_start3A_29 = tpu.memref_slice %arg3[%add3A_3, %arg1, %dma_start3A, %dma_start3A_28] : memref<4x16x79x128xi32, #tpu.memory_space<hbm>> -> memref<1x1x79x128xi32, #tpu.memory_space<hbm>>
      %dma_start3A_30 = tpu.memref_squeeze %dma_start3A_29 : memref<1x1x79x128xi32, #tpu.memory_space<hbm>> -> memref<79x128xi32, #tpu.memory_space<hbm>>
      %dma_start3A_31 = arith.constant 0 : i32
      %dma_start3A_32 = arith.constant 0 : i32
      %dma_start3A_33 = tpu.memref_slice %arg3[%add3A_3, %arg1, %dma_start3A_31, %dma_start3A_32] : memref<4x16x79x128xi32, #tpu.memory_space<hbm>> -> memref<1x1x79x128xi32, #tpu.memory_space<hbm>>
      %dma_start3A_34 = tpu.memref_squeeze %dma_start3A_33 : memref<1x1x79x128xi32, #tpu.memory_space<hbm>> -> memref<79x128xi32, #tpu.memory_space<hbm>>
      tpu.enqueue_dma source(%dma_start3A_34 : memref<79x128xi32, #tpu.memory_space<hbm>>) target(%arg6 : memref<79x128xi32, #tpu.memory_space<vmem>>) target_semaphore(%run_scoped3A : memref<!tpu.dma_semaphore, #tpu.memory_space<semaphore_mem>>)
      %dma_wait3A = arith.constant 0 : i32
      %dma_wait3A_35 = arith.constant 0 : i32
      %dma_wait3A_36 = tpu.memref_slice %arg3[%add3A_3, %arg1, %dma_wait3A, %dma_wait3A_35] : memref<4x16x79x128xi32, #tpu.memory_space<hbm>> -> memref<1x1x79x128xi32, #tpu.memory_space<hbm>>
      %dma_wait3A_37 = tpu.memref_squeeze %dma_wait3A_36 : memref<1x1x79x128xi32, #tpu.memory_space<hbm>> -> memref<79x128xi32, #tpu.memory_space<hbm>>
      %dma_wait3A_38 = arith.constant 0 : i32
      %dma_wait3A_39 = arith.constant 0 : i32
      %dma_wait3A_40 = tpu.memref_slice %arg3[%add3A_3, %arg1, %dma_wait3A_38, %dma_wait3A_39] : memref<4x16x79x128xi32, #tpu.memory_space<hbm>> -> memref<1x1x79x128xi32, #tpu.memory_space<hbm>>
      %dma_wait3A_41 = tpu.memref_squeeze %dma_wait3A_40 : memref<1x1x79x128xi32, #tpu.memory_space<hbm>> -> memref<79x128xi32, #tpu.memory_space<hbm>>
      tpu.wait_dma2 semaphore(%run_scoped3A : memref<!tpu.dma_semaphore, #tpu.memory_space<semaphore_mem>>) src(%dma_wait3A_41 : memref<79x128xi32, #tpu.memory_space<hbm>>) dst(%arg6 : memref<79x128xi32, #tpu.memory_space<vmem>>)
      tpu.yield
    }) : () -> ()
    %barrier3A = arith.constant 0 : index
    tpu.barrier barrier_id(%barrier3A)
    %scan3A = arith.constant 0 : i32
    %scan3A_7 = arith.constant 79 : i32
    %scan3A_8 = arith.addi %scan3A, %scan3A_7 : i32
    %scan3A_9 = arith.constant 1 : i32
    scf.for %scan3A_28 = %scan3A to %scan3A_8 step %scan3A_9  : i32 {
      %mul3A_29 = arith.constant 1 : i32
      %mul3A_30 = arith.muli %scan3A_28, %mul3A_29 : i32
      %add3A_31 = arith.constant 0 : i32
      %add3A_32 = arith.addi %add3A_31, %mul3A_30 : i32
      %dma_start3A = arith.constant 0 : i32
      %dma_start3A_33 = tpu.memref_slice %arg6[%add3A_32, %dma_start3A] : memref<79x128xi32, #tpu.memory_space<vmem>> -> memref<1x128xi32, #tpu.memory_space<vmem>>
      %dma_start3A_34 = tpu.memref_squeeze %dma_start3A_33 : memref<1x128xi32, #tpu.memory_space<vmem>> -> memref<128xi32, #tpu.memory_space<vmem>>
      %dma_start3A_35 = arith.constant 0 : i32
      %dma_start3A_36 = arith.constant 0 : i32
      %dma_start3A_37 = tpu.memref_slice %arg2[%dma_start3A_35, %dma_start3A_36] : memref<40448x128xf32, #tpu.memory_space<hbm>> -> memref<40448x128xf32, #tpu.memory_space<hbm>>
      tpu.enqueue_indirect_dma source(%dma_start3A_37 : memref<40448x128xf32, #tpu.memory_space<hbm>>) target(%arg8 : memref<128x128xf32, #tpu.memory_space<vmem>>) offsets(%dma_start3A_34 : memref<128xi32, #tpu.memory_space<vmem>>) semaphore(%arg10 : memref<!tpu.dma_semaphore, #tpu.memory_space<semaphore_mem>>)
      %dma_wait3A = arith.constant 0 : i32
      %dma_wait3A_38 = tpu.memref_slice %arg6[%add3A_32, %dma_wait3A] : memref<79x128xi32, #tpu.memory_space<vmem>> -> memref<1x128xi32, #tpu.memory_space<vmem>>
      %dma_wait3A_39 = tpu.memref_squeeze %dma_wait3A_38 : memref<1x128xi32, #tpu.memory_space<vmem>> -> memref<128xi32, #tpu.memory_space<vmem>>
      %dma_wait3A_40 = arith.constant 0 : i32
      %dma_wait3A_41 = arith.constant 0 : i32
      %dma_wait3A_42 = tpu.memref_slice %arg2[%dma_wait3A_40, %dma_wait3A_41] : memref<40448x128xf32, #tpu.memory_space<hbm>> -> memref<40448x128xf32, #tpu.memory_space<hbm>>
      tpu.wait_indirect_dma semaphore(%arg10 : memref<!tpu.dma_semaphore, #tpu.memory_space<semaphore_mem>>) src(%dma_wait3A_42 : memref<40448x128xf32, #tpu.memory_space<hbm>>) dst(%arg8 : memref<128x128xf32, #tpu.memory_space<vmem>>)
      "tpu.region"() ({
        %run_scoped3A = tpu.sem_alloc : memref<!tpu.dma_semaphore, #tpu.memory_space<semaphore_mem>>
        %dma_start3A_43 = arith.constant 0 : i32
        %dma_start3A_44 = tpu.memref_slice %arg7[%add3A_32, %dma_start3A_43] : memref<79x128xi32, #tpu.memory_space<vmem>> -> memref<1x128xi32, #tpu.memory_space<vmem>>
        %dma_start3A_45 = tpu.memref_squeeze %dma_start3A_44 : memref<1x128xi32, #tpu.memory_space<vmem>> -> memref<128xi32, #tpu.memory_space<vmem>>
        %dma_start3A_46 = arith.constant 0 : i32
        %dma_start3A_47 = arith.constant 0 : i32
        %dma_start3A_48 = tpu.memref_slice %arg9[%dma_start3A_46, %dma_start3A_47] : memref<10112x128xf32, #tpu.memory_space<vmem_shared>> -> memref<10112x128xf32, #tpu.memory_space<vmem_shared>>
        tpu.enqueue_indirect_dma source(%arg8 : memref<128x128xf32, #tpu.memory_space<vmem>>) target(%dma_start3A_48 : memref<10112x128xf32, #tpu.memory_space<vmem_shared>>) offsets(%dma_start3A_45 : memref<128xi32, #tpu.memory_space<vmem>>) semaphore(%run_scoped3A : memref<!tpu.dma_semaphore, #tpu.memory_space<semaphore_mem>>) {add = true}
        %dma_wait3A_49 = arith.constant 0 : i32
        %dma_wait3A_50 = tpu.memref_slice %arg7[%add3A_32, %dma_wait3A_49] : memref<79x128xi32, #tpu.memory_space<vmem>> -> memref<1x128xi32, #tpu.memory_space<vmem>>
        %dma_wait3A_51 = tpu.memref_squeeze %dma_wait3A_50 : memref<1x128xi32, #tpu.memory_space<vmem>> -> memref<128xi32, #tpu.memory_space<vmem>>
        %dma_wait3A_52 = arith.constant 0 : i32
        %dma_wait3A_53 = arith.constant 0 : i32
        %dma_wait3A_54 = tpu.memref_slice %arg9[%dma_wait3A_52, %dma_wait3A_53] : memref<10112x128xf32, #tpu.memory_space<vmem_shared>> -> memref<10112x128xf32, #tpu.memory_space<vmem_shared>>
        tpu.wait_indirect_dma semaphore(%run_scoped3A : memref<!tpu.dma_semaphore, #tpu.memory_space<semaphore_mem>>) src(%arg8 : memref<128x128xf32, #tpu.memory_space<vmem>>) dst(%dma_wait3A_54 : memref<10112x128xf32, #tpu.memory_space<vmem_shared>>)
        tpu.yield
      }) : () -> ()
    }
    %scan3A_10 = arith.constant 79 : i32
    %barrier3A_11 = arith.constant 0 : index
    tpu.barrier barrier_id(%barrier3A_11)
    "tpu.region"() ({
      %run_scoped3A = tpu.sem_alloc : memref<!tpu.dma_semaphore, #tpu.memory_space<semaphore_mem>>
      %dma_start3A = arith.constant 0 : i32
      %dma_start3A_28 = tpu.memref_slice %arg5[%add3A_3, %mul3A_0, %dma_start3A] : memref<4x10112x128xf32, #tpu.memory_space<hbm>> -> memref<1x632x128xf32, #tpu.memory_space<hbm>>
      %dma_start3A_29 = tpu.memref_squeeze %dma_start3A_28 : memref<1x632x128xf32, #tpu.memory_space<hbm>> -> memref<632x128xf32, #tpu.memory_space<hbm>>
      %dma_start3A_30 = arith.constant 0 : i32
      %dma_start3A_31 = tpu.memref_slice %arg9[%mul3A_0, %dma_start3A_30] : memref<10112x128xf32, #tpu.memory_space<vmem_shared>> -> memref<632x128xf32, #tpu.memory_space<vmem_shared>>
      tpu.enqueue_dma source(%dma_start3A_31 : memref<632x128xf32, #tpu.memory_space<vmem_shared>>) target(%dma_start3A_29 : memref<632x128xf32, #tpu.memory_space<hbm>>) target_semaphore(%run_scoped3A : memref<!tpu.dma_semaphore, #tpu.memory_space<semaphore_mem>>)
      %dma_wait3A = arith.constant 0 : i32
      %dma_wait3A_32 = tpu.memref_slice %arg5[%add3A_3, %mul3A_0, %dma_wait3A] : memref<4x10112x128xf32, #tpu.memory_space<hbm>> -> memref<1x632x128xf32, #tpu.memory_space<hbm>>
      %dma_wait3A_33 = tpu.memref_squeeze %dma_wait3A_32 : memref<1x632x128xf32, #tpu.memory_space<hbm>> -> memref<632x128xf32, #tpu.memory_space<hbm>>
      %dma_wait3A_34 = arith.constant 0 : i32
      %dma_wait3A_35 = tpu.memref_slice %arg9[%mul3A_0, %dma_wait3A_34] : memref<10112x128xf32, #tpu.memory_space<vmem_shared>> -> memref<632x128xf32, #tpu.memory_space<vmem_shared>>
      tpu.wait_dma2 semaphore(%run_scoped3A : memref<!tpu.dma_semaphore, #tpu.memory_space<semaphore_mem>>) src(%dma_wait3A_35 : memref<632x128xf32, #tpu.memory_space<vmem_shared>>) dst(%dma_wait3A_33 : memref<632x128xf32, #tpu.memory_space<hbm>>)
      tpu.yield
    }) : () -> ()
    %barrier3A_12 = arith.constant 0 : index
    tpu.barrier barrier_id(%barrier3A_12)
    %mul3A_13 = arith.constant 2 : i32
    %mul3A_14 = arith.muli %arg0, %mul3A_13 : i32
    %add3A_15 = arith.constant 1 : i32
    %add3A_16 = arith.addi %mul3A_14, %add3A_15 : i32
    %mul3A_17 = arith.constant 10112 : i32
    %mul3A_18 = arith.muli %add3A_16, %mul3A_17 : i32
    %add3A_19 = arith.addi %mul3A_18, %mul3A_0 : i32
    "tpu.region"() ({
      %run_scoped3A = tpu.sem_alloc : memref<!tpu.dma_semaphore, #tpu.memory_space<semaphore_mem>>
      %dma_start3A = arith.constant 0 : i32
      %dma_start3A_28 = tpu.memref_slice %arg9[%mul3A_0, %dma_start3A] : memref<10112x128xf32, #tpu.memory_space<vmem_shared>> -> memref<632x128xf32, #tpu.memory_space<vmem_shared>>
      %dma_start3A_29 = arith.constant 0 : i32
      %dma_start3A_30 = tpu.memref_slice %arg2[%add3A_19, %dma_start3A_29] : memref<40448x128xf32, #tpu.memory_space<hbm>> -> memref<632x128xf32, #tpu.memory_space<hbm>>
      tpu.enqueue_dma source(%dma_start3A_30 : memref<632x128xf32, #tpu.memory_space<hbm>>) target(%dma_start3A_28 : memref<632x128xf32, #tpu.memory_space<vmem_shared>>) target_semaphore(%run_scoped3A : memref<!tpu.dma_semaphore, #tpu.memory_space<semaphore_mem>>)
      %dma_wait3A = arith.constant 0 : i32
      %dma_wait3A_31 = tpu.memref_slice %arg9[%mul3A_0, %dma_wait3A] : memref<10112x128xf32, #tpu.memory_space<vmem_shared>> -> memref<632x128xf32, #tpu.memory_space<vmem_shared>>
      %dma_wait3A_32 = arith.constant 0 : i32
      %dma_wait3A_33 = tpu.memref_slice %arg2[%add3A_19, %dma_wait3A_32] : memref<40448x128xf32, #tpu.memory_space<hbm>> -> memref<632x128xf32, #tpu.memory_space<hbm>>
      tpu.wait_dma2 semaphore(%run_scoped3A : memref<!tpu.dma_semaphore, #tpu.memory_space<semaphore_mem>>) src(%dma_wait3A_33 : memref<632x128xf32, #tpu.memory_space<hbm>>) dst(%dma_wait3A_31 : memref<632x128xf32, #tpu.memory_space<vmem_shared>>)
      tpu.yield
    }) : () -> ()
    "tpu.region"() ({
      %run_scoped3A = tpu.sem_alloc : memref<!tpu.dma_semaphore, #tpu.memory_space<semaphore_mem>>
      %dma_start3A = arith.constant 0 : i32
      %dma_start3A_28 = arith.constant 0 : i32
      %dma_start3A_29 = tpu.memref_slice %arg3[%add3A_16, %arg1, %dma_start3A, %dma_start3A_28] : memref<4x16x79x128xi32, #tpu.memory_space<hbm>> -> memref<1x1x79x128xi32, #tpu.memory_space<hbm>>
      %dma_start3A_30 = tpu.memref_squeeze %dma_start3A_29 : memref<1x1x79x128xi32, #tpu.memory_space<hbm>> -> memref<79x128xi32, #tpu.memory_space<hbm>>
      %dma_start3A_31 = arith.constant 0 : i32
      %dma_start3A_32 = arith.constant 0 : i32
      %dma_start3A_33 = tpu.memref_slice %arg3[%add3A_16, %arg1, %dma_start3A_31, %dma_start3A_32] : memref<4x16x79x128xi32, #tpu.memory_space<hbm>> -> memref<1x1x79x128xi32, #tpu.memory_space<hbm>>
      %dma_start3A_34 = tpu.memref_squeeze %dma_start3A_33 : memref<1x1x79x128xi32, #tpu.memory_space<hbm>> -> memref<79x128xi32, #tpu.memory_space<hbm>>
      tpu.enqueue_dma source(%dma_start3A_34 : memref<79x128xi32, #tpu.memory_space<hbm>>) target(%arg6 : memref<79x128xi32, #tpu.memory_space<vmem>>) target_semaphore(%run_scoped3A : memref<!tpu.dma_semaphore, #tpu.memory_space<semaphore_mem>>)
      %dma_wait3A = arith.constant 0 : i32
      %dma_wait3A_35 = arith.constant 0 : i32
      %dma_wait3A_36 = tpu.memref_slice %arg3[%add3A_16, %arg1, %dma_wait3A, %dma_wait3A_35] : memref<4x16x79x128xi32, #tpu.memory_space<hbm>> -> memref<1x1x79x128xi32, #tpu.memory_space<hbm>>
      %dma_wait3A_37 = tpu.memref_squeeze %dma_wait3A_36 : memref<1x1x79x128xi32, #tpu.memory_space<hbm>> -> memref<79x128xi32, #tpu.memory_space<hbm>>
      %dma_wait3A_38 = arith.constant 0 : i32
      %dma_wait3A_39 = arith.constant 0 : i32
      %dma_wait3A_40 = tpu.memref_slice %arg3[%add3A_16, %arg1, %dma_wait3A_38, %dma_wait3A_39] : memref<4x16x79x128xi32, #tpu.memory_space<hbm>> -> memref<1x1x79x128xi32, #tpu.memory_space<hbm>>
      %dma_wait3A_41 = tpu.memref_squeeze %dma_wait3A_40 : memref<1x1x79x128xi32, #tpu.memory_space<hbm>> -> memref<79x128xi32, #tpu.memory_space<hbm>>
      tpu.wait_dma2 semaphore(%run_scoped3A : memref<!tpu.dma_semaphore, #tpu.memory_space<semaphore_mem>>) src(%dma_wait3A_41 : memref<79x128xi32, #tpu.memory_space<hbm>>) dst(%arg6 : memref<79x128xi32, #tpu.memory_space<vmem>>)
      tpu.yield
    }) : () -> ()
    %barrier3A_20 = arith.constant 0 : index
    tpu.barrier barrier_id(%barrier3A_20)
    %scan3A_21 = arith.constant 0 : i32
    %scan3A_22 = arith.constant 79 : i32
    %scan3A_23 = arith.addi %scan3A_21, %scan3A_22 : i32
    %scan3A_24 = arith.constant 1 : i32
    scf.for %scan3A_28 = %scan3A_21 to %scan3A_23 step %scan3A_24  : i32 {
      %mul3A_29 = arith.constant 1 : i32
      %mul3A_30 = arith.muli %scan3A_28, %mul3A_29 : i32
      %add3A_31 = arith.constant 0 : i32
      %add3A_32 = arith.addi %add3A_31, %mul3A_30 : i32
      %dma_start3A = arith.constant 0 : i32
      %dma_start3A_33 = tpu.memref_slice %arg6[%add3A_32, %dma_start3A] : memref<79x128xi32, #tpu.memory_space<vmem>> -> memref<1x128xi32, #tpu.memory_space<vmem>>
      %dma_start3A_34 = tpu.memref_squeeze %dma_start3A_33 : memref<1x128xi32, #tpu.memory_space<vmem>> -> memref<128xi32, #tpu.memory_space<vmem>>
      %dma_start3A_35 = arith.constant 0 : i32
      %dma_start3A_36 = arith.constant 0 : i32
      %dma_start3A_37 = tpu.memref_slice %arg2[%dma_start3A_35, %dma_start3A_36] : memref<40448x128xf32, #tpu.memory_space<hbm>> -> memref<40448x128xf32, #tpu.memory_space<hbm>>
      tpu.enqueue_indirect_dma source(%dma_start3A_37 : memref<40448x128xf32, #tpu.memory_space<hbm>>) target(%arg8 : memref<128x128xf32, #tpu.memory_space<vmem>>) offsets(%dma_start3A_34 : memref<128xi32, #tpu.memory_space<vmem>>) semaphore(%arg10 : memref<!tpu.dma_semaphore, #tpu.memory_space<semaphore_mem>>)
      %dma_wait3A = arith.constant 0 : i32
      %dma_wait3A_38 = tpu.memref_slice %arg6[%add3A_32, %dma_wait3A] : memref<79x128xi32, #tpu.memory_space<vmem>> -> memref<1x128xi32, #tpu.memory_space<vmem>>
      %dma_wait3A_39 = tpu.memref_squeeze %dma_wait3A_38 : memref<1x128xi32, #tpu.memory_space<vmem>> -> memref<128xi32, #tpu.memory_space<vmem>>
      %dma_wait3A_40 = arith.constant 0 : i32
      %dma_wait3A_41 = arith.constant 0 : i32
      %dma_wait3A_42 = tpu.memref_slice %arg2[%dma_wait3A_40, %dma_wait3A_41] : memref<40448x128xf32, #tpu.memory_space<hbm>> -> memref<40448x128xf32, #tpu.memory_space<hbm>>
      tpu.wait_indirect_dma semaphore(%arg10 : memref<!tpu.dma_semaphore, #tpu.memory_space<semaphore_mem>>) src(%dma_wait3A_42 : memref<40448x128xf32, #tpu.memory_space<hbm>>) dst(%arg8 : memref<128x128xf32, #tpu.memory_space<vmem>>)
      "tpu.region"() ({
        %run_scoped3A = tpu.sem_alloc : memref<!tpu.dma_semaphore, #tpu.memory_space<semaphore_mem>>
        %dma_start3A_43 = arith.constant 0 : i32
        %dma_start3A_44 = tpu.memref_slice %arg7[%add3A_32, %dma_start3A_43] : memref<79x128xi32, #tpu.memory_space<vmem>> -> memref<1x128xi32, #tpu.memory_space<vmem>>
        %dma_start3A_45 = tpu.memref_squeeze %dma_start3A_44 : memref<1x128xi32, #tpu.memory_space<vmem>> -> memref<128xi32, #tpu.memory_space<vmem>>
        %dma_start3A_46 = arith.constant 0 : i32
        %dma_start3A_47 = arith.constant 0 : i32
        %dma_start3A_48 = tpu.memref_slice %arg9[%dma_start3A_46, %dma_start3A_47] : memref<10112x128xf32, #tpu.memory_space<vmem_shared>> -> memref<10112x128xf32, #tpu.memory_space<vmem_shared>>
        tpu.enqueue_indirect_dma source(%arg8 : memref<128x128xf32, #tpu.memory_space<vmem>>) target(%dma_start3A_48 : memref<10112x128xf32, #tpu.memory_space<vmem_shared>>) offsets(%dma_start3A_45 : memref<128xi32, #tpu.memory_space<vmem>>) semaphore(%run_scoped3A : memref<!tpu.dma_semaphore, #tpu.memory_space<semaphore_mem>>) {add = true}
        %dma_wait3A_49 = arith.constant 0 : i32
        %dma_wait3A_50 = tpu.memref_slice %arg7[%add3A_32, %dma_wait3A_49] : memref<79x128xi32, #tpu.memory_space<vmem>> -> memref<1x128xi32, #tpu.memory_space<vmem>>
        %dma_wait3A_51 = tpu.memref_squeeze %dma_wait3A_50 : memref<1x128xi32, #tpu.memory_space<vmem>> -> memref<128xi32, #tpu.memory_space<vmem>>
        %dma_wait3A_52 = arith.constant 0 : i32
        %dma_wait3A_53 = arith.constant 0 : i32
        %dma_wait3A_54 = tpu.memref_slice %arg9[%dma_wait3A_52, %dma_wait3A_53] : memref<10112x128xf32, #tpu.memory_space<vmem_shared>> -> memref<10112x128xf32, #tpu.memory_space<vmem_shared>>
        tpu.wait_indirect_dma semaphore(%run_scoped3A : memref<!tpu.dma_semaphore, #tpu.memory_space<semaphore_mem>>) src(%arg8 : memref<128x128xf32, #tpu.memory_space<vmem>>) dst(%dma_wait3A_54 : memref<10112x128xf32, #tpu.memory_space<vmem_shared>>)
        tpu.yield
      }) : () -> ()
    }
    %scan3A_25 = arith.constant 79 : i32
    %barrier3A_26 = arith.constant 0 : index
    tpu.barrier barrier_id(%barrier3A_26)
    "tpu.region"() ({
      %run_scoped3A = tpu.sem_alloc : memref<!tpu.dma_semaphore, #tpu.memory_space<semaphore_mem>>
      %dma_start3A = arith.constant 0 : i32
      %dma_start3A_28 = tpu.memref_slice %arg5[%add3A_16, %mul3A_0, %dma_start3A] : memref<4x10112x128xf32, #tpu.memory_space<hbm>> -> memref<1x632x128xf32, #tpu.memory_space<hbm>>
      %dma_start3A_29 = tpu.memref_squeeze %dma_start3A_28 : memref<1x632x128xf32, #tpu.memory_space<hbm>> -> memref<632x128xf32, #tpu.memory_space<hbm>>
      %dma_start3A_30 = arith.constant 0 : i32
      %dma_start3A_31 = tpu.memref_slice %arg9[%mul3A_0, %dma_start3A_30] : memref<10112x128xf32, #tpu.memory_space<vmem_shared>> -> memref<632x128xf32, #tpu.memory_space<vmem_shared>>
      tpu.enqueue_dma source(%dma_start3A_31 : memref<632x128xf32, #tpu.memory_space<vmem_shared>>) target(%dma_start3A_29 : memref<632x128xf32, #tpu.memory_space<hbm>>) target_semaphore(%run_scoped3A : memref<!tpu.dma_semaphore, #tpu.memory_space<semaphore_mem>>)
      %dma_wait3A = arith.constant 0 : i32
      %dma_wait3A_32 = tpu.memref_slice %arg5[%add3A_16, %mul3A_0, %dma_wait3A] : memref<4x10112x128xf32, #tpu.memory_space<hbm>> -> memref<1x632x128xf32, #tpu.memory_space<hbm>>
      %dma_wait3A_33 = tpu.memref_squeeze %dma_wait3A_32 : memref<1x632x128xf32, #tpu.memory_space<hbm>> -> memref<632x128xf32, #tpu.memory_space<hbm>>
      %dma_wait3A_34 = arith.constant 0 : i32
      %dma_wait3A_35 = tpu.memref_slice %arg9[%mul3A_0, %dma_wait3A_34] : memref<10112x128xf32, #tpu.memory_space<vmem_shared>> -> memref<632x128xf32, #tpu.memory_space<vmem_shared>>
      tpu.wait_dma2 semaphore(%run_scoped3A : memref<!tpu.dma_semaphore, #tpu.memory_space<semaphore_mem>>) src(%dma_wait3A_35 : memref<632x128xf32, #tpu.memory_space<vmem_shared>>) dst(%dma_wait3A_33 : memref<632x128xf32, #tpu.memory_space<hbm>>)
      tpu.yield
    }) : () -> ()
    %barrier3A_27 = arith.constant 0 : index
    tpu.barrier barrier_id(%barrier3A_27)
    return
  }
}

#map = affine_map<(d0, d1) -> (0, 0)>
#map1 = affine_map<(d0, d1) -> (0, 0, 0, 0)>
#map2 = affine_map<(d0, d1) -> (0, 0, 0)>
module attributes {stable_mosaic.version = 14 : i64} {
  func.func @body(%arg0: i32, %arg1: i32, %arg2: memref<40448x128xf32, #tpu.memory_space<hbm>>, %arg3: memref<4x16x79x128xi32, #tpu.memory_space<hbm>>, %arg4: memref<16x79x128xi32, #tpu.memory_space<hbm>>, %arg5: memref<4x10112x128xf32, #tpu.memory_space<hbm>>, %arg6: memref<79x128xi32, #tpu.memory_space<vmem>>, %arg7: memref<79x128xi32, #tpu.memory_space<vmem>>, %arg8: memref<128x128xf32, #tpu.memory_space<vmem>>, %arg9: memref<10112x128xf32, #tpu.memory_space<vmem_shared>>, %arg10: memref<!tpu.dma_semaphore, #tpu.memory_space<semaphore_mem>>) attributes {dimension_semantics = [#tpu.dimension_semantics<core_parallel>, #tpu.dimension_semantics<subcore_parallel>], iteration_bounds = array<i64: 2, 16>, scalar_prefetch = 0 : i64, scratch_operands = 5 : i64, tpu.core_type = #tpu.core_type<sc_vector_subcore>, window_params = [{transform_indices = #map}, {transform_indices = #map1}, {transform_indices = #map2}, {transform_indices = #map2}]} {
    %mul3A = arith.constant 632 : i32
    %mul3A_0 = arith.muli %arg1, %mul3A : i32
    "tpu.region"() ({
      %run_scoped3A = tpu.sem_alloc : memref<!tpu.dma_semaphore, #tpu.memory_space<semaphore_mem>>
      %dma_start3A = arith.constant 0 : i32
      %dma_start3A_28 = arith.constant 0 : i32
      %dma_start3A_29 = tpu.memref_slice %arg4[%arg1, %dma_start3A, %dma_start3A_28] : memref<16x79x128xi32, #tpu.memory_space<hbm>> -> memref<1x79x128xi32, #tpu.memory_space<hbm>>
      %dma_start3A_30 = tpu.memref_squeeze %dma_start3A_29 : memref<1x79x128xi32, #tpu.memory_space<hbm>> -> memref<79x128xi32, #tpu.memory_space<hbm>>
      %dma_start3A_31 = arith.constant 0 : i32
      %dma_start3A_32 = arith.constant 0 : i32
      %dma_start3A_33 = tpu.memref_slice %arg4[%arg1, %dma_start3A_31, %dma_start3A_32] : memref<16x79x128xi32, #tpu.memory_space<hbm>> -> memref<1x79x128xi32, #tpu.memory_space<hbm>>
      %dma_start3A_34 = tpu.memref_squeeze %dma_start3A_33 : memref<1x79x128xi32, #tpu.memory_space<hbm>> -> memref<79x128xi32, #tpu.memory_space<hbm>>
      tpu.enqueue_dma source(%dma_start3A_34 : memref<79x128xi32, #tpu.memory_space<hbm>>) target(%arg7 : memref<79x128xi32, #tpu.memory_space<vmem>>) target_semaphore(%run_scoped3A : memref<!tpu.dma_semaphore, #tpu.memory_space<semaphore_mem>>)
      %dma_wait3A = arith.constant 0 : i32
      %dma_wait3A_35 = arith.constant 0 : i32
      %dma_wait3A_36 = tpu.memref_slice %arg4[%arg1, %dma_wait3A, %dma_wait3A_35] : memref<16x79x128xi32, #tpu.memory_space<hbm>> -> memref<1x79x128xi32, #tpu.memory_space<hbm>>
      %dma_wait3A_37 = tpu.memref_squeeze %dma_wait3A_36 : memref<1x79x128xi32, #tpu.memory_space<hbm>> -> memref<79x128xi32, #tpu.memory_space<hbm>>
      %dma_wait3A_38 = arith.constant 0 : i32
      %dma_wait3A_39 = arith.constant 0 : i32
      %dma_wait3A_40 = tpu.memref_slice %arg4[%arg1, %dma_wait3A_38, %dma_wait3A_39] : memref<16x79x128xi32, #tpu.memory_space<hbm>> -> memref<1x79x128xi32, #tpu.memory_space<hbm>>
      %dma_wait3A_41 = tpu.memref_squeeze %dma_wait3A_40 : memref<1x79x128xi32, #tpu.memory_space<hbm>> -> memref<79x128xi32, #tpu.memory_space<hbm>>
      tpu.wait_dma2 semaphore(%run_scoped3A : memref<!tpu.dma_semaphore, #tpu.memory_space<semaphore_mem>>) src(%dma_wait3A_41 : memref<79x128xi32, #tpu.memory_space<hbm>>) dst(%arg7 : memref<79x128xi32, #tpu.memory_space<vmem>>)
      tpu.yield
    }) : () -> ()
    %mul3A_1 = arith.constant 2 : i32
    %mul3A_2 = arith.muli %arg0, %mul3A_1 : i32
    %add3A = arith.constant 0 : i32
    %add3A_3 = arith.addi %mul3A_2, %add3A : i32
    %mul3A_4 = arith.constant 10112 : i32
    %mul3A_5 = arith.muli %add3A_3, %mul3A_4 : i32
    %add3A_6 = arith.addi %mul3A_5, %mul3A_0 : i32
    "tpu.region"() ({
      %run_scoped3A = tpu.sem_alloc : memref<!tpu.dma_semaphore, #tpu.memory_space<semaphore_mem>>
      %dma_start3A = arith.constant 0 : i32
      %dma_start3A_28 = tpu.memref_slice %arg9[%mul3A_0, %dma_start3A] : memref<10112x128xf32, #tpu.memory_space<vmem_shared>> -> memref<632x128xf32, #tpu.memory_space<vmem_shared>>
      %dma_start3A_29 = arith.constant 0 : i32
      %dma_start3A_30 = tpu.memref_slice %arg2[%add3A_6, %dma_start3A_29] : memref<40448x128xf32, #tpu.memory_space<hbm>> -> memref<632x128xf32, #tpu.memory_space<hbm>>
      tpu.enqueue_dma source(%dma_start3A_30 : memref<632x128xf32, #tpu.memory_space<hbm>>) target(%dma_start3A_28 : memref<632x128xf32, #tpu.memory_space<vmem_shared>>) target_semaphore(%run_scoped3A : memref<!tpu.dma_semaphore, #tpu.memory_space<semaphore_mem>>)
      %dma_wait3A = arith.constant 0 : i32
      %dma_wait3A_31 = tpu.memref_slice %arg9[%mul3A_0, %dma_wait3A] : memref<10112x128xf32, #tpu.memory_space<vmem_shared>> -> memref<632x128xf32, #tpu.memory_space<vmem_shared>>
      %dma_wait3A_32 = arith.constant 0 : i32
      %dma_wait3A_33 = tpu.memref_slice %arg2[%add3A_6, %dma_wait3A_32] : memref<40448x128xf32, #tpu.memory_space<hbm>> -> memref<632x128xf32, #tpu.memory_space<hbm>>
      tpu.wait_dma2 semaphore(%run_scoped3A : memref<!tpu.dma_semaphore, #tpu.memory_space<semaphore_mem>>) src(%dma_wait3A_33 : memref<632x128xf32, #tpu.memory_space<hbm>>) dst(%dma_wait3A_31 : memref<632x128xf32, #tpu.memory_space<vmem_shared>>)
      tpu.yield
    }) : () -> ()
    "tpu.region"() ({
      %run_scoped3A = tpu.sem_alloc : memref<!tpu.dma_semaphore, #tpu.memory_space<semaphore_mem>>
      %dma_start3A = arith.constant 0 : i32
      %dma_start3A_28 = arith.constant 0 : i32
      %dma_start3A_29 = tpu.memref_slice %arg3[%add3A_3, %arg1, %dma_start3A, %dma_start3A_28] : memref<4x16x79x128xi32, #tpu.memory_space<hbm>> -> memref<1x1x79x128xi32, #tpu.memory_space<hbm>>
      %dma_start3A_30 = tpu.memref_squeeze %dma_start3A_29 : memref<1x1x79x128xi32, #tpu.memory_space<hbm>> -> memref<79x128xi32, #tpu.memory_space<hbm>>
      %dma_start3A_31 = arith.constant 0 : i32
      %dma_start3A_32 = arith.constant 0 : i32
      %dma_start3A_33 = tpu.memref_slice %arg3[%add3A_3, %arg1, %dma_start3A_31, %dma_start3A_32] : memref<4x16x79x128xi32, #tpu.memory_space<hbm>> -> memref<1x1x79x128xi32, #tpu.memory_space<hbm>>
      %dma_start3A_34 = tpu.memref_squeeze %dma_start3A_33 : memref<1x1x79x128xi32, #tpu.memory_space<hbm>> -> memref<79x128xi32, #tpu.memory_space<hbm>>
      tpu.enqueue_dma source(%dma_start3A_34 : memref<79x128xi32, #tpu.memory_space<hbm>>) target(%arg6 : memref<79x128xi32, #tpu.memory_space<vmem>>) target_semaphore(%run_scoped3A : memref<!tpu.dma_semaphore, #tpu.memory_space<semaphore_mem>>)
      %dma_wait3A = arith.constant 0 : i32
      %dma_wait3A_35 = arith.constant 0 : i32
      %dma_wait3A_36 = tpu.memref_slice %arg3[%add3A_3, %arg1, %dma_wait3A, %dma_wait3A_35] : memref<4x16x79x128xi32, #tpu.memory_space<hbm>> -> memref<1x1x79x128xi32, #tpu.memory_space<hbm>>
      %dma_wait3A_37 = tpu.memref_squeeze %dma_wait3A_36 : memref<1x1x79x128xi32, #tpu.memory_space<hbm>> -> memref<79x128xi32, #tpu.memory_space<hbm>>
      %dma_wait3A_38 = arith.constant 0 : i32
      %dma_wait3A_39 = arith.constant 0 : i32
      %dma_wait3A_40 = tpu.memref_slice %arg3[%add3A_3, %arg1, %dma_wait3A_38, %dma_wait3A_39] : memref<4x16x79x128xi32, #tpu.memory_space<hbm>> -> memref<1x1x79x128xi32, #tpu.memory_space<hbm>>
      %dma_wait3A_41 = tpu.memref_squeeze %dma_wait3A_40 : memref<1x1x79x128xi32, #tpu.memory_space<hbm>> -> memref<79x128xi32, #tpu.memory_space<hbm>>
      tpu.wait_dma2 semaphore(%run_scoped3A : memref<!tpu.dma_semaphore, #tpu.memory_space<semaphore_mem>>) src(%dma_wait3A_41 : memref<79x128xi32, #tpu.memory_space<hbm>>) dst(%arg6 : memref<79x128xi32, #tpu.memory_space<vmem>>)
      tpu.yield
    }) : () -> ()
    %barrier3A = arith.constant 0 : index
    tpu.barrier barrier_id(%barrier3A)
    %scan3A = arith.constant 0 : i32
    %scan3A_7 = arith.constant 79 : i32
    %scan3A_8 = arith.addi %scan3A, %scan3A_7 : i32
    %scan3A_9 = arith.constant 1 : i32
    scf.for %scan3A_28 = %scan3A to %scan3A_8 step %scan3A_9  : i32 {
      %mul3A_29 = arith.constant 1 : i32
      %mul3A_30 = arith.muli %scan3A_28, %mul3A_29 : i32
      %add3A_31 = arith.constant 0 : i32
      %add3A_32 = arith.addi %add3A_31, %mul3A_30 : i32
      %dma_start3A = arith.constant 0 : i32
      %dma_start3A_33 = tpu.memref_slice %arg6[%add3A_32, %dma_start3A] : memref<79x128xi32, #tpu.memory_space<vmem>> -> memref<1x128xi32, #tpu.memory_space<vmem>>
      %dma_start3A_34 = tpu.memref_squeeze %dma_start3A_33 : memref<1x128xi32, #tpu.memory_space<vmem>> -> memref<128xi32, #tpu.memory_space<vmem>>
      %dma_start3A_35 = arith.constant 0 : i32
      %dma_start3A_36 = arith.constant 0 : i32
      %dma_start3A_37 = tpu.memref_slice %arg2[%dma_start3A_35, %dma_start3A_36] : memref<40448x128xf32, #tpu.memory_space<hbm>> -> memref<40448x128xf32, #tpu.memory_space<hbm>>
      tpu.enqueue_indirect_dma source(%dma_start3A_37 : memref<40448x128xf32, #tpu.memory_space<hbm>>) target(%arg8 : memref<128x128xf32, #tpu.memory_space<vmem>>) offsets(%dma_start3A_34 : memref<128xi32, #tpu.memory_space<vmem>>) semaphore(%arg10 : memref<!tpu.dma_semaphore, #tpu.memory_space<semaphore_mem>>)
      %dma_wait3A = arith.constant 0 : i32
      %dma_wait3A_38 = tpu.memref_slice %arg6[%add3A_32, %dma_wait3A] : memref<79x128xi32, #tpu.memory_space<vmem>> -> memref<1x128xi32, #tpu.memory_space<vmem>>
      %dma_wait3A_39 = tpu.memref_squeeze %dma_wait3A_38 : memref<1x128xi32, #tpu.memory_space<vmem>> -> memref<128xi32, #tpu.memory_space<vmem>>
      %dma_wait3A_40 = arith.constant 0 : i32
      %dma_wait3A_41 = arith.constant 0 : i32
      %dma_wait3A_42 = tpu.memref_slice %arg2[%dma_wait3A_40, %dma_wait3A_41] : memref<40448x128xf32, #tpu.memory_space<hbm>> -> memref<40448x128xf32, #tpu.memory_space<hbm>>
      tpu.wait_indirect_dma semaphore(%arg10 : memref<!tpu.dma_semaphore, #tpu.memory_space<semaphore_mem>>) src(%dma_wait3A_42 : memref<40448x128xf32, #tpu.memory_space<hbm>>) dst(%arg8 : memref<128x128xf32, #tpu.memory_space<vmem>>)
      "tpu.region"() ({
        %run_scoped3A = tpu.sem_alloc : memref<!tpu.dma_semaphore, #tpu.memory_space<semaphore_mem>>
        %dma_start3A_43 = arith.constant 0 : i32
        %dma_start3A_44 = tpu.memref_slice %arg7[%add3A_32, %dma_start3A_43] : memref<79x128xi32, #tpu.memory_space<vmem>> -> memref<1x128xi32, #tpu.memory_space<vmem>>
        %dma_start3A_45 = tpu.memref_squeeze %dma_start3A_44 : memref<1x128xi32, #tpu.memory_space<vmem>> -> memref<128xi32, #tpu.memory_space<vmem>>
        %dma_start3A_46 = arith.constant 0 : i32
        %dma_start3A_47 = arith.constant 0 : i32
        %dma_start3A_48 = tpu.memref_slice %arg9[%dma_start3A_46, %dma_start3A_47] : memref<10112x128xf32, #tpu.memory_space<vmem_shared>> -> memref<10112x128xf32, #tpu.memory_space<vmem_shared>>
        tpu.enqueue_indirect_dma source(%arg8 : memref<128x128xf32, #tpu.memory_space<vmem>>) target(%dma_start3A_48 : memref<10112x128xf32, #tpu.memory_space<vmem_shared>>) offsets(%dma_start3A_45 : memref<128xi32, #tpu.memory_space<vmem>>) semaphore(%run_scoped3A : memref<!tpu.dma_semaphore, #tpu.memory_space<semaphore_mem>>) {add = true}
        %dma_wait3A_49 = arith.constant 0 : i32
        %dma_wait3A_50 = tpu.memref_slice %arg7[%add3A_32, %dma_wait3A_49] : memref<79x128xi32, #tpu.memory_space<vmem>> -> memref<1x128xi32, #tpu.memory_space<vmem>>
        %dma_wait3A_51 = tpu.memref_squeeze %dma_wait3A_50 : memref<1x128xi32, #tpu.memory_space<vmem>> -> memref<128xi32, #tpu.memory_space<vmem>>
        %dma_wait3A_52 = arith.constant 0 : i32
        %dma_wait3A_53 = arith.constant 0 : i32
        %dma_wait3A_54 = tpu.memref_slice %arg9[%dma_wait3A_52, %dma_wait3A_53] : memref<10112x128xf32, #tpu.memory_space<vmem_shared>> -> memref<10112x128xf32, #tpu.memory_space<vmem_shared>>
        tpu.wait_indirect_dma semaphore(%run_scoped3A : memref<!tpu.dma_semaphore, #tpu.memory_space<semaphore_mem>>) src(%arg8 : memref<128x128xf32, #tpu.memory_space<vmem>>) dst(%dma_wait3A_54 : memref<10112x128xf32, #tpu.memory_space<vmem_shared>>)
        tpu.yield
      }) : () -> ()
    }
    %scan3A_10 = arith.constant 79 : i32
    %barrier3A_11 = arith.constant 0 : index
    tpu.barrier barrier_id(%barrier3A_11)
    "tpu.region"() ({
      %run_scoped3A = tpu.sem_alloc : memref<!tpu.dma_semaphore, #tpu.memory_space<semaphore_mem>>
      %dma_start3A = arith.constant 0 : i32
      %dma_start3A_28 = tpu.memref_slice %arg5[%add3A_3, %mul3A_0, %dma_start3A] : memref<4x10112x128xf32, #tpu.memory_space<hbm>> -> memref<1x632x128xf32, #tpu.memory_space<hbm>>
      %dma_start3A_29 = tpu.memref_squeeze %dma_start3A_28 : memref<1x632x128xf32, #tpu.memory_space<hbm>> -> memref<632x128xf32, #tpu.memory_space<hbm>>
      %dma_start3A_30 = arith.constant 0 : i32
      %dma_start3A_31 = tpu.memref_slice %arg9[%mul3A_0, %dma_start3A_30] : memref<10112x128xf32, #tpu.memory_space<vmem_shared>> -> memref<632x128xf32, #tpu.memory_space<vmem_shared>>
      tpu.enqueue_dma source(%dma_start3A_31 : memref<632x128xf32, #tpu.memory_space<vmem_shared>>) target(%dma_start3A_29 : memref<632x128xf32, #tpu.memory_space<hbm>>) target_semaphore(%run_scoped3A : memref<!tpu.dma_semaphore, #tpu.memory_space<semaphore_mem>>)
      %dma_wait3A = arith.constant 0 : i32
      %dma_wait3A_32 = tpu.memref_slice %arg5[%add3A_3, %mul3A_0, %dma_wait3A] : memref<4x10112x128xf32, #tpu.memory_space<hbm>> -> memref<1x632x128xf32, #tpu.memory_space<hbm>>
      %dma_wait3A_33 = tpu.memref_squeeze %dma_wait3A_32 : memref<1x632x128xf32, #tpu.memory_space<hbm>> -> memref<632x128xf32, #tpu.memory_space<hbm>>
      %dma_wait3A_34 = arith.constant 0 : i32
      %dma_wait3A_35 = tpu.memref_slice %arg9[%mul3A_0, %dma_wait3A_34] : memref<10112x128xf32, #tpu.memory_space<vmem_shared>> -> memref<632x128xf32, #tpu.memory_space<vmem_shared>>
      tpu.wait_dma2 semaphore(%run_scoped3A : memref<!tpu.dma_semaphore, #tpu.memory_space<semaphore_mem>>) src(%dma_wait3A_35 : memref<632x128xf32, #tpu.memory_space<vmem_shared>>) dst(%dma_wait3A_33 : memref<632x128xf32, #tpu.memory_space<hbm>>)
      tpu.yield
    }) : () -> ()
    %barrier3A_12 = arith.constant 0 : index
    tpu.barrier barrier_id(%barrier3A_12)
    %mul3A_13 = arith.constant 2 : i32
    %mul3A_14 = arith.muli %arg0, %mul3A_13 : i32
    %add3A_15 = arith.constant 1 : i32
    %add3A_16 = arith.addi %mul3A_14, %add3A_15 : i32
    %mul3A_17 = arith.constant 10112 : i32
    %mul3A_18 = arith.muli %add3A_16, %mul3A_17 : i32
    %add3A_19 = arith.addi %mul3A_18, %mul3A_0 : i32
    "tpu.region"() ({
      %run_scoped3A = tpu.sem_alloc : memref<!tpu.dma_semaphore, #tpu.memory_space<semaphore_mem>>
      %dma_start3A = arith.constant 0 : i32
      %dma_start3A_28 = tpu.memref_slice %arg9[%mul3A_0, %dma_start3A] : memref<10112x128xf32, #tpu.memory_space<vmem_shared>> -> memref<632x128xf32, #tpu.memory_space<vmem_shared>>
      %dma_start3A_29 = arith.constant 0 : i32
      %dma_start3A_30 = tpu.memref_slice %arg2[%add3A_19, %dma_start3A_29] : memref<40448x128xf32, #tpu.memory_space<hbm>> -> memref<632x128xf32, #tpu.memory_space<hbm>>
      tpu.enqueue_dma source(%dma_start3A_30 : memref<632x128xf32, #tpu.memory_space<hbm>>) target(%dma_start3A_28 : memref<632x128xf32, #tpu.memory_space<vmem_shared>>) target_semaphore(%run_scoped3A : memref<!tpu.dma_semaphore, #tpu.memory_space<semaphore_mem>>)
      %dma_wait3A = arith.constant 0 : i32
      %dma_wait3A_31 = tpu.memref_slice %arg9[%mul3A_0, %dma_wait3A] : memref<10112x128xf32, #tpu.memory_space<vmem_shared>> -> memref<632x128xf32, #tpu.memory_space<vmem_shared>>
      %dma_wait3A_32 = arith.constant 0 : i32
      %dma_wait3A_33 = tpu.memref_slice %arg2[%add3A_19, %dma_wait3A_32] : memref<40448x128xf32, #tpu.memory_space<hbm>> -> memref<632x128xf32, #tpu.memory_space<hbm>>
      tpu.wait_dma2 semaphore(%run_scoped3A : memref<!tpu.dma_semaphore, #tpu.memory_space<semaphore_mem>>) src(%dma_wait3A_33 : memref<632x128xf32, #tpu.memory_space<hbm>>) dst(%dma_wait3A_31 : memref<632x128xf32, #tpu.memory_space<vmem_shared>>)
      tpu.yield
    }) : () -> ()
    "tpu.region"() ({
      %run_scoped3A = tpu.sem_alloc : memref<!tpu.dma_semaphore, #tpu.memory_space<semaphore_mem>>
      %dma_start3A = arith.constant 0 : i32
      %dma_start3A_28 = arith.constant 0 : i32
      %dma_start3A_29 = tpu.memref_slice %arg3[%add3A_16, %arg1, %dma_start3A, %dma_start3A_28] : memref<4x16x79x128xi32, #tpu.memory_space<hbm>> -> memref<1x1x79x128xi32, #tpu.memory_space<hbm>>
      %dma_start3A_30 = tpu.memref_squeeze %dma_start3A_29 : memref<1x1x79x128xi32, #tpu.memory_space<hbm>> -> memref<79x128xi32, #tpu.memory_space<hbm>>
      %dma_start3A_31 = arith.constant 0 : i32
      %dma_start3A_32 = arith.constant 0 : i32
      %dma_start3A_33 = tpu.memref_slice %arg3[%add3A_16, %arg1, %dma_start3A_31, %dma_start3A_32] : memref<4x16x79x128xi32, #tpu.memory_space<hbm>> -> memref<1x1x79x128xi32, #tpu.memory_space<hbm>>
      %dma_start3A_34 = tpu.memref_squeeze %dma_start3A_33 : memref<1x1x79x128xi32, #tpu.memory_space<hbm>> -> memref<79x128xi32, #tpu.memory_space<hbm>>
      tpu.enqueue_dma source(%dma_start3A_34 : memref<79x128xi32, #tpu.memory_space<hbm>>) target(%arg6 : memref<79x128xi32, #tpu.memory_space<vmem>>) target_semaphore(%run_scoped3A : memref<!tpu.dma_semaphore, #tpu.memory_space<semaphore_mem>>)
      %dma_wait3A = arith.constant 0 : i32
      %dma_wait3A_35 = arith.constant 0 : i32
      %dma_wait3A_36 = tpu.memref_slice %arg3[%add3A_16, %arg1, %dma_wait3A, %dma_wait3A_35] : memref<4x16x79x128xi32, #tpu.memory_space<hbm>> -> memref<1x1x79x128xi32, #tpu.memory_space<hbm>>
      %dma_wait3A_37 = tpu.memref_squeeze %dma_wait3A_36 : memref<1x1x79x128xi32, #tpu.memory_space<hbm>> -> memref<79x128xi32, #tpu.memory_space<hbm>>
      %dma_wait3A_38 = arith.constant 0 : i32
      %dma_wait3A_39 = arith.constant 0 : i32
      %dma_wait3A_40 = tpu.memref_slice %arg3[%add3A_16, %arg1, %dma_wait3A_38, %dma_wait3A_39] : memref<4x16x79x128xi32, #tpu.memory_space<hbm>> -> memref<1x1x79x128xi32, #tpu.memory_space<hbm>>
      %dma_wait3A_41 = tpu.memref_squeeze %dma_wait3A_40 : memref<1x1x79x128xi32, #tpu.memory_space<hbm>> -> memref<79x128xi32, #tpu.memory_space<hbm>>
      tpu.wait_dma2 semaphore(%run_scoped3A : memref<!tpu.dma_semaphore, #tpu.memory_space<semaphore_mem>>) src(%dma_wait3A_41 : memref<79x128xi32, #tpu.memory_space<hbm>>) dst(%arg6 : memref<79x128xi32, #tpu.memory_space<vmem>>)
      tpu.yield
    }) : () -> ()
    %barrier3A_20 = arith.constant 0 : index
    tpu.barrier barrier_id(%barrier3A_20)
    %scan3A_21 = arith.constant 0 : i32
    %scan3A_22 = arith.constant 79 : i32
    %scan3A_23 = arith.addi %scan3A_21, %scan3A_22 : i32
    %scan3A_24 = arith.constant 1 : i32
    scf.for %scan3A_28 = %scan3A_21 to %scan3A_23 step %scan3A_24  : i32 {
      %mul3A_29 = arith.constant 1 : i32
      %mul3A_30 = arith.muli %scan3A_28, %mul3A_29 : i32
      %add3A_31 = arith.constant 0 : i32
      %add3A_32 = arith.addi %add3A_31, %mul3A_30 : i32
      %dma_start3A = arith.constant 0 : i32
      %dma_start3A_33 = tpu.memref_slice %arg6[%add3A_32, %dma_start3A] : memref<79x128xi32, #tpu.memory_space<vmem>> -> memref<1x128xi32, #tpu.memory_space<vmem>>
      %dma_start3A_34 = tpu.memref_squeeze %dma_start3A_33 : memref<1x128xi32, #tpu.memory_space<vmem>> -> memref<128xi32, #tpu.memory_space<vmem>>
      %dma_start3A_35 = arith.constant 0 : i32
      %dma_start3A_36 = arith.constant 0 : i32
      %dma_start3A_37 = tpu.memref_slice %arg2[%dma_start3A_35, %dma_start3A_36] : memref<40448x128xf32, #tpu.memory_space<hbm>> -> memref<40448x128xf32, #tpu.memory_space<hbm>>
      tpu.enqueue_indirect_dma source(%dma_start3A_37 : memref<40448x128xf32, #tpu.memory_space<hbm>>) target(%arg8 : memref<128x128xf32, #tpu.memory_space<vmem>>) offsets(%dma_start3A_34 : memref<128xi32, #tpu.memory_space<vmem>>) semaphore(%arg10 : memref<!tpu.dma_semaphore, #tpu.memory_space<semaphore_mem>>)
      %dma_wait3A = arith.constant 0 : i32
      %dma_wait3A_38 = tpu.memref_slice %arg6[%add3A_32, %dma_wait3A] : memref<79x128xi32, #tpu.memory_space<vmem>> -> memref<1x128xi32, #tpu.memory_space<vmem>>
      %dma_wait3A_39 = tpu.memref_squeeze %dma_wait3A_38 : memref<1x128xi32, #tpu.memory_space<vmem>> -> memref<128xi32, #tpu.memory_space<vmem>>
      %dma_wait3A_40 = arith.constant 0 : i32
      %dma_wait3A_41 = arith.constant 0 : i32
      %dma_wait3A_42 = tpu.memref_slice %arg2[%dma_wait3A_40, %dma_wait3A_41] : memref<40448x128xf32, #tpu.memory_space<hbm>> -> memref<40448x128xf32, #tpu.memory_space<hbm>>
      tpu.wait_indirect_dma semaphore(%arg10 : memref<!tpu.dma_semaphore, #tpu.memory_space<semaphore_mem>>) src(%dma_wait3A_42 : memref<40448x128xf32, #tpu.memory_space<hbm>>) dst(%arg8 : memref<128x128xf32, #tpu.memory_space<vmem>>)
      "tpu.region"() ({
        %run_scoped3A = tpu.sem_alloc : memref<!tpu.dma_semaphore, #tpu.memory_space<semaphore_mem>>
        %dma_start3A_43 = arith.constant 0 : i32
        %dma_start3A_44 = tpu.memref_slice %arg7[%add3A_32, %dma_start3A_43] : memref<79x128xi32, #tpu.memory_space<vmem>> -> memref<1x128xi32, #tpu.memory_space<vmem>>
        %dma_start3A_45 = tpu.memref_squeeze %dma_start3A_44 : memref<1x128xi32, #tpu.memory_space<vmem>> -> memref<128xi32, #tpu.memory_space<vmem>>
        %dma_start3A_46 = arith.constant 0 : i32
        %dma_start3A_47 = arith.constant 0 : i32
        %dma_start3A_48 = tpu.memref_slice %arg9[%dma_start3A_46, %dma_start3A_47] : memref<10112x128xf32, #tpu.memory_space<vmem_shared>> -> memref<10112x128xf32, #tpu.memory_space<vmem_shared>>
        tpu.enqueue_indirect_dma source(%arg8 : memref<128x128xf32, #tpu.memory_space<vmem>>) target(%dma_start3A_48 : memref<10112x128xf32, #tpu.memory_space<vmem_shared>>) offsets(%dma_start3A_45 : memref<128xi32, #tpu.memory_space<vmem>>) semaphore(%run_scoped3A : memref<!tpu.dma_semaphore, #tpu.memory_space<semaphore_mem>>) {add = true}
        %dma_wait3A_49 = arith.constant 0 : i32
        %dma_wait3A_50 = tpu.memref_slice %arg7[%add3A_32, %dma_wait3A_49] : memref<79x128xi32, #tpu.memory_space<vmem>> -> memref<1x128xi32, #tpu.memory_space<vmem>>
        %dma_wait3A_51 = tpu.memref_squeeze %dma_wait3A_50 : memref<1x128xi32, #tpu.memory_space<vmem>> -> memref<128xi32, #tpu.memory_space<vmem>>
        %dma_wait3A_52 = arith.constant 0 : i32
        %dma_wait3A_53 = arith.constant 0 : i32
        %dma_wait3A_54 = tpu.memref_slice %arg9[%dma_wait3A_52, %dma_wait3A_53] : memref<10112x128xf32, #tpu.memory_space<vmem_shared>> -> memref<10112x128xf32, #tpu.memory_space<vmem_shared>>
        tpu.wait_indirect_dma semaphore(%run_scoped3A : memref<!tpu.dma_semaphore, #tpu.memory_space<semaphore_mem>>) src(%arg8 : memref<128x128xf32, #tpu.memory_space<vmem>>) dst(%dma_wait3A_54 : memref<10112x128xf32, #tpu.memory_space<vmem_shared>>)
        tpu.yield
      }) : () -> ()
    }
    %scan3A_25 = arith.constant 79 : i32
    %barrier3A_26 = arith.constant 0 : index
    tpu.barrier barrier_id(%barrier3A_26)
    "tpu.region"() ({
      %run_scoped3A = tpu.sem_alloc : memref<!tpu.dma_semaphore, #tpu.memory_space<semaphore_mem>>
      %dma_start3A = arith.constant 0 : i32
      %dma_start3A_28 = tpu.memref_slice %arg5[%add3A_16, %mul3A_0, %dma_start3A] : memref<4x10112x128xf32, #tpu.memory_space<hbm>> -> memref<1x632x128xf32, #tpu.memory_space<hbm>>
      %dma_start3A_29 = tpu.memref_squeeze %dma_start3A_28 : memref<1x632x128xf32, #tpu.memory_space<hbm>> -> memref<632x128xf32, #tpu.memory_space<hbm>>
      %dma_start3A_30 = arith.constant 0 : i32
      %dma_start3A_31 = tpu.memref_slice %arg9[%mul3A_0, %dma_start3A_30] : memref<10112x128xf32, #tpu.memory_space<vmem_shared>> -> memref<632x128xf32, #tpu.memory_space<vmem_shared>>
      tpu.enqueue_dma source(%dma_start3A_31 : memref<632x128xf32, #tpu.memory_space<vmem_shared>>) target(%dma_start3A_29 : memref<632x128xf32, #tpu.memory_space<hbm>>) target_semaphore(%run_scoped3A : memref<!tpu.dma_semaphore, #tpu.memory_space<semaphore_mem>>)
      %dma_wait3A = arith.constant 0 : i32
      %dma_wait3A_32 = tpu.memref_slice %arg5[%add3A_16, %mul3A_0, %dma_wait3A] : memref<4x10112x128xf32, #tpu.memory_space<hbm>> -> memref<1x632x128xf32, #tpu.memory_space<hbm>>
      %dma_wait3A_33 = tpu.memref_squeeze %dma_wait3A_32 : memref<1x632x128xf32, #tpu.memory_space<hbm>> -> memref<632x128xf32, #tpu.memory_space<hbm>>
      %dma_wait3A_34 = arith.constant 0 : i32
      %dma_wait3A_35 = tpu.memref_slice %arg9[%mul3A_0, %dma_wait3A_34] : memref<10112x128xf32, #tpu.memory_space<vmem_shared>> -> memref<632x128xf32, #tpu.memory_space<vmem_shared>>
      tpu.wait_dma2 semaphore(%run_scoped3A : memref<!tpu.dma_semaphore, #tpu.memory_space<semaphore_mem>>) src(%dma_wait3A_35 : memref<632x128xf32, #tpu.memory_space<vmem_shared>>) dst(%dma_wait3A_33 : memref<632x128xf32, #tpu.memory_space<hbm>>)
      tpu.yield
    }) : () -> ()
    %barrier3A_27 = arith.constant 0 : index
    tpu.barrier barrier_id(%barrier3A_27)
    return
  }
}

module attributes {stable_mosaic.version = 14 : i64} {
  func.func @body(%arg0: i32, %arg1: memref<1000x256xf32, #tpu.memory_space<vmem>>, %arg2: memref<2x1000x128xf32, #tpu.memory_space<vmem>>, %arg3: memref<8x256xf32, #tpu.memory_space<vmem>>) attributes {dimension_semantics = [#tpu.dimension_semantics<arbitrary>], iteration_bounds = array<i64: 10>, scalar_prefetch = 0 : i64, scratch_operands = 0 : i64, tpu.core_type = #tpu.core_type<tc>, window_params = [{transform_indices = @transform_0, window_bounds = array<i64: 1000, 256>}, {transform_indices = @transform_1, window_bounds = array<i64: 2, 1000, 128>}, {pipeline_mode = #tpu.pipeline_mode<synchronous>, transform_indices = @transform_2, window_bounds = array<i64: 8, 256>}]} {
    %get3A = arith.constant 0 : index
    %get3A_0 = arith.constant 0 : index
    %get3A_1 = vector.load %arg1[%get3A, %get3A_0] : memref<1000x256xf32, #tpu.memory_space<vmem>>, vector<1000x256xf32>
    %slice3A = vector.extract_strided_slice %get3A_1 {offsets = [0, 0], sizes = [1000, 128], strides = [1, 1]} : vector<1000x256xf32> to vector<1000x128xf32>
    %swap3A = arith.constant 0 : index
    %swap3A_2 = arith.constant 0 : index
    %swap3A_3 = arith.constant 0 : index
    %swap3A_4 = vector.load %arg2[%swap3A, %swap3A_2, %swap3A_3] : memref<2x1000x128xf32, #tpu.memory_space<vmem>>, vector<1x1000x128xf32>
    %swap3A_5 = vector.shape_cast %swap3A_4 : vector<1x1000x128xf32> to vector<1000x128xf32>
    %swap3A_6 = vector.shape_cast %slice3A : vector<1000x128xf32> to vector<1x1000x128xf32>
    tpu.vector_store %arg2[%swap3A, %swap3A_2, %swap3A_3], %swap3A_6 {strides = array<i32>} : memref<2x1000x128xf32, #tpu.memory_space<vmem>>, vector<1x1000x128xf32>,
    %slice3A_7 = vector.extract_strided_slice %get3A_1 {offsets = [0, 128], sizes = [1000, 128], strides = [1, 1]} : vector<1000x256xf32> to vector<1000x128xf32>
    %swap3A_8 = arith.constant 1 : index
    %swap3A_9 = arith.constant 0 : index
    %swap3A_10 = arith.constant 0 : index
    %swap3A_11 = vector.load %arg2[%swap3A_8, %swap3A_9, %swap3A_10] : memref<2x1000x128xf32, #tpu.memory_space<vmem>>, vector<1x1000x128xf32>
    %swap3A_12 = vector.shape_cast %swap3A_11 : vector<1x1000x128xf32> to vector<1000x128xf32>
    %swap3A_13 = vector.shape_cast %slice3A_7 : vector<1000x128xf32> to vector<1x1000x128xf32>
    tpu.vector_store %arg2[%swap3A_8, %swap3A_9, %swap3A_10], %swap3A_13 {strides = array<i32>} : memref<2x1000x128xf32, #tpu.memory_space<vmem>>, vector<1x1000x128xf32>,
    %reduce_sum3A = arith.constant dense<0.000000e+00> : vector<256xf32>
    %reduce_sum3A_14 = vector.multi_reduction <add>, %get3A_1, %reduce_sum3A [0] : vector<1000x256xf32> to vector<256xf32>
    %broadcast_in_dim3A = vector.shape_cast %reduce_sum3A_14 : vector<256xf32> to vector<1x256xf32>
    %broadcast_in_dim3A_15 = arith.constant 0.000000e+00 : f32
    %broadcast_in_dim3A_16 = vector.broadcast %broadcast_in_dim3A_15 : f32 to vector<7x256xf32>
    %concatenate3A = tpu.concatenate %broadcast_in_dim3A, %broadcast_in_dim3A_16 in 0 : vector<1x256xf32>, vector<7x256xf32> -> vector<8x256xf32>
    %eq3A = arith.constant 0 : i32
    %eq3A_17 = arith.cmpi eq, %arg0, %eq3A : i32
    %convert_element_type3A = arith.extui %eq3A_17 : i1 to i32
    %cond3A = arith.constant 0 : i32
    %cond3A_18 = arith.cmpi ne, %convert_element_type3A, %cond3A : i32
    scf.if %cond3A_18 {
      %swap3A_23 = arith.constant 0 : index
      %swap3A_24 = arith.constant 0 : index
      %swap3A_25 = vector.load %arg3[%swap3A_23, %swap3A_24] : memref<8x256xf32, #tpu.memory_space<vmem>>, vector<8x256xf32>
      tpu.vector_store %arg3[%swap3A_23, %swap3A_24], %concatenate3A {strides = array<i32>} : memref<8x256xf32, #tpu.memory_space<vmem>>, vector<8x256xf32>,
    } else {
    }
    %gt3A = arith.constant 0 : i32
    %gt3A_19 = arith.cmpi sgt, %arg0, %gt3A : i32
    %convert_element_type3A_20 = arith.extui %gt3A_19 : i1 to i32
    %cond3A_21 = arith.constant 0 : i32
    %cond3A_22 = arith.cmpi ne, %convert_element_type3A_20, %cond3A_21 : i32
    scf.if %cond3A_22 {
      %get3A_23 = arith.constant 0 : index
      %get3A_24 = arith.constant 0 : index
      %get3A_25 = vector.load %arg3[%get3A_23, %get3A_24] : memref<8x256xf32, #tpu.memory_space<vmem>>, vector<8x256xf32>
      %add3A = arith.addf %get3A_25, %concatenate3A : vector<8x256xf32>
      %swap3A_26 = arith.constant 0 : index
      %swap3A_27 = arith.constant 0 : index
      %swap3A_28 = vector.load %arg3[%swap3A_26, %swap3A_27] : memref<8x256xf32, #tpu.memory_space<vmem>>, vector<8x256xf32>
      tpu.vector_store %arg3[%swap3A_26, %swap3A_27], %add3A {strides = array<i32>} : memref<8x256xf32, #tpu.memory_space<vmem>>, vector<8x256xf32>,
    } else {
    }
    return
  }
  func.func @transform_0(%arg0: i32) -> (i32, i32) {
    %c0_i32 = arith.constant 0 : i32
    %c0_i32_0 = arith.constant 0 : i32
    return %arg0, %c0_i32 : i32, i32
  }
  func.func @transform_1(%arg0: i32) -> (i32, i32, i32) {
    %c0_i32 = arith.constant 0 : i32
    %c0_i32_0 = arith.constant 0 : i32
    %c0_i32_1 = arith.constant 0 : i32
    return %c0_i32, %arg0, %c0_i32_0 : i32, i32, i32
  }
  func.func @transform_2(%arg0: i32) -> (i32, i32) {
    %c0_i32 = arith.constant 0 : i32
    %c0_i32_0 = arith.constant 0 : i32
    %c0_i32_1 = arith.constant 0 : i32
    return %c0_i32, %c0_i32_0 : i32, i32
  }
}

module attributes {stable_mosaic.version = 14 : i64} {
  func.func @body(%arg0: i32, %arg1: memref<2x1000x128xf32, #tpu.memory_space<vmem>>, %arg2: memref<2x128x512xf32, #tpu.memory_space<vmem>>, %arg3: memref<1x512xf32, #tpu.memory_space<vmem>>, %arg4: memref<1000x512xf32, #tpu.memory_space<vmem>>, %arg5: memref<8x512xf32, #tpu.memory_space<vmem>>) attributes {dimension_semantics = [#tpu.dimension_semantics<arbitrary>], iteration_bounds = array<i64: 10>, scalar_prefetch = 0 : i64, scratch_operands = 0 : i64, tpu.core_type = #tpu.core_type<tc>, window_params = [{transform_indices = @transform_0, window_bounds = array<i64: 2, 1000, 128>}, {pipeline_mode = #tpu.pipeline_mode<synchronous>, transform_indices = @transform_1, window_bounds = array<i64: 2, 128, 512>}, {pipeline_mode = #tpu.pipeline_mode<synchronous>, transform_indices = @transform_2, window_bounds = array<i64: 1, 512>}, {transform_indices = @transform_3, window_bounds = array<i64: 1000, 512>}, {pipeline_mode = #tpu.pipeline_mode<synchronous>, transform_indices = @transform_4, window_bounds = array<i64: 8, 512>}]} {
    %broadcast_in_dim3A = arith.constant 0.000000e+00 : f32
    %broadcast_in_dim3A_0 = vector.broadcast %broadcast_in_dim3A : f32 to vector<1000x512xf32>
    %get3A = arith.constant 0 : index
    %get3A_1 = arith.constant 0 : index
    %get3A_2 = arith.constant 0 : index
    %get3A_3 = vector.load %arg1[%get3A, %get3A_1, %get3A_2] : memref<2x1000x128xf32, #tpu.memory_space<vmem>>, vector<1x1000x128xf32>
    %get3A_4 = vector.shape_cast %get3A_3 : vector<1x1000x128xf32> to vector<1000x128xf32>
    %get3A_5 = arith.constant 0 : index
    %get3A_6 = arith.constant 0 : index
    %get3A_7 = arith.constant 0 : index
    %get3A_8 = vector.load %arg2[%get3A_5, %get3A_6, %get3A_7] : memref<2x128x512xf32, #tpu.memory_space<vmem>>, vector<1x128x512xf32>
    %get3A_9 = vector.shape_cast %get3A_8 : vector<1x128x512xf32> to vector<128x512xf32>
    %dot_general3A = arith.constant dense<0.000000e+00> : vector<1000x512xf32>
    %dot_general3A_10 = tpu.matmul %get3A_4, %get3A_9, %dot_general3A {dimension_numbers = #tpu.dot_dimension_numbers<[1], [0], [0], [1], [0, 0, 1, 1], [], []>, transpose_lhs_hint = false} : vector<1000x128xf32>, vector<128x512xf32>, vector<1000x512xf32> -> vector<1000x512xf32>
    %add3A = arith.addf %broadcast_in_dim3A_0, %dot_general3A_10 : vector<1000x512xf32>
    %get3A_11 = arith.constant 1 : index
    %get3A_12 = arith.constant 0 : index
    %get3A_13 = arith.constant 0 : index
    %get3A_14 = vector.load %arg1[%get3A_11, %get3A_12, %get3A_13] : memref<2x1000x128xf32, #tpu.memory_space<vmem>>, vector<1x1000x128xf32>
    %get3A_15 = vector.shape_cast %get3A_14 : vector<1x1000x128xf32> to vector<1000x128xf32>
    %get3A_16 = arith.constant 1 : index
    %get3A_17 = arith.constant 0 : index
    %get3A_18 = arith.constant 0 : index
    %get3A_19 = vector.load %arg2[%get3A_16, %get3A_17, %get3A_18] : memref<2x128x512xf32, #tpu.memory_space<vmem>>, vector<1x128x512xf32>
    %get3A_20 = vector.shape_cast %get3A_19 : vector<1x128x512xf32> to vector<128x512xf32>
    %dot_general3A_21 = arith.constant dense<0.000000e+00> : vector<1000x512xf32>
    %dot_general3A_22 = tpu.matmul %get3A_15, %get3A_20, %dot_general3A_21 {dimension_numbers = #tpu.dot_dimension_numbers<[1], [0], [0], [1], [0, 0, 1, 1], [], []>, transpose_lhs_hint = false} : vector<1000x128xf32>, vector<128x512xf32>, vector<1000x512xf32> -> vector<1000x512xf32>
    %add3A_23 = arith.addf %add3A, %dot_general3A_22 : vector<1000x512xf32>
    %get3A_24 = arith.constant 0 : index
    %get3A_25 = arith.constant 0 : index
    %get3A_26 = vector.load %arg3[%get3A_24, %get3A_25] : memref<1x512xf32, #tpu.memory_space<vmem>>, vector<1x512xf32>
    %add3A_27 = vector.broadcast %get3A_26 : vector<1x512xf32> to vector<1000x512xf32>
    %add3A_28 = arith.addf %add3A_23, %add3A_27 : vector<1000x512xf32>
    %swap3A = arith.constant 0 : index
    %swap3A_29 = arith.constant 0 : index
    %swap3A_30 = vector.load %arg4[%swap3A, %swap3A_29] : memref<1000x512xf32, #tpu.memory_space<vmem>>, vector<1000x512xf32>
    tpu.vector_store %arg4[%swap3A, %swap3A_29], %add3A_28 {strides = array<i32>} : memref<1000x512xf32, #tpu.memory_space<vmem>>, vector<1000x512xf32>,
    %reduce_sum3A = arith.constant dense<0.000000e+00> : vector<512xf32>
    %reduce_sum3A_31 = vector.multi_reduction <add>, %add3A_28, %reduce_sum3A [0] : vector<1000x512xf32> to vector<512xf32>
    %broadcast_in_dim3A_32 = vector.shape_cast %reduce_sum3A_31 : vector<512xf32> to vector<1x512xf32>
    %mul3A = arith.mulf %add3A_28, %add3A_28 : vector<1000x512xf32>
    %reduce_sum3A_33 = arith.constant dense<0.000000e+00> : vector<512xf32>
    %reduce_sum3A_34 = vector.multi_reduction <add>, %mul3A, %reduce_sum3A_33 [0] : vector<1000x512xf32> to vector<512xf32>
    %broadcast_in_dim3A_35 = vector.shape_cast %reduce_sum3A_34 : vector<512xf32> to vector<1x512xf32>
    %broadcast_in_dim3A_36 = arith.constant 0.000000e+00 : f32
    %broadcast_in_dim3A_37 = vector.broadcast %broadcast_in_dim3A_36 : f32 to vector<6x512xf32>
    %concatenate3A = tpu.concatenate %broadcast_in_dim3A_32, %broadcast_in_dim3A_35, %broadcast_in_dim3A_37 in 0 : vector<1x512xf32>, vector<1x512xf32>, vector<6x512xf32> -> vector<8x512xf32>
    %eq3A = arith.constant 0 : i32
    %eq3A_38 = arith.cmpi eq, %arg0, %eq3A : i32
    %convert_element_type3A = arith.extui %eq3A_38 : i1 to i32
    %cond3A = arith.constant 0 : i32
    %cond3A_39 = arith.cmpi ne, %convert_element_type3A, %cond3A : i32
    scf.if %cond3A_39 {
      %swap3A_44 = arith.constant 0 : index
      %swap3A_45 = arith.constant 0 : index
      %swap3A_46 = vector.load %arg5[%swap3A_44, %swap3A_45] : memref<8x512xf32, #tpu.memory_space<vmem>>, vector<8x512xf32>
      tpu.vector_store %arg5[%swap3A_44, %swap3A_45], %concatenate3A {strides = array<i32>} : memref<8x512xf32, #tpu.memory_space<vmem>>, vector<8x512xf32>,
    } else {
    }
    %gt3A = arith.constant 0 : i32
    %gt3A_40 = arith.cmpi sgt, %arg0, %gt3A : i32
    %convert_element_type3A_41 = arith.extui %gt3A_40 : i1 to i32
    %cond3A_42 = arith.constant 0 : i32
    %cond3A_43 = arith.cmpi ne, %convert_element_type3A_41, %cond3A_42 : i32
    scf.if %cond3A_43 {
      %get3A_44 = arith.constant 0 : index
      %get3A_45 = arith.constant 0 : index
      %get3A_46 = vector.load %arg5[%get3A_44, %get3A_45] : memref<8x512xf32, #tpu.memory_space<vmem>>, vector<8x512xf32>
      %add3A_47 = arith.addf %get3A_46, %concatenate3A : vector<8x512xf32>
      %swap3A_48 = arith.constant 0 : index
      %swap3A_49 = arith.constant 0 : index
      %swap3A_50 = vector.load %arg5[%swap3A_48, %swap3A_49] : memref<8x512xf32, #tpu.memory_space<vmem>>, vector<8x512xf32>
      tpu.vector_store %arg5[%swap3A_48, %swap3A_49], %add3A_47 {strides = array<i32>} : memref<8x512xf32, #tpu.memory_space<vmem>>, vector<8x512xf32>,
    } else {
    }
    return
  }
  func.func @transform_0(%arg0: i32) -> (i32, i32, i32) {
    %c0_i32 = arith.constant 0 : i32
    %c0_i32_0 = arith.constant 0 : i32
    %c0_i32_1 = arith.constant 0 : i32
    return %c0_i32, %arg0, %c0_i32_0 : i32, i32, i32
  }
  func.func @transform_1(%arg0: i32) -> (i32, i32, i32) {
    %c0_i32 = arith.constant 0 : i32
    %c0_i32_0 = arith.constant 0 : i32
    %c0_i32_1 = arith.constant 0 : i32
    %c0_i32_2 = arith.constant 0 : i32
    return %c0_i32, %c0_i32_0, %c0_i32_1 : i32, i32, i32
  }
  func.func @transform_2(%arg0: i32) -> (i32, i32) {
    %c0_i32 = arith.constant 0 : i32
    %c0_i32_0 = arith.constant 0 : i32
    %c0_i32_1 = arith.constant 0 : i32
    return %c0_i32, %c0_i32_0 : i32, i32
  }
  func.func @transform_3(%arg0: i32) -> (i32, i32) {
    %c0_i32 = arith.constant 0 : i32
    %c0_i32_0 = arith.constant 0 : i32
    return %arg0, %c0_i32 : i32, i32
  }
  func.func @transform_4(%arg0: i32) -> (i32, i32) {
    %c0_i32 = arith.constant 0 : i32
    %c0_i32_0 = arith.constant 0 : i32
    %c0_i32_1 = arith.constant 0 : i32
    return %c0_i32, %c0_i32_0 : i32, i32
  }
}

module attributes {stable_mosaic.version = 14 : i64} {
  func.func @body(%arg0: i32, %arg1: memref<1000x512xf32, #tpu.memory_space<vmem>>, %arg2: memref<8x512xf32, #tpu.memory_space<vmem>>, %arg3: memref<1x512xf32, #tpu.memory_space<vmem>>, %arg4: memref<1x512xf32, #tpu.memory_space<vmem>>, %arg5: memref<512x512xf32, #tpu.memory_space<vmem>>, %arg6: memref<1x512xf32, #tpu.memory_space<vmem>>, %arg7: memref<1000x512xf32, #tpu.memory_space<vmem>>, %arg8: memref<8x512xf32, #tpu.memory_space<vmem>>) attributes {dimension_semantics = [#tpu.dimension_semantics<arbitrary>], iteration_bounds = array<i64: 10>, scalar_prefetch = 0 : i64, scratch_operands = 0 : i64, tpu.core_type = #tpu.core_type<tc>, window_params = [{transform_indices = @transform_0, window_bounds = array<i64: 1000, 512>}, {pipeline_mode = #tpu.pipeline_mode<synchronous>, transform_indices = @transform_1, window_bounds = array<i64: 8, 512>}, {pipeline_mode = #tpu.pipeline_mode<synchronous>, transform_indices = @transform_2, window_bounds = array<i64: 1, 512>}, {pipeline_mode = #tpu.pipeline_mode<synchronous>, transform_indices = @transform_3, window_bounds = array<i64: 1, 512>}, {pipeline_mode = #tpu.pipeline_mode<synchronous>, transform_indices = @transform_4, window_bounds = array<i64: 512, 512>}, {pipeline_mode = #tpu.pipeline_mode<synchronous>, transform_indices = @transform_5, window_bounds = array<i64: 1, 512>}, {transform_indices = @transform_6, window_bounds = array<i64: 1000, 512>}, {pipeline_mode = #tpu.pipeline_mode<synchronous>, transform_indices = @transform_7, window_bounds = array<i64: 8, 512>}]} {
    %get3A = arith.constant 0 : index
    %get3A_0 = arith.constant 0 : index
    %get3A_1 = vector.load %arg2[%get3A, %get3A_0] : memref<8x512xf32, #tpu.memory_space<vmem>>, vector<1x512xf32>
    %mul3A = arith.constant 9.99999974E-5 : f32
    %mul3A_2 = vector.broadcast %mul3A : f32 to vector<1x512xf32>
    %mul3A_3 = arith.mulf %get3A_1, %mul3A_2 : vector<1x512xf32>
    %get3A_4 = arith.constant 1 : index
    %get3A_5 = arith.constant 0 : index
    %get3A_6 = vector.load %arg2[%get3A_4, %get3A_5] : memref<8x512xf32, #tpu.memory_space<vmem>>, vector<1x512xf32>
    %mul3A_7 = arith.constant 9.99999974E-5 : f32
    %mul3A_8 = vector.broadcast %mul3A_7 : f32 to vector<1x512xf32>
    %mul3A_9 = arith.mulf %get3A_6, %mul3A_8 : vector<1x512xf32>
    %mul3A_10 = arith.mulf %mul3A_3, %mul3A_3 : vector<1x512xf32>
    %sub3A = arith.subf %mul3A_9, %mul3A_10 : vector<1x512xf32>
    %get3A_11 = arith.constant 0 : index
    %get3A_12 = arith.constant 0 : index
    %get3A_13 = vector.load %arg3[%get3A_11, %get3A_12] : memref<1x512xf32, #tpu.memory_space<vmem>>, vector<1x512xf32>
    %add3A = arith.constant 9.99999974E-6 : f32
    %add3A_14 = vector.broadcast %add3A : f32 to vector<1x512xf32>
    %add3A_15 = arith.addf %sub3A, %add3A_14 : vector<1x512xf32>
    %rsqrt3A = math.rsqrt %add3A_15 : vector<1x512xf32>
    %mul3A_16 = arith.mulf %get3A_13, %rsqrt3A : vector<1x512xf32>
    %get3A_17 = arith.constant 0 : index
    %get3A_18 = arith.constant 0 : index
    %get3A_19 = vector.load %arg4[%get3A_17, %get3A_18] : memref<1x512xf32, #tpu.memory_space<vmem>>, vector<1x512xf32>
    %mul3A_20 = arith.mulf %mul3A_3, %mul3A_16 : vector<1x512xf32>
    %sub3A_21 = arith.subf %get3A_19, %mul3A_20 : vector<1x512xf32>
    %get3A_22 = arith.constant 0 : index
    %get3A_23 = arith.constant 0 : index
    %get3A_24 = vector.load %arg1[%get3A_22, %get3A_23] : memref<1000x512xf32, #tpu.memory_space<vmem>>, vector<1000x512xf32>
    %mul3A_25 = vector.broadcast %mul3A_16 : vector<1x512xf32> to vector<1000x512xf32>
    %mul3A_26 = arith.mulf %get3A_24, %mul3A_25 : vector<1000x512xf32>
    %add3A_27 = vector.broadcast %sub3A_21 : vector<1x512xf32> to vector<1000x512xf32>
    %add3A_28 = arith.addf %mul3A_26, %add3A_27 : vector<1000x512xf32>
    %max3A = arith.constant 0.000000e+00 : f32
    %max3A_29 = vector.broadcast %max3A : f32 to vector<1000x512xf32>
    %max3A_30 = arith.maximumf %add3A_28, %max3A_29 : vector<1000x512xf32>
    %get3A_31 = arith.constant 0 : index
    %get3A_32 = arith.constant 0 : index
    %get3A_33 = vector.load %arg5[%get3A_31, %get3A_32] : memref<512x512xf32, #tpu.memory_space<vmem>>, vector<512x512xf32>
    %dot_general3A = arith.constant dense<0.000000e+00> : vector<1000x512xf32>
    %dot_general3A_34 = tpu.matmul %max3A_30, %get3A_33, %dot_general3A {dimension_numbers = #tpu.dot_dimension_numbers<[1], [0], [0], [1], [0, 0, 1, 1], [], []>, transpose_lhs_hint = false} : vector<1000x512xf32>, vector<512x512xf32>, vector<1000x512xf32> -> vector<1000x512xf32>
    %get3A_35 = arith.constant 0 : index
    %get3A_36 = arith.constant 0 : index
    %get3A_37 = vector.load %arg6[%get3A_35, %get3A_36] : memref<1x512xf32, #tpu.memory_space<vmem>>, vector<1x512xf32>
    %add3A_38 = vector.broadcast %get3A_37 : vector<1x512xf32> to vector<1000x512xf32>
    %add3A_39 = arith.addf %dot_general3A_34, %add3A_38 : vector<1000x512xf32>
    %swap3A = arith.constant 0 : index
    %swap3A_40 = arith.constant 0 : index
    %swap3A_41 = vector.load %arg7[%swap3A, %swap3A_40] : memref<1000x512xf32, #tpu.memory_space<vmem>>, vector<1000x512xf32>
    tpu.vector_store %arg7[%swap3A, %swap3A_40], %add3A_39 {strides = array<i32>} : memref<1000x512xf32, #tpu.memory_space<vmem>>, vector<1000x512xf32>,
    %reduce_sum3A = arith.constant dense<0.000000e+00> : vector<512xf32>
    %reduce_sum3A_42 = vector.multi_reduction <add>, %add3A_39, %reduce_sum3A [0] : vector<1000x512xf32> to vector<512xf32>
    %broadcast_in_dim3A = vector.shape_cast %reduce_sum3A_42 : vector<512xf32> to vector<1x512xf32>
    %mul3A_43 = arith.mulf %add3A_39, %add3A_39 : vector<1000x512xf32>
    %reduce_sum3A_44 = arith.constant dense<0.000000e+00> : vector<512xf32>
    %reduce_sum3A_45 = vector.multi_reduction <add>, %mul3A_43, %reduce_sum3A_44 [0] : vector<1000x512xf32> to vector<512xf32>
    %broadcast_in_dim3A_46 = vector.shape_cast %reduce_sum3A_45 : vector<512xf32> to vector<1x512xf32>
    %broadcast_in_dim3A_47 = arith.constant 0.000000e+00 : f32
    %broadcast_in_dim3A_48 = vector.broadcast %broadcast_in_dim3A_47 : f32 to vector<6x512xf32>
    %concatenate3A = tpu.concatenate %broadcast_in_dim3A, %broadcast_in_dim3A_46, %broadcast_in_dim3A_48 in 0 : vector<1x512xf32>, vector<1x512xf32>, vector<6x512xf32> -> vector<8x512xf32>
    %eq3A = arith.constant 0 : i32
    %eq3A_49 = arith.cmpi eq, %arg0, %eq3A : i32
    %convert_element_type3A = arith.extui %eq3A_49 : i1 to i32
    %cond3A = arith.constant 0 : i32
    %cond3A_50 = arith.cmpi ne, %convert_element_type3A, %cond3A : i32
    scf.if %cond3A_50 {
      %swap3A_55 = arith.constant 0 : index
      %swap3A_56 = arith.constant 0 : index
      %swap3A_57 = vector.load %arg8[%swap3A_55, %swap3A_56] : memref<8x512xf32, #tpu.memory_space<vmem>>, vector<8x512xf32>
      tpu.vector_store %arg8[%swap3A_55, %swap3A_56], %concatenate3A {strides = array<i32>} : memref<8x512xf32, #tpu.memory_space<vmem>>, vector<8x512xf32>,
    } else {
    }
    %gt3A = arith.constant 0 : i32
    %gt3A_51 = arith.cmpi sgt, %arg0, %gt3A : i32
    %convert_element_type3A_52 = arith.extui %gt3A_51 : i1 to i32
    %cond3A_53 = arith.constant 0 : i32
    %cond3A_54 = arith.cmpi ne, %convert_element_type3A_52, %cond3A_53 : i32
    scf.if %cond3A_54 {
      %get3A_55 = arith.constant 0 : index
      %get3A_56 = arith.constant 0 : index
      %get3A_57 = vector.load %arg8[%get3A_55, %get3A_56] : memref<8x512xf32, #tpu.memory_space<vmem>>, vector<8x512xf32>
      %add3A_58 = arith.addf %get3A_57, %concatenate3A : vector<8x512xf32>
      %swap3A_59 = arith.constant 0 : index
      %swap3A_60 = arith.constant 0 : index
      %swap3A_61 = vector.load %arg8[%swap3A_59, %swap3A_60] : memref<8x512xf32, #tpu.memory_space<vmem>>, vector<8x512xf32>
      tpu.vector_store %arg8[%swap3A_59, %swap3A_60], %add3A_58 {strides = array<i32>} : memref<8x512xf32, #tpu.memory_space<vmem>>, vector<8x512xf32>,
    } else {
    }
    return
  }
  func.func @transform_0(%arg0: i32) -> (i32, i32) {
    %c0_i32 = arith.constant 0 : i32
    %c0_i32_0 = arith.constant 0 : i32
    return %arg0, %c0_i32 : i32, i32
  }
  func.func @transform_1(%arg0: i32) -> (i32, i32) {
    %c0_i32 = arith.constant 0 : i32
    %c0_i32_0 = arith.constant 0 : i32
    %c0_i32_1 = arith.constant 0 : i32
    return %c0_i32, %c0_i32_0 : i32, i32
  }
  func.func @transform_2(%arg0: i32) -> (i32, i32) {
    %c0_i32 = arith.constant 0 : i32
    %c0_i32_0 = arith.constant 0 : i32
    %c0_i32_1 = arith.constant 0 : i32
    return %c0_i32, %c0_i32_0 : i32, i32
  }
  func.func @transform_3(%arg0: i32) -> (i32, i32) {
    %c0_i32 = arith.constant 0 : i32
    %c0_i32_0 = arith.constant 0 : i32
    %c0_i32_1 = arith.constant 0 : i32
    return %c0_i32, %c0_i32_0 : i32, i32
  }
  func.func @transform_4(%arg0: i32) -> (i32, i32) {
    %c0_i32 = arith.constant 0 : i32
    %c0_i32_0 = arith.constant 0 : i32
    %c0_i32_1 = arith.constant 0 : i32
    return %c0_i32, %c0_i32_0 : i32, i32
  }
  func.func @transform_5(%arg0: i32) -> (i32, i32) {
    %c0_i32 = arith.constant 0 : i32
    %c0_i32_0 = arith.constant 0 : i32
    %c0_i32_1 = arith.constant 0 : i32
    return %c0_i32, %c0_i32_0 : i32, i32
  }
  func.func @transform_6(%arg0: i32) -> (i32, i32) {
    %c0_i32 = arith.constant 0 : i32
    %c0_i32_0 = arith.constant 0 : i32
    return %arg0, %c0_i32 : i32, i32
  }
  func.func @transform_7(%arg0: i32) -> (i32, i32) {
    %c0_i32 = arith.constant 0 : i32
    %c0_i32_0 = arith.constant 0 : i32
    %c0_i32_1 = arith.constant 0 : i32
    return %c0_i32, %c0_i32_0 : i32, i32
  }
}

module attributes {stable_mosaic.version = 14 : i64} {
  func.func @body(%arg0: i32, %arg1: memref<1000x512xf32, #tpu.memory_space<vmem>>, %arg2: memref<8x512xf32, #tpu.memory_space<vmem>>, %arg3: memref<1x512xf32, #tpu.memory_space<vmem>>, %arg4: memref<1x512xf32, #tpu.memory_space<vmem>>, %arg5: memref<4x1000x128xf32, #tpu.memory_space<vmem>>, %arg6: memref<8x512xf32, #tpu.memory_space<vmem>>) attributes {dimension_semantics = [#tpu.dimension_semantics<arbitrary>], iteration_bounds = array<i64: 10>, scalar_prefetch = 0 : i64, scratch_operands = 0 : i64, tpu.core_type = #tpu.core_type<tc>, window_params = [{transform_indices = @transform_0, window_bounds = array<i64: 1000, 512>}, {pipeline_mode = #tpu.pipeline_mode<synchronous>, transform_indices = @transform_1, window_bounds = array<i64: 8, 512>}, {pipeline_mode = #tpu.pipeline_mode<synchronous>, transform_indices = @transform_2, window_bounds = array<i64: 1, 512>}, {pipeline_mode = #tpu.pipeline_mode<synchronous>, transform_indices = @transform_3, window_bounds = array<i64: 1, 512>}, {transform_indices = @transform_4, window_bounds = array<i64: 4, 1000, 128>}, {pipeline_mode = #tpu.pipeline_mode<synchronous>, transform_indices = @transform_5, window_bounds = array<i64: 8, 512>}]} {
    %get3A = arith.constant 0 : index
    %get3A_0 = arith.constant 0 : index
    %get3A_1 = vector.load %arg2[%get3A, %get3A_0] : memref<8x512xf32, #tpu.memory_space<vmem>>, vector<1x512xf32>
    %mul3A = arith.constant 9.99999974E-5 : f32
    %mul3A_2 = vector.broadcast %mul3A : f32 to vector<1x512xf32>
    %mul3A_3 = arith.mulf %get3A_1, %mul3A_2 : vector<1x512xf32>
    %get3A_4 = arith.constant 1 : index
    %get3A_5 = arith.constant 0 : index
    %get3A_6 = vector.load %arg2[%get3A_4, %get3A_5] : memref<8x512xf32, #tpu.memory_space<vmem>>, vector<1x512xf32>
    %mul3A_7 = arith.constant 9.99999974E-5 : f32
    %mul3A_8 = vector.broadcast %mul3A_7 : f32 to vector<1x512xf32>
    %mul3A_9 = arith.mulf %get3A_6, %mul3A_8 : vector<1x512xf32>
    %mul3A_10 = arith.mulf %mul3A_3, %mul3A_3 : vector<1x512xf32>
    %sub3A = arith.subf %mul3A_9, %mul3A_10 : vector<1x512xf32>
    %get3A_11 = arith.constant 0 : index
    %get3A_12 = arith.constant 0 : index
    %get3A_13 = vector.load %arg3[%get3A_11, %get3A_12] : memref<1x512xf32, #tpu.memory_space<vmem>>, vector<1x512xf32>
    %add3A = arith.constant 9.99999974E-6 : f32
    %add3A_14 = vector.broadcast %add3A : f32 to vector<1x512xf32>
    %add3A_15 = arith.addf %sub3A, %add3A_14 : vector<1x512xf32>
    %rsqrt3A = math.rsqrt %add3A_15 : vector<1x512xf32>
    %mul3A_16 = arith.mulf %get3A_13, %rsqrt3A : vector<1x512xf32>
    %get3A_17 = arith.constant 0 : index
    %get3A_18 = arith.constant 0 : index
    %get3A_19 = vector.load %arg4[%get3A_17, %get3A_18] : memref<1x512xf32, #tpu.memory_space<vmem>>, vector<1x512xf32>
    %mul3A_20 = arith.mulf %mul3A_3, %mul3A_16 : vector<1x512xf32>
    %sub3A_21 = arith.subf %get3A_19, %mul3A_20 : vector<1x512xf32>
    %get3A_22 = arith.constant 0 : index
    %get3A_23 = arith.constant 0 : index
    %get3A_24 = vector.load %arg1[%get3A_22, %get3A_23] : memref<1000x512xf32, #tpu.memory_space<vmem>>, vector<1000x512xf32>
    %mul3A_25 = vector.broadcast %mul3A_16 : vector<1x512xf32> to vector<1000x512xf32>
    %mul3A_26 = arith.mulf %get3A_24, %mul3A_25 : vector<1000x512xf32>
    %add3A_27 = vector.broadcast %sub3A_21 : vector<1x512xf32> to vector<1000x512xf32>
    %add3A_28 = arith.addf %mul3A_26, %add3A_27 : vector<1000x512xf32>
    %max3A = arith.constant 0.000000e+00 : f32
    %max3A_29 = vector.broadcast %max3A : f32 to vector<1000x512xf32>
    %max3A_30 = arith.maximumf %add3A_28, %max3A_29 : vector<1000x512xf32>
    %slice3A = vector.extract_strided_slice %max3A_30 {offsets = [0, 0], sizes = [1000, 128], strides = [1, 1]} : vector<1000x512xf32> to vector<1000x128xf32>
    %swap3A = arith.constant 0 : index
    %swap3A_31 = arith.constant 0 : index
    %swap3A_32 = arith.constant 0 : index
    %swap3A_33 = vector.load %arg5[%swap3A, %swap3A_31, %swap3A_32] : memref<4x1000x128xf32, #tpu.memory_space<vmem>>, vector<1x1000x128xf32>
    %swap3A_34 = vector.shape_cast %swap3A_33 : vector<1x1000x128xf32> to vector<1000x128xf32>
    %swap3A_35 = vector.shape_cast %slice3A : vector<1000x128xf32> to vector<1x1000x128xf32>
    tpu.vector_store %arg5[%swap3A, %swap3A_31, %swap3A_32], %swap3A_35 {strides = array<i32>} : memref<4x1000x128xf32, #tpu.memory_space<vmem>>, vector<1x1000x128xf32>,
    %slice3A_36 = vector.extract_strided_slice %max3A_30 {offsets = [0, 128], sizes = [1000, 128], strides = [1, 1]} : vector<1000x512xf32> to vector<1000x128xf32>
    %swap3A_37 = arith.constant 1 : index
    %swap3A_38 = arith.constant 0 : index
    %swap3A_39 = arith.constant 0 : index
    %swap3A_40 = vector.load %arg5[%swap3A_37, %swap3A_38, %swap3A_39] : memref<4x1000x128xf32, #tpu.memory_space<vmem>>, vector<1x1000x128xf32>
    %swap3A_41 = vector.shape_cast %swap3A_40 : vector<1x1000x128xf32> to vector<1000x128xf32>
    %swap3A_42 = vector.shape_cast %slice3A_36 : vector<1000x128xf32> to vector<1x1000x128xf32>
    tpu.vector_store %arg5[%swap3A_37, %swap3A_38, %swap3A_39], %swap3A_42 {strides = array<i32>} : memref<4x1000x128xf32, #tpu.memory_space<vmem>>, vector<1x1000x128xf32>,
    %slice3A_43 = vector.extract_strided_slice %max3A_30 {offsets = [0, 256], sizes = [1000, 128], strides = [1, 1]} : vector<1000x512xf32> to vector<1000x128xf32>
    %swap3A_44 = arith.constant 2 : index
    %swap3A_45 = arith.constant 0 : index
    %swap3A_46 = arith.constant 0 : index
    %swap3A_47 = vector.load %arg5[%swap3A_44, %swap3A_45, %swap3A_46] : memref<4x1000x128xf32, #tpu.memory_space<vmem>>, vector<1x1000x128xf32>
    %swap3A_48 = vector.shape_cast %swap3A_47 : vector<1x1000x128xf32> to vector<1000x128xf32>
    %swap3A_49 = vector.shape_cast %slice3A_43 : vector<1000x128xf32> to vector<1x1000x128xf32>
    tpu.vector_store %arg5[%swap3A_44, %swap3A_45, %swap3A_46], %swap3A_49 {strides = array<i32>} : memref<4x1000x128xf32, #tpu.memory_space<vmem>>, vector<1x1000x128xf32>,
    %slice3A_50 = vector.extract_strided_slice %max3A_30 {offsets = [0, 384], sizes = [1000, 128], strides = [1, 1]} : vector<1000x512xf32> to vector<1000x128xf32>
    %swap3A_51 = arith.constant 3 : index
    %swap3A_52 = arith.constant 0 : index
    %swap3A_53 = arith.constant 0 : index
    %swap3A_54 = vector.load %arg5[%swap3A_51, %swap3A_52, %swap3A_53] : memref<4x1000x128xf32, #tpu.memory_space<vmem>>, vector<1x1000x128xf32>
    %swap3A_55 = vector.shape_cast %swap3A_54 : vector<1x1000x128xf32> to vector<1000x128xf32>
    %swap3A_56 = vector.shape_cast %slice3A_50 : vector<1000x128xf32> to vector<1x1000x128xf32>
    tpu.vector_store %arg5[%swap3A_51, %swap3A_52, %swap3A_53], %swap3A_56 {strides = array<i32>} : memref<4x1000x128xf32, #tpu.memory_space<vmem>>, vector<1x1000x128xf32>,
    %reduce_sum3A = arith.constant dense<0.000000e+00> : vector<512xf32>
    %reduce_sum3A_57 = vector.multi_reduction <add>, %max3A_30, %reduce_sum3A [0] : vector<1000x512xf32> to vector<512xf32>
    %broadcast_in_dim3A = vector.shape_cast %reduce_sum3A_57 : vector<512xf32> to vector<1x512xf32>
    %broadcast_in_dim3A_58 = arith.constant 0.000000e+00 : f32
    %broadcast_in_dim3A_59 = vector.broadcast %broadcast_in_dim3A_58 : f32 to vector<7x512xf32>
    %concatenate3A = tpu.concatenate %broadcast_in_dim3A, %broadcast_in_dim3A_59 in 0 : vector<1x512xf32>, vector<7x512xf32> -> vector<8x512xf32>
    %eq3A = arith.constant 0 : i32
    %eq3A_60 = arith.cmpi eq, %arg0, %eq3A : i32
    %convert_element_type3A = arith.extui %eq3A_60 : i1 to i32
    %cond3A = arith.constant 0 : i32
    %cond3A_61 = arith.cmpi ne, %convert_element_type3A, %cond3A : i32
    scf.if %cond3A_61 {
      %swap3A_66 = arith.constant 0 : index
      %swap3A_67 = arith.constant 0 : index
      %swap3A_68 = vector.load %arg6[%swap3A_66, %swap3A_67] : memref<8x512xf32, #tpu.memory_space<vmem>>, vector<8x512xf32>
      tpu.vector_store %arg6[%swap3A_66, %swap3A_67], %concatenate3A {strides = array<i32>} : memref<8x512xf32, #tpu.memory_space<vmem>>, vector<8x512xf32>,
    } else {
    }
    %gt3A = arith.constant 0 : i32
    %gt3A_62 = arith.cmpi sgt, %arg0, %gt3A : i32
    %convert_element_type3A_63 = arith.extui %gt3A_62 : i1 to i32
    %cond3A_64 = arith.constant 0 : i32
    %cond3A_65 = arith.cmpi ne, %convert_element_type3A_63, %cond3A_64 : i32
    scf.if %cond3A_65 {
      %get3A_66 = arith.constant 0 : index
      %get3A_67 = arith.constant 0 : index
      %get3A_68 = vector.load %arg6[%get3A_66, %get3A_67] : memref<8x512xf32, #tpu.memory_space<vmem>>, vector<8x512xf32>
      %add3A_69 = arith.addf %get3A_68, %concatenate3A : vector<8x512xf32>
      %swap3A_70 = arith.constant 0 : index
      %swap3A_71 = arith.constant 0 : index
      %swap3A_72 = vector.load %arg6[%swap3A_70, %swap3A_71] : memref<8x512xf32, #tpu.memory_space<vmem>>, vector<8x512xf32>
      tpu.vector_store %arg6[%swap3A_70, %swap3A_71], %add3A_69 {strides = array<i32>} : memref<8x512xf32, #tpu.memory_space<vmem>>, vector<8x512xf32>,
    } else {
    }
    return
  }
  func.func @transform_0(%arg0: i32) -> (i32, i32) {
    %c0_i32 = arith.constant 0 : i32
    %c0_i32_0 = arith.constant 0 : i32
    return %arg0, %c0_i32 : i32, i32
  }
  func.func @transform_1(%arg0: i32) -> (i32, i32) {
    %c0_i32 = arith.constant 0 : i32
    %c0_i32_0 = arith.constant 0 : i32
    %c0_i32_1 = arith.constant 0 : i32
    return %c0_i32, %c0_i32_0 : i32, i32
  }
  func.func @transform_2(%arg0: i32) -> (i32, i32) {
    %c0_i32 = arith.constant 0 : i32
    %c0_i32_0 = arith.constant 0 : i32
    %c0_i32_1 = arith.constant 0 : i32
    return %c0_i32, %c0_i32_0 : i32, i32
  }
  func.func @transform_3(%arg0: i32) -> (i32, i32) {
    %c0_i32 = arith.constant 0 : i32
    %c0_i32_0 = arith.constant 0 : i32
    %c0_i32_1 = arith.constant 0 : i32
    return %c0_i32, %c0_i32_0 : i32, i32
  }
  func.func @transform_4(%arg0: i32) -> (i32, i32, i32) {
    %c0_i32 = arith.constant 0 : i32
    %c0_i32_0 = arith.constant 0 : i32
    %c0_i32_1 = arith.constant 0 : i32
    return %c0_i32, %arg0, %c0_i32_0 : i32, i32, i32
  }
  func.func @transform_5(%arg0: i32) -> (i32, i32) {
    %c0_i32 = arith.constant 0 : i32
    %c0_i32_0 = arith.constant 0 : i32
    %c0_i32_1 = arith.constant 0 : i32
    return %c0_i32, %c0_i32_0 : i32, i32
  }
}

module attributes {stable_mosaic.version = 14 : i64} {
  func.func @body(%arg0: i32, %arg1: memref<4x1000x128xf32, #tpu.memory_space<vmem>>, %arg2: memref<4x128x512xf32, #tpu.memory_space<vmem>>, %arg3: memref<1x512xf32, #tpu.memory_space<vmem>>, %arg4: memref<1000x512xf32, #tpu.memory_space<vmem>>, %arg5: memref<8x512xf32, #tpu.memory_space<vmem>>) attributes {dimension_semantics = [#tpu.dimension_semantics<arbitrary>], iteration_bounds = array<i64: 10>, scalar_prefetch = 0 : i64, scratch_operands = 0 : i64, tpu.core_type = #tpu.core_type<tc>, window_params = [{transform_indices = @transform_0, window_bounds = array<i64: 4, 1000, 128>}, {pipeline_mode = #tpu.pipeline_mode<synchronous>, transform_indices = @transform_1, window_bounds = array<i64: 4, 128, 512>}, {pipeline_mode = #tpu.pipeline_mode<synchronous>, transform_indices = @transform_2, window_bounds = array<i64: 1, 512>}, {transform_indices = @transform_3, window_bounds = array<i64: 1000, 512>}, {pipeline_mode = #tpu.pipeline_mode<synchronous>, transform_indices = @transform_4, window_bounds = array<i64: 8, 512>}]} {
    %broadcast_in_dim3A = arith.constant 0.000000e+00 : f32
    %broadcast_in_dim3A_0 = vector.broadcast %broadcast_in_dim3A : f32 to vector<1000x512xf32>
    %get3A = arith.constant 0 : index
    %get3A_1 = arith.constant 0 : index
    %get3A_2 = arith.constant 0 : index
    %get3A_3 = vector.load %arg1[%get3A, %get3A_1, %get3A_2] : memref<4x1000x128xf32, #tpu.memory_space<vmem>>, vector<1x1000x128xf32>
    %get3A_4 = vector.shape_cast %get3A_3 : vector<1x1000x128xf32> to vector<1000x128xf32>
    %get3A_5 = arith.constant 0 : index
    %get3A_6 = arith.constant 0 : index
    %get3A_7 = arith.constant 0 : index
    %get3A_8 = vector.load %arg2[%get3A_5, %get3A_6, %get3A_7] : memref<4x128x512xf32, #tpu.memory_space<vmem>>, vector<1x128x512xf32>
    %get3A_9 = vector.shape_cast %get3A_8 : vector<1x128x512xf32> to vector<128x512xf32>
    %dot_general3A = arith.constant dense<0.000000e+00> : vector<1000x512xf32>
    %dot_general3A_10 = tpu.matmul %get3A_4, %get3A_9, %dot_general3A {dimension_numbers = #tpu.dot_dimension_numbers<[1], [0], [0], [1], [0, 0, 1, 1], [], []>, transpose_lhs_hint = false} : vector<1000x128xf32>, vector<128x512xf32>, vector<1000x512xf32> -> vector<1000x512xf32>
    %add3A = arith.addf %broadcast_in_dim3A_0, %dot_general3A_10 : vector<1000x512xf32>
    %get3A_11 = arith.constant 1 : index
    %get3A_12 = arith.constant 0 : index
    %get3A_13 = arith.constant 0 : index
    %get3A_14 = vector.load %arg1[%get3A_11, %get3A_12, %get3A_13] : memref<4x1000x128xf32, #tpu.memory_space<vmem>>, vector<1x1000x128xf32>
    %get3A_15 = vector.shape_cast %get3A_14 : vector<1x1000x128xf32> to vector<1000x128xf32>
    %get3A_16 = arith.constant 1 : index
    %get3A_17 = arith.constant 0 : index
    %get3A_18 = arith.constant 0 : index
    %get3A_19 = vector.load %arg2[%get3A_16, %get3A_17, %get3A_18] : memref<4x128x512xf32, #tpu.memory_space<vmem>>, vector<1x128x512xf32>
    %get3A_20 = vector.shape_cast %get3A_19 : vector<1x128x512xf32> to vector<128x512xf32>
    %dot_general3A_21 = arith.constant dense<0.000000e+00> : vector<1000x512xf32>
    %dot_general3A_22 = tpu.matmul %get3A_15, %get3A_20, %dot_general3A_21 {dimension_numbers = #tpu.dot_dimension_numbers<[1], [0], [0], [1], [0, 0, 1, 1], [], []>, transpose_lhs_hint = false} : vector<1000x128xf32>, vector<128x512xf32>, vector<1000x512xf32> -> vector<1000x512xf32>
    %add3A_23 = arith.addf %add3A, %dot_general3A_22 : vector<1000x512xf32>
    %get3A_24 = arith.constant 2 : index
    %get3A_25 = arith.constant 0 : index
    %get3A_26 = arith.constant 0 : index
    %get3A_27 = vector.load %arg1[%get3A_24, %get3A_25, %get3A_26] : memref<4x1000x128xf32, #tpu.memory_space<vmem>>, vector<1x1000x128xf32>
    %get3A_28 = vector.shape_cast %get3A_27 : vector<1x1000x128xf32> to vector<1000x128xf32>
    %get3A_29 = arith.constant 2 : index
    %get3A_30 = arith.constant 0 : index
    %get3A_31 = arith.constant 0 : index
    %get3A_32 = vector.load %arg2[%get3A_29, %get3A_30, %get3A_31] : memref<4x128x512xf32, #tpu.memory_space<vmem>>, vector<1x128x512xf32>
    %get3A_33 = vector.shape_cast %get3A_32 : vector<1x128x512xf32> to vector<128x512xf32>
    %dot_general3A_34 = arith.constant dense<0.000000e+00> : vector<1000x512xf32>
    %dot_general3A_35 = tpu.matmul %get3A_28, %get3A_33, %dot_general3A_34 {dimension_numbers = #tpu.dot_dimension_numbers<[1], [0], [0], [1], [0, 0, 1, 1], [], []>, transpose_lhs_hint = false} : vector<1000x128xf32>, vector<128x512xf32>, vector<1000x512xf32> -> vector<1000x512xf32>
    %add3A_36 = arith.addf %add3A_23, %dot_general3A_35 : vector<1000x512xf32>
    %get3A_37 = arith.constant 3 : index
    %get3A_38 = arith.constant 0 : index
    %get3A_39 = arith.constant 0 : index
    %get3A_40 = vector.load %arg1[%get3A_37, %get3A_38, %get3A_39] : memref<4x1000x128xf32, #tpu.memory_space<vmem>>, vector<1x1000x128xf32>
    %get3A_41 = vector.shape_cast %get3A_40 : vector<1x1000x128xf32> to vector<1000x128xf32>
    %get3A_42 = arith.constant 3 : index
    %get3A_43 = arith.constant 0 : index
    %get3A_44 = arith.constant 0 : index
    %get3A_45 = vector.load %arg2[%get3A_42, %get3A_43, %get3A_44] : memref<4x128x512xf32, #tpu.memory_space<vmem>>, vector<1x128x512xf32>
    %get3A_46 = vector.shape_cast %get3A_45 : vector<1x128x512xf32> to vector<128x512xf32>
    %dot_general3A_47 = arith.constant dense<0.000000e+00> : vector<1000x512xf32>
    %dot_general3A_48 = tpu.matmul %get3A_41, %get3A_46, %dot_general3A_47 {dimension_numbers = #tpu.dot_dimension_numbers<[1], [0], [0], [1], [0, 0, 1, 1], [], []>, transpose_lhs_hint = false} : vector<1000x128xf32>, vector<128x512xf32>, vector<1000x512xf32> -> vector<1000x512xf32>
    %add3A_49 = arith.addf %add3A_36, %dot_general3A_48 : vector<1000x512xf32>
    %get3A_50 = arith.constant 0 : index
    %get3A_51 = arith.constant 0 : index
    %get3A_52 = vector.load %arg3[%get3A_50, %get3A_51] : memref<1x512xf32, #tpu.memory_space<vmem>>, vector<1x512xf32>
    %add3A_53 = vector.broadcast %get3A_52 : vector<1x512xf32> to vector<1000x512xf32>
    %add3A_54 = arith.addf %add3A_49, %add3A_53 : vector<1000x512xf32>
    %swap3A = arith.constant 0 : index
    %swap3A_55 = arith.constant 0 : index
    %swap3A_56 = vector.load %arg4[%swap3A, %swap3A_55] : memref<1000x512xf32, #tpu.memory_space<vmem>>, vector<1000x512xf32>
    tpu.vector_store %arg4[%swap3A, %swap3A_55], %add3A_54 {strides = array<i32>} : memref<1000x512xf32, #tpu.memory_space<vmem>>, vector<1000x512xf32>,
    %reduce_sum3A = arith.constant dense<0.000000e+00> : vector<512xf32>
    %reduce_sum3A_57 = vector.multi_reduction <add>, %add3A_54, %reduce_sum3A [0] : vector<1000x512xf32> to vector<512xf32>
    %broadcast_in_dim3A_58 = vector.shape_cast %reduce_sum3A_57 : vector<512xf32> to vector<1x512xf32>
    %mul3A = arith.mulf %add3A_54, %add3A_54 : vector<1000x512xf32>
    %reduce_sum3A_59 = arith.constant dense<0.000000e+00> : vector<512xf32>
    %reduce_sum3A_60 = vector.multi_reduction <add>, %mul3A, %reduce_sum3A_59 [0] : vector<1000x512xf32> to vector<512xf32>
    %broadcast_in_dim3A_61 = vector.shape_cast %reduce_sum3A_60 : vector<512xf32> to vector<1x512xf32>
    %broadcast_in_dim3A_62 = arith.constant 0.000000e+00 : f32
    %broadcast_in_dim3A_63 = vector.broadcast %broadcast_in_dim3A_62 : f32 to vector<6x512xf32>
    %concatenate3A = tpu.concatenate %broadcast_in_dim3A_58, %broadcast_in_dim3A_61, %broadcast_in_dim3A_63 in 0 : vector<1x512xf32>, vector<1x512xf32>, vector<6x512xf32> -> vector<8x512xf32>
    %eq3A = arith.constant 0 : i32
    %eq3A_64 = arith.cmpi eq, %arg0, %eq3A : i32
    %convert_element_type3A = arith.extui %eq3A_64 : i1 to i32
    %cond3A = arith.constant 0 : i32
    %cond3A_65 = arith.cmpi ne, %convert_element_type3A, %cond3A : i32
    scf.if %cond3A_65 {
      %swap3A_70 = arith.constant 0 : index
      %swap3A_71 = arith.constant 0 : index
      %swap3A_72 = vector.load %arg5[%swap3A_70, %swap3A_71] : memref<8x512xf32, #tpu.memory_space<vmem>>, vector<8x512xf32>
      tpu.vector_store %arg5[%swap3A_70, %swap3A_71], %concatenate3A {strides = array<i32>} : memref<8x512xf32, #tpu.memory_space<vmem>>, vector<8x512xf32>,
    } else {
    }
    %gt3A = arith.constant 0 : i32
    %gt3A_66 = arith.cmpi sgt, %arg0, %gt3A : i32
    %convert_element_type3A_67 = arith.extui %gt3A_66 : i1 to i32
    %cond3A_68 = arith.constant 0 : i32
    %cond3A_69 = arith.cmpi ne, %convert_element_type3A_67, %cond3A_68 : i32
    scf.if %cond3A_69 {
      %get3A_70 = arith.constant 0 : index
      %get3A_71 = arith.constant 0 : index
      %get3A_72 = vector.load %arg5[%get3A_70, %get3A_71] : memref<8x512xf32, #tpu.memory_space<vmem>>, vector<8x512xf32>
      %add3A_73 = arith.addf %get3A_72, %concatenate3A : vector<8x512xf32>
      %swap3A_74 = arith.constant 0 : index
      %swap3A_75 = arith.constant 0 : index
      %swap3A_76 = vector.load %arg5[%swap3A_74, %swap3A_75] : memref<8x512xf32, #tpu.memory_space<vmem>>, vector<8x512xf32>
      tpu.vector_store %arg5[%swap3A_74, %swap3A_75], %add3A_73 {strides = array<i32>} : memref<8x512xf32, #tpu.memory_space<vmem>>, vector<8x512xf32>,
    } else {
    }
    return
  }
  func.func @transform_0(%arg0: i32) -> (i32, i32, i32) {
    %c0_i32 = arith.constant 0 : i32
    %c0_i32_0 = arith.constant 0 : i32
    %c0_i32_1 = arith.constant 0 : i32
    return %c0_i32, %arg0, %c0_i32_0 : i32, i32, i32
  }
  func.func @transform_1(%arg0: i32) -> (i32, i32, i32) {
    %c0_i32 = arith.constant 0 : i32
    %c0_i32_0 = arith.constant 0 : i32
    %c0_i32_1 = arith.constant 0 : i32
    %c0_i32_2 = arith.constant 0 : i32
    return %c0_i32, %c0_i32_0, %c0_i32_1 : i32, i32, i32
  }
  func.func @transform_2(%arg0: i32) -> (i32, i32) {
    %c0_i32 = arith.constant 0 : i32
    %c0_i32_0 = arith.constant 0 : i32
    %c0_i32_1 = arith.constant 0 : i32
    return %c0_i32, %c0_i32_0 : i32, i32
  }
  func.func @transform_3(%arg0: i32) -> (i32, i32) {
    %c0_i32 = arith.constant 0 : i32
    %c0_i32_0 = arith.constant 0 : i32
    return %arg0, %c0_i32 : i32, i32
  }
  func.func @transform_4(%arg0: i32) -> (i32, i32) {
    %c0_i32 = arith.constant 0 : i32
    %c0_i32_0 = arith.constant 0 : i32
    %c0_i32_1 = arith.constant 0 : i32
    return %c0_i32, %c0_i32_0 : i32, i32
  }
}

module attributes {stable_mosaic.version = 14 : i64} {
  func.func @body(%arg0: i32, %arg1: memref<8x256xf32, #tpu.memory_space<vmem>>, %arg2: memref<8x512xf32, #tpu.memory_space<vmem>>, %arg3: memref<8x512xf32, #tpu.memory_space<vmem>>, %arg4: memref<8x512xf32, #tpu.memory_space<vmem>>, %arg5: memref<8x512xf32, #tpu.memory_space<vmem>>, %arg6: memref<256x128xf32, #tpu.memory_space<vmem>>, %arg7: memref<512x128xf32, #tpu.memory_space<vmem>>, %arg8: memref<512x128xf32, #tpu.memory_space<vmem>>, %arg9: memref<512x128xf32, #tpu.memory_space<vmem>>, %arg10: memref<512x128xf32, #tpu.memory_space<vmem>>, %arg11: memref<1x128xf32, #tpu.memory_space<vmem>>, %arg12: memref<1x128xf32, #tpu.memory_space<vmem>>, %arg13: memref<1x128xf32, #tpu.memory_space<vmem>>, %arg14: memref<1x128xf32, #tpu.memory_space<vmem>>, %arg15: memref<1x128xf32, #tpu.memory_space<vmem>>, %arg16: memref<8x128xf32, #tpu.memory_space<vmem>>) attributes {dimension_semantics = [#tpu.dimension_semantics<arbitrary>], iteration_bounds = array<i64: 1>, scalar_prefetch = 0 : i64, scratch_operands = 0 : i64, tpu.core_type = #tpu.core_type<tc>, window_params = [{pipeline_mode = #tpu.pipeline_mode<synchronous>, transform_indices = @transform_0, window_bounds = array<i64: 8, 256>}, {pipeline_mode = #tpu.pipeline_mode<synchronous>, transform_indices = @transform_1, window_bounds = array<i64: 8, 512>}, {pipeline_mode = #tpu.pipeline_mode<synchronous>, transform_indices = @transform_2, window_bounds = array<i64: 8, 512>}, {pipeline_mode = #tpu.pipeline_mode<synchronous>, transform_indices = @transform_3, window_bounds = array<i64: 8, 512>}, {pipeline_mode = #tpu.pipeline_mode<synchronous>, transform_indices = @transform_4, window_bounds = array<i64: 8, 512>}, {pipeline_mode = #tpu.pipeline_mode<synchronous>, transform_indices = @transform_5, window_bounds = array<i64: 256, 128>}, {pipeline_mode = #tpu.pipeline_mode<synchronous>, transform_indices = @transform_6, window_bounds = array<i64: 512, 128>}, {pipeline_mode = #tpu.pipeline_mode<synchronous>, transform_indices = @transform_7, window_bounds = array<i64: 512, 128>}, {pipeline_mode = #tpu.pipeline_mode<synchronous>, transform_indices = @transform_8, window_bounds = array<i64: 512, 128>}, {pipeline_mode = #tpu.pipeline_mode<synchronous>, transform_indices = @transform_9, window_bounds = array<i64: 512, 128>}, {pipeline_mode = #tpu.pipeline_mode<synchronous>, transform_indices = @transform_10, window_bounds = array<i64: 1, 128>}, {pipeline_mode = #tpu.pipeline_mode<synchronous>, transform_indices = @transform_11, window_bounds = array<i64: 1, 128>}, {pipeline_mode = #tpu.pipeline_mode<synchronous>, transform_indices = @transform_12, window_bounds = array<i64: 1, 128>}, {pipeline_mode = #tpu.pipeline_mode<synchronous>, transform_indices = @transform_13, window_bounds = array<i64: 1, 128>}, {pipeline_mode = #tpu.pipeline_mode<synchronous>, transform_indices = @transform_14, window_bounds = array<i64: 1, 128>}, {pipeline_mode = #tpu.pipeline_mode<synchronous>, transform_indices = @transform_15, window_bounds = array<i64: 8, 128>}]} {
    %broadcast_in_dim3A = arith.constant 0.000000e+00 : f32
    %broadcast_in_dim3A_0 = vector.broadcast %broadcast_in_dim3A : f32 to vector<8x128xf32>
    %broadcast_in_dim3A_1 = arith.constant 0.000000e+00 : f32
    %broadcast_in_dim3A_2 = vector.broadcast %broadcast_in_dim3A_1 : f32 to vector<1x128xf32>
    %get3A = arith.constant 0 : index
    %get3A_3 = arith.constant 0 : index
    %get3A_4 = vector.load %arg1[%get3A, %get3A_3] : memref<8x256xf32, #tpu.memory_space<vmem>>, vector<8x256xf32>
    %get3A_5 = arith.constant 0 : index
    %get3A_6 = arith.constant 0 : index
    %get3A_7 = vector.load %arg6[%get3A_5, %get3A_6] : memref<256x128xf32, #tpu.memory_space<vmem>>, vector<256x128xf32>
    %dot_general3A = arith.constant dense<0.000000e+00> : vector<8x128xf32>
    %dot_general3A_8 = tpu.matmul %get3A_4, %get3A_7, %dot_general3A {dimension_numbers = #tpu.dot_dimension_numbers<[1], [0], [0], [1], [0, 0, 1, 1], [], []>, transpose_lhs_hint = false} : vector<8x256xf32>, vector<256x128xf32>, vector<8x128xf32> -> vector<8x128xf32>
    %add3A = arith.addf %broadcast_in_dim3A_0, %dot_general3A_8 : vector<8x128xf32>
    %get3A_9 = arith.constant 0 : index
    %get3A_10 = arith.constant 0 : index
    %get3A_11 = vector.load %arg11[%get3A_9, %get3A_10] : memref<1x128xf32, #tpu.memory_space<vmem>>, vector<1x128xf32>
    %add3A_12 = arith.addf %broadcast_in_dim3A_2, %get3A_11 : vector<1x128xf32>
    %get3A_13 = arith.constant 0 : index
    %get3A_14 = arith.constant 0 : index
    %get3A_15 = vector.load %arg2[%get3A_13, %get3A_14] : memref<8x512xf32, #tpu.memory_space<vmem>>, vector<8x512xf32>
    %get3A_16 = arith.constant 0 : index
    %get3A_17 = arith.constant 0 : index
    %get3A_18 = vector.load %arg7[%get3A_16, %get3A_17] : memref<512x128xf32, #tpu.memory_space<vmem>>, vector<512x128xf32>
    %dot_general3A_19 = arith.constant dense<0.000000e+00> : vector<8x128xf32>
    %dot_general3A_20 = tpu.matmul %get3A_15, %get3A_18, %dot_general3A_19 {dimension_numbers = #tpu.dot_dimension_numbers<[1], [0], [0], [1], [0, 0, 1, 1], [], []>, transpose_lhs_hint = false} : vector<8x512xf32>, vector<512x128xf32>, vector<8x128xf32> -> vector<8x128xf32>
    %add3A_21 = arith.addf %add3A, %dot_general3A_20 : vector<8x128xf32>
    %get3A_22 = arith.constant 0 : index
    %get3A_23 = arith.constant 0 : index
    %get3A_24 = vector.load %arg12[%get3A_22, %get3A_23] : memref<1x128xf32, #tpu.memory_space<vmem>>, vector<1x128xf32>
    %add3A_25 = arith.addf %add3A_12, %get3A_24 : vector<1x128xf32>
    %get3A_26 = arith.constant 0 : index
    %get3A_27 = arith.constant 0 : index
    %get3A_28 = vector.load %arg3[%get3A_26, %get3A_27] : memref<8x512xf32, #tpu.memory_space<vmem>>, vector<8x512xf32>
    %get3A_29 = arith.constant 0 : index
    %get3A_30 = arith.constant 0 : index
    %get3A_31 = vector.load %arg8[%get3A_29, %get3A_30] : memref<512x128xf32, #tpu.memory_space<vmem>>, vector<512x128xf32>
    %dot_general3A_32 = arith.constant dense<0.000000e+00> : vector<8x128xf32>
    %dot_general3A_33 = tpu.matmul %get3A_28, %get3A_31, %dot_general3A_32 {dimension_numbers = #tpu.dot_dimension_numbers<[1], [0], [0], [1], [0, 0, 1, 1], [], []>, transpose_lhs_hint = false} : vector<8x512xf32>, vector<512x128xf32>, vector<8x128xf32> -> vector<8x128xf32>
    %add3A_34 = arith.addf %add3A_21, %dot_general3A_33 : vector<8x128xf32>
    %get3A_35 = arith.constant 0 : index
    %get3A_36 = arith.constant 0 : index
    %get3A_37 = vector.load %arg13[%get3A_35, %get3A_36] : memref<1x128xf32, #tpu.memory_space<vmem>>, vector<1x128xf32>
    %add3A_38 = arith.addf %add3A_25, %get3A_37 : vector<1x128xf32>
    %get3A_39 = arith.constant 0 : index
    %get3A_40 = arith.constant 0 : index
    %get3A_41 = vector.load %arg4[%get3A_39, %get3A_40] : memref<8x512xf32, #tpu.memory_space<vmem>>, vector<8x512xf32>
    %get3A_42 = arith.constant 0 : index
    %get3A_43 = arith.constant 0 : index
    %get3A_44 = vector.load %arg9[%get3A_42, %get3A_43] : memref<512x128xf32, #tpu.memory_space<vmem>>, vector<512x128xf32>
    %dot_general3A_45 = arith.constant dense<0.000000e+00> : vector<8x128xf32>
    %dot_general3A_46 = tpu.matmul %get3A_41, %get3A_44, %dot_general3A_45 {dimension_numbers = #tpu.dot_dimension_numbers<[1], [0], [0], [1], [0, 0, 1, 1], [], []>, transpose_lhs_hint = false} : vector<8x512xf32>, vector<512x128xf32>, vector<8x128xf32> -> vector<8x128xf32>
    %add3A_47 = arith.addf %add3A_34, %dot_general3A_46 : vector<8x128xf32>
    %get3A_48 = arith.constant 0 : index
    %get3A_49 = arith.constant 0 : index
    %get3A_50 = vector.load %arg14[%get3A_48, %get3A_49] : memref<1x128xf32, #tpu.memory_space<vmem>>, vector<1x128xf32>
    %add3A_51 = arith.addf %add3A_38, %get3A_50 : vector<1x128xf32>
    %get3A_52 = arith.constant 0 : index
    %get3A_53 = arith.constant 0 : index
    %get3A_54 = vector.load %arg5[%get3A_52, %get3A_53] : memref<8x512xf32, #tpu.memory_space<vmem>>, vector<8x512xf32>
    %get3A_55 = arith.constant 0 : index
    %get3A_56 = arith.constant 0 : index
    %get3A_57 = vector.load %arg10[%get3A_55, %get3A_56] : memref<512x128xf32, #tpu.memory_space<vmem>>, vector<512x128xf32>
    %dot_general3A_58 = arith.constant dense<0.000000e+00> : vector<8x128xf32>
    %dot_general3A_59 = tpu.matmul %get3A_54, %get3A_57, %dot_general3A_58 {dimension_numbers = #tpu.dot_dimension_numbers<[1], [0], [0], [1], [0, 0, 1, 1], [], []>, transpose_lhs_hint = false} : vector<8x512xf32>, vector<512x128xf32>, vector<8x128xf32> -> vector<8x128xf32>
    %add3A_60 = arith.addf %add3A_47, %dot_general3A_59 : vector<8x128xf32>
    %get3A_61 = arith.constant 0 : index
    %get3A_62 = arith.constant 0 : index
    %get3A_63 = vector.load %arg15[%get3A_61, %get3A_62] : memref<1x128xf32, #tpu.memory_space<vmem>>, vector<1x128xf32>
    %add3A_64 = arith.addf %add3A_51, %get3A_63 : vector<1x128xf32>
    %iota3A = tpu.iota {dimensions = array<i32: 0>} : vector<8x128xi32>
    %eq3A = arith.constant 0 : i32
    %eq3A_65 = vector.broadcast %eq3A : i32 to vector<8x128xi32>
    %eq3A_66 = arith.cmpi eq, %iota3A, %eq3A_65 : vector<8x128xi32>
    %jit3A = arith.constant 0.000000e+00 : f32
    %broadcast_in_dim3A_67 = vector.shape_cast %add3A_64 : vector<1x128xf32> to vector<1x128xf32>
    %broadcast_in_dim3A_68 = vector.broadcast %broadcast_in_dim3A_67 : vector<1x128xf32> to vector<8x128xf32>
    %broadcast_in_dim3A_69 = vector.broadcast %jit3A : f32 to vector<8x128xf32>
    %select_n3A = arith.select %eq3A_66, %broadcast_in_dim3A_68, %broadcast_in_dim3A_69 : vector<8x128xi1>, vector<8x128xf32>
    %add3A_70 = arith.addf %add3A_60, %select_n3A : vector<8x128xf32>
    %swap3A = arith.constant 0 : index
    %swap3A_71 = arith.constant 0 : index
    %swap3A_72 = vector.load %arg16[%swap3A, %swap3A_71] : memref<8x128xf32, #tpu.memory_space<vmem>>, vector<8x128xf32>
    tpu.vector_store %arg16[%swap3A, %swap3A_71], %add3A_70 {strides = array<i32>} : memref<8x128xf32, #tpu.memory_space<vmem>>, vector<8x128xf32>,
    return
  }
  func.func @transform_0(%arg0: i32) -> (i32, i32) {
    %c0_i32 = arith.constant 0 : i32
    %c0_i32_0 = arith.constant 0 : i32
    %c0_i32_1 = arith.constant 0 : i32
    return %c0_i32, %c0_i32_0 : i32, i32
  }
  func.func @transform_1(%arg0: i32) -> (i32, i32) {
    %c0_i32 = arith.constant 0 : i32
    %c0_i32_0 = arith.constant 0 : i32
    %c0_i32_1 = arith.constant 0 : i32
    return %c0_i32, %c0_i32_0 : i32, i32
  }
  func.func @transform_2(%arg0: i32) -> (i32, i32) {
    %c0_i32 = arith.constant 0 : i32
    %c0_i32_0 = arith.constant 0 : i32
    %c0_i32_1 = arith.constant 0 : i32
    return %c0_i32, %c0_i32_0 : i32, i32
  }
  func.func @transform_3(%arg0: i32) -> (i32, i32) {
    %c0_i32 = arith.constant 0 : i32
    %c0_i32_0 = arith.constant 0 : i32
    %c0_i32_1 = arith.constant 0 : i32
    return %c0_i32, %c0_i32_0 : i32, i32
  }
  func.func @transform_4(%arg0: i32) -> (i32, i32) {
    %c0_i32 = arith.constant 0 : i32
    %c0_i32_0 = arith.constant 0 : i32
    %c0_i32_1 = arith.constant 0 : i32
    return %c0_i32, %c0_i32_0 : i32, i32
  }
  func.func @transform_5(%arg0: i32) -> (i32, i32) {
    %c0_i32 = arith.constant 0 : i32
    %c0_i32_0 = arith.constant 0 : i32
    %c0_i32_1 = arith.constant 0 : i32
    return %c0_i32, %c0_i32_0 : i32, i32
  }
  func.func @transform_6(%arg0: i32) -> (i32, i32) {
    %c0_i32 = arith.constant 0 : i32
    %c0_i32_0 = arith.constant 0 : i32
    %c0_i32_1 = arith.constant 0 : i32
    return %c0_i32, %c0_i32_0 : i32, i32
  }
  func.func @transform_7(%arg0: i32) -> (i32, i32) {
    %c0_i32 = arith.constant 0 : i32
    %c0_i32_0 = arith.constant 0 : i32
    %c0_i32_1 = arith.constant 0 : i32
    return %c0_i32, %c0_i32_0 : i32, i32
  }
  func.func @transform_8(%arg0: i32) -> (i32, i32) {
    %c0_i32 = arith.constant 0 : i32
    %c0_i32_0 = arith.constant 0 : i32
    %c0_i32_1 = arith.constant 0 : i32
    return %c0_i32, %c0_i32_0 : i32, i32
  }
  func.func @transform_9(%arg0: i32) -> (i32, i32) {
    %c0_i32 = arith.constant 0 : i32
    %c0_i32_0 = arith.constant 0 : i32
    %c0_i32_1 = arith.constant 0 : i32
    return %c0_i32, %c0_i32_0 : i32, i32
  }
  func.func @transform_10(%arg0: i32) -> (i32, i32) {
    %c0_i32 = arith.constant 0 : i32
    %c0_i32_0 = arith.constant 0 : i32
    %c0_i32_1 = arith.constant 0 : i32
    return %c0_i32, %c0_i32_0 : i32, i32
  }
  func.func @transform_11(%arg0: i32) -> (i32, i32) {
    %c0_i32 = arith.constant 0 : i32
    %c0_i32_0 = arith.constant 0 : i32
    %c0_i32_1 = arith.constant 0 : i32
    return %c0_i32, %c0_i32_0 : i32, i32
  }
  func.func @transform_12(%arg0: i32) -> (i32, i32) {
    %c0_i32 = arith.constant 0 : i32
    %c0_i32_0 = arith.constant 0 : i32
    %c0_i32_1 = arith.constant 0 : i32
    return %c0_i32, %c0_i32_0 : i32, i32
  }
  func.func @transform_13(%arg0: i32) -> (i32, i32) {
    %c0_i32 = arith.constant 0 : i32
    %c0_i32_0 = arith.constant 0 : i32
    %c0_i32_1 = arith.constant 0 : i32
    return %c0_i32, %c0_i32_0 : i32, i32
  }
  func.func @transform_14(%arg0: i32) -> (i32, i32) {
    %c0_i32 = arith.constant 0 : i32
    %c0_i32_0 = arith.constant 0 : i32
    %c0_i32_1 = arith.constant 0 : i32
    return %c0_i32, %c0_i32_0 : i32, i32
  }
  func.func @transform_15(%arg0: i32) -> (i32, i32) {
    %c0_i32 = arith.constant 0 : i32
    %c0_i32_0 = arith.constant 0 : i32
    %c0_i32_1 = arith.constant 0 : i32
    return %c0_i32, %c0_i32_0 : i32, i32
  }
}

</mosaic_0001>

<sc_bundles>
// kernel: kernel.20.cloned.1.call-start
scs
__scs_entry_jumppad:
0x0: {  	(pc) =	sbr.rel $0x88, $3  }
0x1: {  	(tag) =	ssettag $0x0;
	lr =	simm.s32 $0x1  }
0x2: {  	[smem:$0x3F75] =	sst lr;
	_ =	strace $0xD0000000  }
0x3: {  	_ = 	snop  }
0x4: {  	_ = 	snop  }
0x5: {  	_ = 	snop  }
0x6: {  	_ = 	snop  }
0x7: {  	_ = 	snop  }
__scs_overlays_trampoline_lowered:
0x8: {  	[smem:$0x3F84] =	sst s0  }
0x9: {  	[smem:$0x3F85] =	sst s1  }
0xa: {  	[smem:$0x3F86] =	sst s2  }
0xb: {  	[smem:$0x3F87] =	sst s3  }
0xc: {  	[smem:$0x3F88] =	sst s4  }
0xd: {  	[smem:$0x3F89] =	sst s5  }
0xe: {  	[smem:$0x3F8A] =	sst s6  }
0xf: {  	[smem:$0x3F8B] =	sst s7  }
0x10: {  	[smem:$0x3F8C] =	sst s8  }
0x11: {  	[smem:$0x3F8D] =	sst s9;
	s0 =	simm.s32 @!p0 $0x0  }
0x12: {  	s1 =	sld [smem:$0x3F73];
	s0 =	simm.s32 @p0 $0x1  }
0x13: {  	[smem:$0x3F8E] =	sst s0;
	s0 =	simm.s32 @!p1 $0x0  }
0x14: {  	s2 =	sld [smem:$0x3F72];
	s0 =	simm.s32 @p1 $0x1  }
0x15: {  	[smem:$0x3F8F] =	sst s0;
	s0 =	simm.s32 @!p2 $0x0  }
0x16: {  	s3 =	sld [smem:$0x3FDB];
	s0 =	simm.s32 @p2 $0x1  }
0x17: {  	s4 =	simm.s32 $0x1BF5;
	[smem:$0x3F91] =	sst s0  }
0x18: {  	s0 =	sld [smem:$0x3F74];
	_ =	swait.ge [sflag:s4], $0x0  }
0x19: {  	s7 =	sld [smem:$0x3F75]  }
0x1a: {  	s8 =	sadd.s32 $0xFFFFE003, lr  }
0x1b: {  	s9 =	sadd.s32 $0xFFFFFEF7, lr;
	s5 =	simm.s32 $0xFFFFFFFF;
	p2 =	slt.u32 s8, $0xFFFFF086  }
0x1c: {  	p1 =	slt.u32 s9, $0xF7A;
	s5 =	simm.s32 @!p2 $0x0  }
0x1d: {  	s5 =	simm.s32 @p1 $0x1;
	p0 =	seq.s32 s7, s2  }
0x1e: {  	s7 =	smul.u32 @!p0 $0xF7A, s2;
	p2 =	seq.s32 @!p0 s5, $0x0  }
0x1f: {  	s9 =	smul.u32 $0xF7A, s1;
	s8 =	simm.s32 @!p0 $0x1BF5;
	p2 =	por !p2, p0  }
0x20: {  	[sflag:s8] =	ssyncset.s32 @!p0 $0xFFFFF086;
	s6 =	sadd.s32 @!p0 s3, s7;
	s7 =	simm.s32 @!p0 $0x108  }
0x21: {  	s3 =	sadd.s32 s3, s9;
	s6 =	sadd.s32 @!p0 $0x88, s6;
	s7 =	simm.s32 @p2 $0x1082  }
0x22: {  	[simem:s7], [sflag:s8] =	dma.local @!p0 [hbm:s6], $0xF7A  }
0x23: {  	s9 =	sor.u32 $0xD0000000, s2;
	s6 =	simm.s32 $0x108;
	_ =	swait.ge @!p0 [sflag:s8], $0x0  }
0x24: {  	s3 =	sadd.s32 $0x88, s3;
	s6 =	simm.s32 @!p1 $0x1082;
	[sflag:s4] =	ssyncset.s32 $0xFFFFF086  }
0x25: {  	[simem:s6], [sflag:s4] =	dma.local [hbm:s3], $0xF7A  }
0x26: {  	[smem:$0x3F75] =	sst s1;
	(tag) =	ssettag s2;
	_ =	strace s9  }
0x27: {  	s1 =	sld [smem:$0x3F85]  }
0x28: {  	s2 =	sld [smem:$0x3F86]  }
0x29: {  	s4 =	sld [smem:$0x3F88]  }
0x2a: {  	p0 =	seq.s32 s5, $0x0;
	s5 =	sld [smem:$0x3F89]  }
0x2b: {  	s6 =	sld [smem:$0x3F8A]  }
0x2c: {  	s7 =	sld [smem:$0x3F8B]  }
0x2d: {  	s3 =	simm.s32 $0x108;
	s8 =	sld [smem:$0x3F8C]  }
0x2e: {  	s3 =	simm.s32 @!p0 $0x1082;
	s9 =	sld [smem:$0x3F8D]  }
0x2f: {  	lr =	sadd.s32 s0, s3;
	s0 =	sld [smem:$0x3F84]  }
0x30: {  	s3 =	sld [smem:$0x3F87]  }
0x31: {  	[smem:$0x3F90] =	sst s10  }
0x32: {  	s10 =	sld [smem:$0x3F8E];
	_ =	sdelay $0x3  }
0x33: {  	p0 =	seq.s32 s10, $0x1;
	s10 =	sld [smem:$0x3F90];
	_ =	sdelay $0x3  }
0x34: {  	[smem:$0x3F90] =	sst s10  }
0x35: {  	s10 =	sld [smem:$0x3F8F];
	_ =	sdelay $0x3  }
0x36: {  	p1 =	seq.s32 s10, $0x1;
	s10 =	sld [smem:$0x3F90];
	_ =	sdelay $0x3  }
0x37: {  	[smem:$0x3F90] =	sst s10  }
0x38: {  	s10 =	sld [smem:$0x3F91]  }
0x39: {  	_ = 	snop;
	(pc) =	sbr.ind lr, $3  }
0x3a: {  	_ = 	snop  }
0x3b: {  	_ = 	snop  }
0x3c: {  	p2 =	seq.s32 s10, $0x1;
	s10 =	sld [smem:$0x3F90]  }
0x3d: {  	_ =	shalt  }
0x3e: {  	_ =	shalt  }
0x3f: {  	_ =	shalt  }
0x40: {  	_ =	shalt  }
0x41: {  	_ =	shalt  }
0x42: {  	_ =	shalt  }
0x43: {  	_ =	shalt  }
0x44: {  	_ =	shalt  }
0x45: {  	_ =	shalt  }
0x46: {  	_ =	shalt  }
0x47: {  	_ =	shalt  }
0x48: {  	_ =	shalt  }
0x49: {  	_ =	shalt  }
0x4a: {  	_ =	shalt  }
0x4b: {  	_ =	shalt  }
0x4c: {  	_ =	shalt  }
0x4d: {  	_ =	shalt  }
0x4e: {  	_ =	shalt  }
0x4f: {  	_ =	shalt  }
0x50: {  	_ =	shalt  }
0x51: {  	_ =	shalt  }
0x52: {  	_ =	shalt  }
0x53: {  	_ =	shalt  }
0x54: {  	_ =	shalt  }
0x55: {  	_ =	shalt  }
0x56: {  	_ =	shalt  }
0x57: {  	_ =	shalt  }
0x58: {  	_ =	shalt  }
0x59: {  	_ =	shalt  }
0x5a: {  	_ =	shalt  }
0x5b: {  	_ =	shalt  }
0x5c: {  	_ =	shalt  }
0x5d: {  	_ =	shalt  }
0x5e: {  	_ =	shalt  }
0x5f: {  	_ =	shalt  }
0x60: {  	_ =	shalt  }
0x61: {  	_ =	shalt  }
0x62: {  	_ =	shalt  }
0x63: {  	_ =	shalt  }
0x64: {  	_ =	shalt  }
0x65: {  	_ =	shalt  }
0x66: {  	_ =	shalt  }
0x67: {  	_ =	shalt  }
0x68: {  	_ =	shalt  }
0x69: {  	_ =	shalt  }
0x6a: {  	_ =	shalt  }
0x6b: {  	_ =	shalt  }
0x6c: {  	_ =	shalt  }
0x6d: {  	_ =	shalt  }
0x6e: {  	_ =	shalt  }
0x6f: {  	_ =	shalt  }
0x70: {  	_ =	shalt  }
0x71: {  	_ =	shalt  }
0x72: {  	_ =	shalt  }
0x73: {  	_ =	shalt  }
0x74: {  	_ =	shalt  }
0x75: {  	_ =	shalt  }
0x76: {  	_ =	shalt  }
0x77: {  	_ =	shalt  }
0x78: {  	_ =	shalt  }
0x79: {  	_ =	shalt  }
0x7a: {  	_ =	shalt  }
0x7b: {  	_ =	shalt  }
0x7c: {  	_ =	shalt  }
0x7d: {  	_ =	shalt  }
0x7e: {  	_ =	shalt  }
0x7f: {  	_ =	shalt  }
0x80: {  	_ =	shalt  }
0x81: {  	_ =	shalt  }
0x82: {  	_ =	shalt  }
0x83: {  	_ =	shalt  }
0x84: {  	_ =	shalt  }
0x85: {  	_ =	shalt  }
0x86: {  	_ =	shalt  }
0x87: {  	_ =	shalt  }
.Lfunc_end0:
.L_simem_size_0:
called_computation_lowered:
.L_overlay_start_0:
0x88: {  	s2 =	sld [smem:$0x3FD9]  }
0x89: {  	s3 =	sld [smem:$0x3FFE];
	_ =	sdelay $0x1  }
0x8a: {  	s1 =	srdreg.scid  }
0x8b: {  	s0 =	sand.u32 $0x1, s1  }
0x8c: {  	s16 =	sshll.u32 s0, $0xA;
	s2 =	sadd.s32 s3, s2  }
0x8d: {  	s2 =	sadd.s32 s2, s16  }
0x8e: {  	[smem:$0x3F9C] =	sst s2  }
0x8f: {  	_ = 	snop  }
0x90: {  	(tm) =	ssettm $0x1  }
0x91: {  	s17 =	sld [smem:$0x3FFB];
	_ =	sdelay $0x3  }
0x92: {  	_ =	strace s17  }
0x93: {  	s2 =	sld [smem:$0x3FFC];
	_ =	sdelay $0x3  }
0x94: {  	_ =	strace s2  }
0x95: {  	s2 =	sld [smem:$0x3FFD];
	_ =	sdelay $0x3  }
0x96: {  	_ =	strace s2  }
0x97: {  	_ =	strace $0x8FFFFFFF  }
0x98: {  	s18 =	sld [smem:$0x3FDB];
	_ =	sdelay $0x1  }
0x99: {  	s19 =	simm.s32 $_scs_section_size  }
0x9a: {  	s4 =	simm.s32 $_size__tile_overlayer_lowered;
	s5 =	simm.s32 $_tile_overlayer_lowered  }
0x9b: {  	s22 =	simm.s32 $0x1BFF;
	s21 =	sshll.u32 s5, $0x1;
	s2 =	sadd.s32 s19, s18  }
0x9c: {  	s6 =	simm.s32 $0x0;
	s20 =	sshll.u32 s4, $0x1;
	s4 =	sadd.s32 s21, s2  }
0x9d: {  	[timem:s6], [sflag:s22] =	dma.local [hbm:s4], s20  }
0x9e: {  	_ =	swait.ge [sflag:s22], s20  }
0x9f: {  	s3 =	ssub.s32 $0x0, s20;
	[sflag:s22] =	ssyncset.done $0x0  }
0xa0: {  	[sflag:s22] =	ssyncadd.s32 s3;
	_ =	sdelay $0x1  }
0xa1: {  	s23 =	simm.s32 $0x1B8B  }
0xa2: {  	_ =	swait.ge [sflag:s23], $0x1  }
0xa3: {  	[sflag:s23] =	ssyncset.done $0x0  }
0xa4: {  	s25 =	simm.s32 $0x1B8E;
	s24 =	sld [smem:$0x3FFE];
	[sflag:s23] =	ssyncadd.s32 $0xFFFFFFFF  }
0xa5: {  	s26 =	simm.s32 $execute0_lowered;
	[smem:$0x3FD2] =	sst s25  }
0xa6: {  	s4 =	sshll.u32 s26, $0x1;
	_ =	strace $0x80000046;
	[dreg:$0x1] =	wrdreg $0xFFFFFFFF  }
0xa7: {  	s28 =	simm.s32 $_size_execute0_lowered;
	s2 =	sadd.s32 s2, s4;
	[dreg:$0x0] =	wrdreg $0x0  }
0xa8: {  	s4 =	sshll.u32 s28, $0x1;
	[dreg:$0x2] =	wrdreg s2  }
0xa9: {  	[dreg:$0x3] =	wrdreg s4  }
0xaa: {  	[dreg:$0x4] =	wrdreg $0xC0  }
0xab: {  	_ =	task [dreg:s6], $0x5FFFF  }
0xac: {  	[dreg:$0x1] =	wrdreg $0xFFFFFFFF  }
0xad: {  	[dreg:$0x0] =	wrdreg $0x60  }
0xae: {  	[dreg:$0x2] =	wrdreg s24  }
0xaf: {  	[dreg:$0x3] =	wrdreg $0x90000  }
0xb0: {  	[dreg:$0x4] =	wrdreg $0x9  }
0xb1: {  	_ =	task.clear_ibuf [dreg:s6], $0x5FFFF;
	_ =	strace $0x90000046  }
0xb2: {  	s29 =	simm.s32 $0x9;
	_ =	strace $0x80000048  }
0xb3: {  	_ =	swait.ge [sflag:s29], $0x1  }
0xb4: {  	[sflag:s29] =	ssyncadd.s32 $0xFFFFFFFF  }
0xb5: {  	_ =	strace $0x90000048  }
0xb6: {  	_ =	sfence  }
0xb7: {  	s30 =	sld [smem:$0x0];
	_ =	sdelay $0x2  }
0xb8: {  	s31 =	sshll.u32 s1, $0xD;
	s1 =	sshrl.u32 s1, $0x2  }
0xb9: {  	s3 =	sand.u32 $0x4000, s31;
	s1 =	sadd.s32 s1, s30  }
0xba: {  	s0 =	sor.u32 s3, s0;
	s1 =	sshll.u32 s1, $0x11  }
0xbb: {  	s0 =	sor.u32 s1, s0  }
0xbc: {  	s0 =	sadd.s32 $0x8F2B, s0  }
0xbd: {  	[sflag:s0] =	ssyncadd.remote.s32 $0x1  }
0xbe: {  	_ =	sfence.sel $0xFFFF  }
0xbf: {  	[dreg:$0x0] =	wrdreg $0xFFFFFFFF;
	(pc) =	sbr.abs _section_cstart, $3  }
0xc0: {  	[dreg:$0x1] =	wrdreg $0xFFFFFFFF  }
0xc1: {  	_ =	task.clear_ibuf [dreg:s6], $0x2FFFF;
	_ =	strace $0x9FFFFFFF  }
0xc2: {  	(tm) =	ssettm $0x7FFFFFFF  }
0xc3: {  	_ =	shalt  }
tec
execute0_lowered:
.L_overlay_start_1:
0x0: {  	(tag) =	ssettag $0x1  }
0x1: {  	s1 =	srdreg.scid;
	s0 =	stileid.u32  }
0x2: {  	s5 =	rddreg [dreg:$0x0];
	s7 =	smul.u32 $0x2800, s0  }
0x3: {  	s2 =	rddreg [dreg:$0x1];
	s10 =	smul.u32 $0x13C00, s0  }
0x4: {  	s3 =	simm.s32 $0x0;
	s15 =	simm.s32 $0x5000;
	s11 =	smul.u32 $0x4F000, s0  }
0x5: {  	s16 =	simm.s32 $0x1;
	s6 =	sand.u32 $0x1, s1;
	s12 =	smul.u32 $0x2780, s0  }
0x6: {  	s17 =	simm.s32 $0x0;
	s1 =	rddreg [dreg:$0x2];
	s4 =	smul.u32 $0x28000, s6  }
0x7: {  	[smem:$0x7FF] =	sst s3;
	s31 =	sshll.u32 s0, $0x6;
	s8 =	smul.u32 $0x13C000, s6  }
0x8: {  	_ =	strace $0x80000047;
	s28 =	smul.u32 $0x27800, s6;
	s6 =	ssub.s32 $0x2, s6  }
0x9: {  	s29 =	sshrl.u32 s6, $0x1;
	s30 =	sshrl.u32 s11, $0x2;
	s11 =	simm.s32 $0x2  }
0xa: {  	s4 =	sadd.s32 s7, s4;
	s7 =	sshrl.u32 s7, $0x3;
	s8 =	sadd.s32 s10, s8  }
0xb: {  	s13 =	ssub.s32 s6, s29;
	s10 =	sadd.s32 s12, s28;
	s14 =	sadd.s32 s30, s2  }
0xc: {  	s12 =	sor.u32 $0x1C02, s31;
	s9 =	sshrl.u32 s4, $0x3;
	s4 =	sadd.s32 $0xEA00, s5  }
0xd: {  	s8 =	sshrl.u32 s8, $0x3;
	s7 =	sadd.s32 s7, s5;
	s9 =	sadd.s32 s9, s5  }
0xe: {  	s8 =	sadd.s32 s8, s5;
	s5 =	sadd.s32 $0x9A00, s7;
	s6 =	sadd.s32 s4, s10  }
0xf: {  	s10 =	simm.s32 $0x2800;
	s7 =	sadd.s32 $0x5DC00, s9;
	s8 =	sadd.s32 $0x67C00, s8  }
0x10: {  	s9 =	smax.u32 s13, $0x1;
	s13 =	sshrl.u32 s14, $0x3;
	s14 =	simm.s32 $0x80  }
.LBB2_1:
0x11: {  	[tilespmem:s10], [sflag:$0x2] =	stream.linear.gather [hbm4b:s5+s3], $0x2780, $0x38;
	[tilespmem:$0x1CC00] =	vst v63  }
0x12: {  	_ =	swait.ge [sflag:s11], $0x2780  }
0x13: {  	[sflag:s11] =	ssyncset.done $0x0  }
0x14: {  	[sflag:s11] =	ssyncadd.s32 $0xFFFFD880  }
0x15: {  	[spmem:s13], [sflag:s12] =	dma.local [hbm:s6], $0x2780  }
0x16: {  	_ =	swait.ge [sflag:s11], $0x2780  }
0x17: {  	[sflag:s11] =	ssyncset.done $0x0  }
0x18: {  	[sflag:s11] =	ssyncadd.s32 $0xFFFFD880  }
0x19: {  	[tilespmem:s3], [sflag:$0x2] =	stream.linear.gather [hbm4b:s7+s3], $0x2780, $0x38;
	[tilespmem:$0x1CC00] =	vst v63  }
0x1a: {  	_ =	swait.ge [sflag:s11], $0x2780  }
0x1b: {  	[sflag:s11] =	ssyncset.done $0x0  }
0x1c: {  	[sflag:s11] =	ssyncadd.s32 $0xFFFFD880  }
0x1d: {  	s18 =	simm.s32 $0x0;
	[bflag:$0x0] =	sbarrier.arrive $0xFFFF  }
0x1e: {  	[tilespmem:s15], [sflag:$0x1] =	stream.indirect.gather [hbm4b:s4+s14], $0x80, s18, s14, $0xb8;
	[tilespmem:$0x1CC00] =	vst v63  }
0x1f: {  	_ =	swait.ge [sflag:s16], $0x4000  }
0x20: {  	[sflag:s16] =	ssyncset.done $0x0  }
0x21: {  	s31 =	simm.s32 $0x2800;
	[sflag:s16] =	ssyncadd.s32 $0xFFFFC000  }
0x22: {  	[spmem:s2] =	stream.indirect.scatter.add.f32 [tilespmem:s15], [sflag:$0x2], $0x80, s31, s14, $0xb8;
	[tilespmem:$0x1CC00] =	vst v63  }
0x23: {  	_ =	swait.ge [sflag:s11], $0x4000  }
0x24: {  	s19 =	simm.s32 $0x400;
	s18 =	simm.s32 $0x200;
	[sflag:s11] =	ssyncset.done $0x0  }
.LBB2_2:
0x25: {  	s20 =	sshra.s32 s18, $0x2  }
0x26: {  	[sflag:s11] =	ssyncadd.s32 $0xFFFFC000;
	s18 =	smov.u32 s19;
	s21 =	sadd.s32 $0x200, s19  }
0x27: {  	[tilespmem:s15], [sflag:$0x1] =	stream.indirect.gather [hbm4b:s4+s14], $0x80, s20, s14, $0xb8;
	[tilespmem:$0x1CC00] =	vst v63  }
0x28: {  	p0 =	sne.s32 s19, $0x9C00;
	_ =	swait.ge [sflag:s16], $0x4000  }
.Ltmp0:
0x29: {  	[sflag:s16] =	ssyncset.done $0x0;
	(pc) =	sbr.rel @p0 .LBB2_2-.Ltmp0, $4  }
0x2a: {  	s19 =	sadd.s32 $0x2800, s20;
	[sflag:s16] =	ssyncadd.s32 $0xFFFFC000  }
0x2b: {  	[spmem:s2] =	stream.indirect.scatter.add.f32 [tilespmem:s15], [sflag:$0x2], $0x80, s19, s14, $0xb8;
	[tilespmem:$0x1CC00] =	vst v63  }
0x2c: {  	_ =	swait.ge [sflag:s11], $0x4000  }
0x2d: {  	s19 =	smov.u32 s21;
	[sflag:s11] =	ssyncset.done $0x0  }
0x2e: {  	s18 =	sshra.s32 s18, $0x2;
	[sflag:s11] =	ssyncadd.s32 $0xFFFFC000  }
0x2f: {  	[tilespmem:s15], [sflag:$0x1] =	stream.indirect.gather [hbm4b:s4+s14], $0x80, s18, s14, $0xb8;
	[tilespmem:$0x1CC00] =	vst v63  }
0x30: {  	_ =	swait.ge [sflag:s16], $0x4000  }
0x31: {  	[sflag:s16] =	ssyncset.done $0x0  }
0x32: {  	s18 =	sadd.s32 $0x2800, s18;
	[sflag:s16] =	ssyncadd.s32 $0xFFFFC000  }
0x33: {  	[spmem:s2] =	stream.indirect.scatter.add.f32 [tilespmem:s15], [sflag:$0x2], $0x80, s18, s14, $0xb8;
	[tilespmem:$0x1CC00] =	vst v63  }
0x34: {  	_ =	swait.ge [sflag:s11], $0x4000  }
0x35: {  	[sflag:s11] =	ssyncset.done $0x0  }
0x36: {  	s17 =	sadd.s32 $0x1, s17;
	[sflag:s11] =	ssyncadd.s32 $0xFFFFC000  }
0x37: {  	p0 =	sne.s32 s17, s9;
	[bflag:$0x0] =	sbarrier.arrive $0xFFFF  }
0x38: {  	[hbm:s8], [sflag:s12] =	dma.local [spmem:s13], $0x2780  }
.Ltmp1:
0x39: {  	_ =	swait.ge [sflag:s11], $0x2780;
	(pc) =	sbr.rel @p0 .LBB2_1-.Ltmp1, $3  }
0x3a: {  	[sflag:s11] =	ssyncset.done $0x0  }
0x3b: {  	[sflag:s11] =	ssyncadd.s32 $0xFFFFD880  }
0x3c: {  	[bflag:$0x0] =	sbarrier.arrive $0xFFFF;
	_ =	sdelay $0x1  }
0x3d: {  	_ =	sfence.sel $0x180000  }
0x3e: {  	[bflag:$0x0] =	sbarrier.arrive $0xFFFF  }
0x3f: {  	p0 =	sne.s32 s0, $0x0;
	_ =	strace $0x90000047  }
0x40: {  	s0 =	sadd.s32 @!p0 $0x100000, s1;
	[bflag:$0x2] =	sbarrier.arrive $0xFFFF  }
0x41: {  	[sflag:s0] =	ssyncadd.tile.s32 @!p0 $0x1;
	_ =	shalt  }
.Lfunc_end2:
_tile_overlayer_lowered:
.L_overlay_start_2:
0x42: {  	(tag) =	ssettag $0x2  }
0x43: {  	s0 =	rddreg [dreg:$0x0];
	s2 =	stileid.u32  }
0x44: {  	s1 =	rddreg [dreg:$0x1];
	p0 =	sne.s32 s2, $0x0  }
0x45: {  	s3 =	rddreg [dreg:$0x2];
	[bflag:$0x3] =	sbarrier.arrive $0xFFFF;
	s2 =	simm.s32 @!p0 $0x1C02  }
0x46: {  	[timem:s3], [sflag:s2] =	dma.local @!p0 [hbm:s0], s1  }
0x47: {  	s0 =	simm.s32 @!p0 $0x2  }
0x48: {  	_ =	swait.ge @!p0 [sflag:s0], s1  }
0x49: {  	s1 =	ssub.s32 @!p0 $0x0, s1;
	[sflag:s0] =	ssyncset.done @!p0 $0x0  }
0x4a: {  	[sflag:s0] =	ssyncadd.s32 @!p0 s1  }
0x4b: {  	[bflag:$0x3] =	sbarrier.arrive $0xFFFF  }
0x4c: {  	_ =	shalt  }

// kernel: kernel.23.cloned.1.call-start
scs
__scs_entry_jumppad:
0x0: {  	(pc) =	sbr.rel $0x88, $3  }
0x1: {  	(tag) =	ssettag $0x0;
	lr =	simm.s32 $0x1  }
0x2: {  	[smem:$0x3F75] =	sst lr;
	_ =	strace $0xD0000000  }
0x3: {  	_ = 	snop  }
0x4: {  	_ = 	snop  }
0x5: {  	_ = 	snop  }
0x6: {  	_ = 	snop  }
0x7: {  	_ = 	snop  }
__scs_overlays_trampoline_lowered:
0x8: {  	[smem:$0x3F84] =	sst s0  }
0x9: {  	[smem:$0x3F85] =	sst s1  }
0xa: {  	[smem:$0x3F86] =	sst s2  }
0xb: {  	[smem:$0x3F87] =	sst s3  }
0xc: {  	[smem:$0x3F88] =	sst s4  }
0xd: {  	[smem:$0x3F89] =	sst s5  }
0xe: {  	[smem:$0x3F8A] =	sst s6  }
0xf: {  	[smem:$0x3F8B] =	sst s7  }
0x10: {  	[smem:$0x3F8C] =	sst s8  }
0x11: {  	[smem:$0x3F8D] =	sst s9;
	s0 =	simm.s32 @!p0 $0x0  }
0x12: {  	s1 =	sld [smem:$0x3F73];
	s0 =	simm.s32 @p0 $0x1  }
0x13: {  	[smem:$0x3F8E] =	sst s0;
	s0 =	simm.s32 @!p1 $0x0  }
0x14: {  	s2 =	sld [smem:$0x3F72];
	s0 =	simm.s32 @p1 $0x1  }
0x15: {  	[smem:$0x3F8F] =	sst s0;
	s0 =	simm.s32 @!p2 $0x0  }
0x16: {  	s3 =	sld [smem:$0x3FDB];
	s0 =	simm.s32 @p2 $0x1  }
0x17: {  	s4 =	simm.s32 $0x1BF5;
	[smem:$0x3F91] =	sst s0  }
0x18: {  	s0 =	sld [smem:$0x3F74];
	_ =	swait.ge [sflag:s4], $0x0  }
0x19: {  	s7 =	sld [smem:$0x3F75]  }
0x1a: {  	s8 =	sadd.s32 $0xFFFFE003, lr  }
0x1b: {  	s9 =	sadd.s32 $0xFFFFFEF7, lr;
	s5 =	simm.s32 $0xFFFFFFFF;
	p2 =	slt.u32 s8, $0xFFFFF086  }
0x1c: {  	p1 =	slt.u32 s9, $0xF7A;
	s5 =	simm.s32 @!p2 $0x0  }
0x1d: {  	s5 =	simm.s32 @p1 $0x1;
	p0 =	seq.s32 s7, s2  }
0x1e: {  	s7 =	smul.u32 @!p0 $0xF7A, s2;
	p2 =	seq.s32 @!p0 s5, $0x0  }
0x1f: {  	s9 =	smul.u32 $0xF7A, s1;
	s8 =	simm.s32 @!p0 $0x1BF5;
	p2 =	por !p2, p0  }
0x20: {  	[sflag:s8] =	ssyncset.s32 @!p0 $0xFFFFF086;
	s6 =	sadd.s32 @!p0 s3, s7;
	s7 =	simm.s32 @!p0 $0x108  }
0x21: {  	s3 =	sadd.s32 s3, s9;
	s6 =	sadd.s32 @!p0 $0x88, s6;
	s7 =	simm.s32 @p2 $0x1082  }
0x22: {  	[simem:s7], [sflag:s8] =	dma.local @!p0 [hbm:s6], $0xF7A  }
0x23: {  	s9 =	sor.u32 $0xD0000000, s2;
	s6 =	simm.s32 $0x108;
	_ =	swait.ge @!p0 [sflag:s8], $0x0  }
0x24: {  	s3 =	sadd.s32 $0x88, s3;
	s6 =	simm.s32 @!p1 $0x1082;
	[sflag:s4] =	ssyncset.s32 $0xFFFFF086  }
0x25: {  	[simem:s6], [sflag:s4] =	dma.local [hbm:s3], $0xF7A  }
0x26: {  	[smem:$0x3F75] =	sst s1;
	(tag) =	ssettag s2;
	_ =	strace s9  }
0x27: {  	s1 =	sld [smem:$0x3F85]  }
0x28: {  	s2 =	sld [smem:$0x3F86]  }
0x29: {  	s4 =	sld [smem:$0x3F88]  }
0x2a: {  	p0 =	seq.s32 s5, $0x0;
	s5 =	sld [smem:$0x3F89]  }
0x2b: {  	s6 =	sld [smem:$0x3F8A]  }
0x2c: {  	s7 =	sld [smem:$0x3F8B]  }
0x2d: {  	s3 =	simm.s32 $0x108;
	s8 =	sld [smem:$0x3F8C]  }
0x2e: {  	s3 =	simm.s32 @!p0 $0x1082;
	s9 =	sld [smem:$0x3F8D]  }
0x2f: {  	lr =	sadd.s32 s0, s3;
	s0 =	sld [smem:$0x3F84]  }
0x30: {  	s3 =	sld [smem:$0x3F87]  }
0x31: {  	[smem:$0x3F90] =	sst s10  }
0x32: {  	s10 =	sld [smem:$0x3F8E];
	_ =	sdelay $0x3  }
0x33: {  	p0 =	seq.s32 s10, $0x1;
	s10 =	sld [smem:$0x3F90];
	_ =	sdelay $0x3  }
0x34: {  	[smem:$0x3F90] =	sst s10  }
0x35: {  	s10 =	sld [smem:$0x3F8F];
	_ =	sdelay $0x3  }
0x36: {  	p1 =	seq.s32 s10, $0x1;
	s10 =	sld [smem:$0x3F90];
	_ =	sdelay $0x3  }
0x37: {  	[smem:$0x3F90] =	sst s10  }
0x38: {  	s10 =	sld [smem:$0x3F91]  }
0x39: {  	_ = 	snop;
	(pc) =	sbr.ind lr, $3  }
0x3a: {  	_ = 	snop  }
0x3b: {  	_ = 	snop  }
0x3c: {  	p2 =	seq.s32 s10, $0x1;
	s10 =	sld [smem:$0x3F90]  }
0x3d: {  	_ =	shalt  }
0x3e: {  	_ =	shalt  }
0x3f: {  	_ =	shalt  }
0x40: {  	_ =	shalt  }
0x41: {  	_ =	shalt  }
0x42: {  	_ =	shalt  }
0x43: {  	_ =	shalt  }
0x44: {  	_ =	shalt  }
0x45: {  	_ =	shalt  }
0x46: {  	_ =	shalt  }
0x47: {  	_ =	shalt  }
0x48: {  	_ =	shalt  }
0x49: {  	_ =	shalt  }
0x4a: {  	_ =	shalt  }
0x4b: {  	_ =	shalt  }
0x4c: {  	_ =	shalt  }
0x4d: {  	_ =	shalt  }
0x4e: {  	_ =	shalt  }
0x4f: {  	_ =	shalt  }
0x50: {  	_ =	shalt  }
0x51: {  	_ =	shalt  }
0x52: {  	_ =	shalt  }
0x53: {  	_ =	shalt  }
0x54: {  	_ =	shalt  }
0x55: {  	_ =	shalt  }
0x56: {  	_ =	shalt  }
0x57: {  	_ =	shalt  }
0x58: {  	_ =	shalt  }
0x59: {  	_ =	shalt  }
0x5a: {  	_ =	shalt  }
0x5b: {  	_ =	shalt  }
0x5c: {  	_ =	shalt  }
0x5d: {  	_ =	shalt  }
0x5e: {  	_ =	shalt  }
0x5f: {  	_ =	shalt  }
0x60: {  	_ =	shalt  }
0x61: {  	_ =	shalt  }
0x62: {  	_ =	shalt  }
0x63: {  	_ =	shalt  }
0x64: {  	_ =	shalt  }
0x65: {  	_ =	shalt  }
0x66: {  	_ =	shalt  }
0x67: {  	_ =	shalt  }
0x68: {  	_ =	shalt  }
0x69: {  	_ =	shalt  }
0x6a: {  	_ =	shalt  }
0x6b: {  	_ =	shalt  }
0x6c: {  	_ =	shalt  }
0x6d: {  	_ =	shalt  }
0x6e: {  	_ =	shalt  }
0x6f: {  	_ =	shalt  }
0x70: {  	_ =	shalt  }
0x71: {  	_ =	shalt  }
0x72: {  	_ =	shalt  }
0x73: {  	_ =	shalt  }
0x74: {  	_ =	shalt  }
0x75: {  	_ =	shalt  }
0x76: {  	_ =	shalt  }
0x77: {  	_ =	shalt  }
0x78: {  	_ =	shalt  }
0x79: {  	_ =	shalt  }
0x7a: {  	_ =	shalt  }
0x7b: {  	_ =	shalt  }
0x7c: {  	_ =	shalt  }
0x7d: {  	_ =	shalt  }
0x7e: {  	_ =	shalt  }
0x7f: {  	_ =	shalt  }
0x80: {  	_ =	shalt  }
0x81: {  	_ =	shalt  }
0x82: {  	_ =	shalt  }
0x83: {  	_ =	shalt  }
0x84: {  	_ =	shalt  }
0x85: {  	_ =	shalt  }
0x86: {  	_ =	shalt  }
0x87: {  	_ =	shalt  }
.Lfunc_end0:
.L_simem_size_0:
called_computation.1_lowered:
.L_overlay_start_0:
0x88: {  	s2 =	sld [smem:$0x3FD9]  }
0x89: {  	s3 =	sld [smem:$0x3FFE];
	_ =	sdelay $0x1  }
0x8a: {  	s1 =	srdreg.scid  }
0x8b: {  	s0 =	sand.u32 $0x1, s1  }
0x8c: {  	s16 =	sshll.u32 s0, $0xA;
	s2 =	sadd.s32 s3, s2  }
0x8d: {  	s2 =	sadd.s32 s2, s16  }
0x8e: {  	[smem:$0x3F9C] =	sst s2  }
0x8f: {  	_ = 	snop  }
0x90: {  	(tm) =	ssettm $0x1  }
0x91: {  	s17 =	sld [smem:$0x3FFB];
	_ =	sdelay $0x3  }
0x92: {  	_ =	strace s17  }
0x93: {  	s2 =	sld [smem:$0x3FFC];
	_ =	sdelay $0x3  }
0x94: {  	_ =	strace s2  }
0x95: {  	s2 =	sld [smem:$0x3FFD];
	_ =	sdelay $0x3  }
0x96: {  	_ =	strace s2  }
0x97: {  	_ =	strace $0x8FFFFFFF  }
0x98: {  	s18 =	sld [smem:$0x3FDB];
	_ =	sdelay $0x1  }
0x99: {  	s19 =	simm.s32 $_scs_section_size  }
0x9a: {  	s4 =	simm.s32 $_size__tile_overlayer_lowered;
	s5 =	simm.s32 $_tile_overlayer_lowered  }
0x9b: {  	s22 =	simm.s32 $0x1BFF;
	s21 =	sshll.u32 s5, $0x1;
	s2 =	sadd.s32 s19, s18  }
0x9c: {  	s6 =	simm.s32 $0x0;
	s20 =	sshll.u32 s4, $0x1;
	s4 =	sadd.s32 s21, s2  }
0x9d: {  	[timem:s6], [sflag:s22] =	dma.local [hbm:s4], s20  }
0x9e: {  	_ =	swait.ge [sflag:s22], s20  }
0x9f: {  	s3 =	ssub.s32 $0x0, s20;
	[sflag:s22] =	ssyncset.done $0x0  }
0xa0: {  	[sflag:s22] =	ssyncadd.s32 s3;
	_ =	sdelay $0x1  }
0xa1: {  	s23 =	simm.s32 $0x1B8B  }
0xa2: {  	_ =	swait.ge [sflag:s23], $0x1  }
0xa3: {  	[sflag:s23] =	ssyncset.done $0x0  }
0xa4: {  	s25 =	simm.s32 $0x1B8E;
	s24 =	sld [smem:$0x3FFE];
	[sflag:s23] =	ssyncadd.s32 $0xFFFFFFFF  }
0xa5: {  	s26 =	simm.s32 $execute0_lowered;
	[smem:$0x3FD2] =	sst s25  }
0xa6: {  	s4 =	sshll.u32 s26, $0x1;
	_ =	strace $0x80000049;
	[dreg:$0x1] =	wrdreg $0xFFFFFFFF  }
0xa7: {  	s28 =	simm.s32 $_size_execute0_lowered;
	s2 =	sadd.s32 s2, s4;
	[dreg:$0x0] =	wrdreg $0x0  }
0xa8: {  	s4 =	sshll.u32 s28, $0x1;
	[dreg:$0x2] =	wrdreg s2  }
0xa9: {  	[dreg:$0x3] =	wrdreg s4  }
0xaa: {  	[dreg:$0x4] =	wrdreg $0xC0  }
0xab: {  	_ =	task [dreg:s6], $0x5FFFF  }
0xac: {  	[dreg:$0x1] =	wrdreg $0xFFFFFFFF  }
0xad: {  	[dreg:$0x0] =	wrdreg $0x60  }
0xae: {  	[dreg:$0x2] =	wrdreg s24  }
0xaf: {  	[dreg:$0x3] =	wrdreg $0x90000  }
0xb0: {  	[dreg:$0x4] =	wrdreg $0x9  }
0xb1: {  	_ =	task.clear_ibuf [dreg:s6], $0x5FFFF;
	_ =	strace $0x90000049  }
0xb2: {  	s29 =	simm.s32 $0x9;
	_ =	strace $0x8000004B  }
0xb3: {  	_ =	swait.ge [sflag:s29], $0x1  }
0xb4: {  	[sflag:s29] =	ssyncadd.s32 $0xFFFFFFFF  }
0xb5: {  	_ =	strace $0x9000004B  }
0xb6: {  	_ =	sfence  }
0xb7: {  	s30 =	sld [smem:$0x0];
	_ =	sdelay $0x2  }
0xb8: {  	s31 =	sshll.u32 s1, $0xD;
	s1 =	sshrl.u32 s1, $0x2  }
0xb9: {  	s3 =	sand.u32 $0x4000, s31;
	s1 =	sadd.s32 s1, s30  }
0xba: {  	s0 =	sor.u32 s3, s0;
	s1 =	sshll.u32 s1, $0x11  }
0xbb: {  	s0 =	sor.u32 s1, s0  }
0xbc: {  	s0 =	sadd.s32 $0x8F2B, s0  }
0xbd: {  	[sflag:s0] =	ssyncadd.remote.s32 $0x1  }
0xbe: {  	_ =	sfence.sel $0xFFFF  }
0xbf: {  	[dreg:$0x0] =	wrdreg $0xFFFFFFFF;
	(pc) =	sbr.abs _section_cstart, $3  }
0xc0: {  	[dreg:$0x1] =	wrdreg $0xFFFFFFFF  }
0xc1: {  	_ =	task.clear_ibuf [dreg:s6], $0x2FFFF;
	_ =	strace $0x9FFFFFFF  }
0xc2: {  	(tm) =	ssettm $0x7FFFFFFF  }
0xc3: {  	_ =	shalt  }
tec
execute0_lowered:
.L_overlay_start_1:
0x0: {  	(tag) =	ssettag $0x1  }
0x1: {  	s5 =	rddreg [dreg:$0x0];
	s1 =	stileid.u32  }
0x2: {  	s2 =	rddreg [dreg:$0x1];
	s9 =	smul.u32 $0x2800, s1  }
0x3: {  	s0 =	rddreg [dreg:$0x2];
	s11 =	smul.u32 $0x278, s1  }
0x4: {  	s6 =	srdreg.scid;
	s12 =	smul.u32 $0x4F000, s1  }
0x5: {  	s3 =	simm.s32 $0x0;
	s6 =	sand.u32 $0x1, s6;
	s23 =	smul.u32 $0x13C00, s1  }
0x6: {  	[smem:$0x7FF] =	sst s3;
	s4 =	sadd.s32 $0xCAC00, s5;
	s14 =	smul.u32 $0x4F00, s6  }
0x7: {  	s10 =	sadd.s32 $0xB6C00, s5;
	s13 =	sadd.s32 $0x168C00, s5;
	s20 =	smul.u32 $0x50000, s6  }
0x8: {  	s31 =	sshll.u32 s1, $0x6;
	s16 =	smul.u32 $0x278000, s6;
	s17 =	sshllo.u32 s6, $0x1  }
0x9: {  	_ =	strace $0x8000004A;
	s8 =	ssub.s32 $0x2, s6;
	s24 =	smul.u32 $0x2780, s17  }
0xa: {  	s7 =	sshrl.u32 s9, $0x3;
	s19 =	sshrl.u32 s8, $0x1;
	s26 =	smul.u32 $0x28000, s17  }
0xb: {  	s21 =	sshrl.u32 s12, $0x2;
	s17 =	smul.u32 $0x13C000, s17;
	s7 =	sadd.s32 s7, s5  }
0xc: {  	s15 =	ssub.s32 s8, s19;
	s22 =	sadd.s32 s11, s14;
	s18 =	sadd.s32 s21, s2  }
0xd: {  	s25 =	sadd.s32 s23, s16;
	s19 =	simm.s32 $0x1;
	s5 =	sadd.s32 $0x9A00, s7  }
0xe: {  	s12 =	sshll.u32 s22, $0x4;
	s7 =	sadd.s32 s9, s20;
	s8 =	sshrl.u32 s25, $0x3  }
0xf: {  	s11 =	sadd.s32 s11, s24;
	s28 =	sadd.s32 s9, s26;
	s14 =	sadd.s32 s23, s17  }
0x10: {  	s16 =	sshrl.u32 s18, $0x3;
	s17 =	simm.s32 $0x80;
	s18 =	simm.s32 $0x5000  }
0x11: {  	s20 =	simm.s32 $0x0;
	s6 =	sadd.s32 s4, s12;
	s7 =	sshrl.u32 s7, $0x3  }
0x12: {  	s8 =	sadd.s32 s13, s8;
	s11 =	sshll.u32 s11, $0x4;
	s29 =	sshrl.u32 s28, $0x3  }
0x13: {  	s30 =	sshrl.u32 s14, $0x3;
	s12 =	smax.u32 s15, $0x1;
	s14 =	simm.s32 $0x2  }
0x14: {  	s15 =	sor.u32 $0x1C02, s31;
	s7 =	sadd.s32 s10, s7;
	s9 =	sadd.s32 s4, s11  }
0x15: {  	s10 =	sadd.s32 s10, s29;
	s11 =	sadd.s32 s13, s30;
	s13 =	simm.s32 $0x2800  }
.LBB2_1:
0x16: {  	[tilespmem:s13], [sflag:$0x2] =	stream.linear.gather [hbm4b:s5+s3], $0x2780, $0x38;
	[tilespmem:$0x1CC00] =	vst v63  }
0x17: {  	_ =	swait.ge [sflag:s14], $0x2780  }
0x18: {  	[sflag:s14] =	ssyncset.done $0x0  }
0x19: {  	[sflag:s14] =	ssyncadd.s32 $0xFFFFD880  }
0x1a: {  	[spmem:s16], [sflag:s15] =	dma.local [hbm:s6], $0x2780  }
0x1b: {  	_ =	swait.ge [sflag:s14], $0x2780  }
0x1c: {  	[sflag:s14] =	ssyncset.done $0x0  }
0x1d: {  	[sflag:s14] =	ssyncadd.s32 $0xFFFFD880  }
0x1e: {  	[tilespmem:s3], [sflag:$0x2] =	stream.linear.gather [hbm4b:s7+s3], $0x2780, $0x38;
	[tilespmem:$0x1CC00] =	vst v63  }
0x1f: {  	_ =	swait.ge [sflag:s14], $0x2780  }
0x20: {  	[sflag:s14] =	ssyncset.done $0x0  }
0x21: {  	[sflag:s14] =	ssyncadd.s32 $0xFFFFD880  }
0x22: {  	s21 =	simm.s32 $0x0;
	[bflag:$0x0] =	sbarrier.arrive $0xFFFF  }
0x23: {  	[tilespmem:s18], [sflag:$0x1] =	stream.indirect.gather [hbm4b:s4+s17], $0x80, s21, s17, $0xb8;
	[tilespmem:$0x1CC00] =	vst v63  }
0x24: {  	_ =	swait.ge [sflag:s19], $0x4000  }
0x25: {  	[sflag:s19] =	ssyncset.done $0x0  }
0x26: {  	s31 =	simm.s32 $0x2800;
	[sflag:s19] =	ssyncadd.s32 $0xFFFFC000  }
0x27: {  	[spmem:s2] =	stream.indirect.scatter.add.f32 [tilespmem:s18], [sflag:$0x2], $0x80, s31, s17, $0xb8;
	[tilespmem:$0x1CC00] =	vst v63  }
0x28: {  	_ =	swait.ge [sflag:s14], $0x4000  }
0x29: {  	s22 =	simm.s32 $0x400;
	s21 =	simm.s32 $0x200;
	[sflag:s14] =	ssyncset.done $0x0  }
.LBB2_2:
0x2a: {  	s23 =	sshra.s32 s21, $0x2  }
0x2b: {  	[sflag:s14] =	ssyncadd.s32 $0xFFFFC000;
	s21 =	smov.u32 s22;
	s24 =	sadd.s32 $0x200, s22  }
0x2c: {  	[tilespmem:s18], [sflag:$0x1] =	stream.indirect.gather [hbm4b:s4+s17], $0x80, s23, s17, $0xb8;
	[tilespmem:$0x1CC00] =	vst v63  }
0x2d: {  	p0 =	sne.s32 s22, $0x9C00;
	_ =	swait.ge [sflag:s19], $0x4000  }
.Ltmp0:
0x2e: {  	[sflag:s19] =	ssyncset.done $0x0;
	(pc) =	sbr.rel @p0 .LBB2_2-.Ltmp0, $4  }
0x2f: {  	s22 =	sadd.s32 $0x2800, s23;
	[sflag:s19] =	ssyncadd.s32 $0xFFFFC000  }
0x30: {  	[spmem:s2] =	stream.indirect.scatter.add.f32 [tilespmem:s18], [sflag:$0x2], $0x80, s22, s17, $0xb8;
	[tilespmem:$0x1CC00] =	vst v63  }
0x31: {  	_ =	swait.ge [sflag:s14], $0x4000  }
0x32: {  	s22 =	smov.u32 s24;
	[sflag:s14] =	ssyncset.done $0x0  }
0x33: {  	s21 =	sshra.s32 s21, $0x2;
	[sflag:s14] =	ssyncadd.s32 $0xFFFFC000  }
0x34: {  	[tilespmem:s18], [sflag:$0x1] =	stream.indirect.gather [hbm4b:s4+s17], $0x80, s21, s17, $0xb8;
	[tilespmem:$0x1CC00] =	vst v63  }
0x35: {  	_ =	swait.ge [sflag:s19], $0x4000  }
0x36: {  	[sflag:s19] =	ssyncset.done $0x0  }
0x37: {  	s21 =	sadd.s32 $0x2800, s21;
	[sflag:s19] =	ssyncadd.s32 $0xFFFFC000  }
0x38: {  	[spmem:s2] =	stream.indirect.scatter.add.f32 [tilespmem:s18], [sflag:$0x2], $0x80, s21, s17, $0xb8;
	[tilespmem:$0x1CC00] =	vst v63  }
0x39: {  	_ =	swait.ge [sflag:s14], $0x4000  }
0x3a: {  	[sflag:s14] =	ssyncset.done $0x0  }
0x3b: {  	[sflag:s14] =	ssyncadd.s32 $0xFFFFC000  }
0x3c: {  	[bflag:$0x0] =	sbarrier.arrive $0xFFFF  }
0x3d: {  	[hbm:s8], [sflag:s15] =	dma.local [spmem:s16], $0x2780  }
0x3e: {  	_ =	swait.ge [sflag:s14], $0x2780  }
0x3f: {  	[sflag:s14] =	ssyncset.done $0x0  }
0x40: {  	[sflag:s14] =	ssyncadd.s32 $0xFFFFD880  }
0x41: {  	[bflag:$0x0] =	sbarrier.arrive $0xFFFF  }
0x42: {  	[spmem:s16], [sflag:s15] =	dma.local [hbm:s9], $0x2780  }
0x43: {  	_ =	swait.ge [sflag:s14], $0x2780  }
0x44: {  	[sflag:s14] =	ssyncset.done $0x0  }
0x45: {  	s29 =	simm.s32 $0x0;
	[sflag:s14] =	ssyncadd.s32 $0xFFFFD880  }
0x46: {  	[tilespmem:s29], [sflag:$0x2] =	stream.linear.gather [hbm4b:s10+s29], $0x2780, $0x38;
	[tilespmem:$0x1CC00] =	vst v63  }
0x47: {  	_ =	swait.ge [sflag:s14], $0x2780  }
0x48: {  	[sflag:s14] =	ssyncset.done $0x0  }
0x49: {  	[sflag:s14] =	ssyncadd.s32 $0xFFFFD880  }
0x4a: {  	s30 =	simm.s32 $0x0;
	[bflag:$0x0] =	sbarrier.arrive $0xFFFF  }
0x4b: {  	[tilespmem:s18], [sflag:$0x1] =	stream.indirect.gather [hbm4b:s4+s17], $0x80, s30, s17, $0xb8;
	[tilespmem:$0x1CC00] =	vst v63  }
0x4c: {  	_ =	swait.ge [sflag:s19], $0x4000  }
0x4d: {  	[sflag:s19] =	ssyncset.done $0x0  }
0x4e: {  	s31 =	simm.s32 $0x2800;
	[sflag:s19] =	ssyncadd.s32 $0xFFFFC000  }
0x4f: {  	[spmem:s2] =	stream.indirect.scatter.add.f32 [tilespmem:s18], [sflag:$0x2], $0x80, s31, s17, $0xb8;
	[tilespmem:$0x1CC00] =	vst v63  }
0x50: {  	_ =	swait.ge [sflag:s14], $0x4000  }
0x51: {  	s22 =	simm.s32 $0x400;
	s21 =	simm.s32 $0x200;
	[sflag:s14] =	ssyncset.done $0x0  }
.LBB2_4:
0x52: {  	s23 =	sshra.s32 s21, $0x2  }
0x53: {  	[sflag:s14] =	ssyncadd.s32 $0xFFFFC000;
	s21 =	smov.u32 s22;
	s24 =	sadd.s32 $0x200, s22  }
0x54: {  	[tilespmem:s18], [sflag:$0x1] =	stream.indirect.gather [hbm4b:s4+s17], $0x80, s23, s17, $0xb8;
	[tilespmem:$0x1CC00] =	vst v63  }
0x55: {  	p0 =	sne.s32 s22, $0x9C00;
	_ =	swait.ge [sflag:s19], $0x4000  }
.Ltmp1:
0x56: {  	[sflag:s19] =	ssyncset.done $0x0;
	(pc) =	sbr.rel @p0 .LBB2_4-.Ltmp1, $4  }
0x57: {  	s22 =	sadd.s32 $0x2800, s23;
	[sflag:s19] =	ssyncadd.s32 $0xFFFFC000  }
0x58: {  	[spmem:s2] =	stream.indirect.scatter.add.f32 [tilespmem:s18], [sflag:$0x2], $0x80, s22, s17, $0xb8;
	[tilespmem:$0x1CC00] =	vst v63  }
0x59: {  	_ =	swait.ge [sflag:s14], $0x4000  }
0x5a: {  	s22 =	smov.u32 s24;
	[sflag:s14] =	ssyncset.done $0x0  }
0x5b: {  	s21 =	sshra.s32 s21, $0x2;
	[sflag:s14] =	ssyncadd.s32 $0xFFFFC000  }
0x5c: {  	[tilespmem:s18], [sflag:$0x1] =	stream.indirect.gather [hbm4b:s4+s17], $0x80, s21, s17, $0xb8;
	[tilespmem:$0x1CC00] =	vst v63  }
0x5d: {  	_ =	swait.ge [sflag:s19], $0x4000  }
0x5e: {  	[sflag:s19] =	ssyncset.done $0x0  }
0x5f: {  	s21 =	sadd.s32 $0x2800, s21;
	[sflag:s19] =	ssyncadd.s32 $0xFFFFC000  }
0x60: {  	[spmem:s2] =	stream.indirect.scatter.add.f32 [tilespmem:s18], [sflag:$0x2], $0x80, s21, s17, $0xb8;
	[tilespmem:$0x1CC00] =	vst v63  }
0x61: {  	_ =	swait.ge [sflag:s14], $0x4000  }
0x62: {  	[sflag:s14] =	ssyncset.done $0x0  }
0x63: {  	s20 =	sadd.s32 $0x1, s20;
	[sflag:s14] =	ssyncadd.s32 $0xFFFFC000  }
0x64: {  	p0 =	sne.s32 s20, s12;
	[bflag:$0x0] =	sbarrier.arrive $0xFFFF  }
0x65: {  	[hbm:s11], [sflag:s15] =	dma.local [spmem:s16], $0x2780  }
.Ltmp2:
0x66: {  	_ =	swait.ge [sflag:s14], $0x2780;
	(pc) =	sbr.rel @p0 .LBB2_1-.Ltmp2, $3  }
0x67: {  	[sflag:s14] =	ssyncset.done $0x0  }
0x68: {  	[sflag:s14] =	ssyncadd.s32 $0xFFFFD880  }
0x69: {  	[bflag:$0x0] =	sbarrier.arrive $0xFFFF;
	_ =	sdelay $0x1  }
0x6a: {  	_ =	sfence.sel $0x180000  }
0x6b: {  	[bflag:$0x0] =	sbarrier.arrive $0xFFFF  }
0x6c: {  	p0 =	sne.s32 s1, $0x0;
	_ =	strace $0x9000004A  }
0x6d: {  	s0 =	sadd.s32 @!p0 $0x100000, s0;
	[bflag:$0x2] =	sbarrier.arrive $0xFFFF  }
0x6e: {  	[sflag:s0] =	ssyncadd.tile.s32 @!p0 $0x1;
	_ =	shalt  }
.Lfunc_end2:
_tile_overlayer_lowered:
.L_overlay_start_2:
0x6f: {  	(tag) =	ssettag $0x2  }
0x70: {  	s0 =	rddreg [dreg:$0x0];
	s2 =	stileid.u32  }
0x71: {  	s1 =	rddreg [dreg:$0x1];
	p0 =	sne.s32 s2, $0x0  }
0x72: {  	s3 =	rddreg [dreg:$0x2];
	[bflag:$0x3] =	sbarrier.arrive $0xFFFF;
	s2 =	simm.s32 @!p0 $0x1C02  }
0x73: {  	[timem:s3], [sflag:s2] =	dma.local @!p0 [hbm:s0], s1  }
0x74: {  	s0 =	simm.s32 @!p0 $0x2  }
0x75: {  	_ =	swait.ge @!p0 [sflag:s0], s1  }
0x76: {  	s1 =	ssub.s32 @!p0 $0x0, s1;
	[sflag:s0] =	ssyncset.done @!p0 $0x0  }
0x77: {  	[sflag:s0] =	ssyncadd.s32 @!p0 s1  }
0x78: {  	[bflag:$0x3] =	sbarrier.arrive $0xFFFF  }
0x79: {  	_ =	shalt  }

// kernel: kernel.26.cloned.1.call-start
scs
__scs_entry_jumppad:
0x0: {  	(pc) =	sbr.rel $0x88, $3  }
0x1: {  	(tag) =	ssettag $0x0;
	lr =	simm.s32 $0x1  }
0x2: {  	[smem:$0x3F75] =	sst lr;
	_ =	strace $0xD0000000  }
0x3: {  	_ = 	snop  }
0x4: {  	_ = 	snop  }
0x5: {  	_ = 	snop  }
0x6: {  	_ = 	snop  }
0x7: {  	_ = 	snop  }
__scs_overlays_trampoline_lowered:
0x8: {  	[smem:$0x3F84] =	sst s0  }
0x9: {  	[smem:$0x3F85] =	sst s1  }
0xa: {  	[smem:$0x3F86] =	sst s2  }
0xb: {  	[smem:$0x3F87] =	sst s3  }
0xc: {  	[smem:$0x3F88] =	sst s4  }
0xd: {  	[smem:$0x3F89] =	sst s5  }
0xe: {  	[smem:$0x3F8A] =	sst s6  }
0xf: {  	[smem:$0x3F8B] =	sst s7  }
0x10: {  	[smem:$0x3F8C] =	sst s8  }
0x11: {  	[smem:$0x3F8D] =	sst s9;
	s0 =	simm.s32 @!p0 $0x0  }
0x12: {  	s1 =	sld [smem:$0x3F73];
	s0 =	simm.s32 @p0 $0x1  }
0x13: {  	[smem:$0x3F8E] =	sst s0;
	s0 =	simm.s32 @!p1 $0x0  }
0x14: {  	s2 =	sld [smem:$0x3F72];
	s0 =	simm.s32 @p1 $0x1  }
0x15: {  	[smem:$0x3F8F] =	sst s0;
	s0 =	simm.s32 @!p2 $0x0  }
0x16: {  	s3 =	sld [smem:$0x3FDB];
	s0 =	simm.s32 @p2 $0x1  }
0x17: {  	s4 =	simm.s32 $0x1BF5;
	[smem:$0x3F91] =	sst s0  }
0x18: {  	s0 =	sld [smem:$0x3F74];
	_ =	swait.ge [sflag:s4], $0x0  }
0x19: {  	s7 =	sld [smem:$0x3F75]  }
0x1a: {  	s8 =	sadd.s32 $0xFFFFE003, lr  }
0x1b: {  	s9 =	sadd.s32 $0xFFFFFEF7, lr;
	s5 =	simm.s32 $0xFFFFFFFF;
	p2 =	slt.u32 s8, $0xFFFFF086  }
0x1c: {  	p1 =	slt.u32 s9, $0xF7A;
	s5 =	simm.s32 @!p2 $0x0  }
0x1d: {  	s5 =	simm.s32 @p1 $0x1;
	p0 =	seq.s32 s7, s2  }
0x1e: {  	s7 =	smul.u32 @!p0 $0xF7A, s2;
	p2 =	seq.s32 @!p0 s5, $0x0  }
0x1f: {  	s9 =	smul.u32 $0xF7A, s1;
	s8 =	simm.s32 @!p0 $0x1BF5;
	p2 =	por !p2, p0  }
0x20: {  	[sflag:s8] =	ssyncset.s32 @!p0 $0xFFFFF086;
	s6 =	sadd.s32 @!p0 s3, s7;
	s7 =	simm.s32 @!p0 $0x108  }
0x21: {  	s3 =	sadd.s32 s3, s9;
	s6 =	sadd.s32 @!p0 $0x88, s6;
	s7 =	simm.s32 @p2 $0x1082  }
0x22: {  	[simem:s7], [sflag:s8] =	dma.local @!p0 [hbm:s6], $0xF7A  }
0x23: {  	s9 =	sor.u32 $0xD0000000, s2;
	s6 =	simm.s32 $0x108;
	_ =	swait.ge @!p0 [sflag:s8], $0x0  }
0x24: {  	s3 =	sadd.s32 $0x88, s3;
	s6 =	simm.s32 @!p1 $0x1082;
	[sflag:s4] =	ssyncset.s32 $0xFFFFF086  }
0x25: {  	[simem:s6], [sflag:s4] =	dma.local [hbm:s3], $0xF7A  }
0x26: {  	[smem:$0x3F75] =	sst s1;
	(tag) =	ssettag s2;
	_ =	strace s9  }
0x27: {  	s1 =	sld [smem:$0x3F85]  }
0x28: {  	s2 =	sld [smem:$0x3F86]  }
0x29: {  	s4 =	sld [smem:$0x3F88]  }
0x2a: {  	p0 =	seq.s32 s5, $0x0;
	s5 =	sld [smem:$0x3F89]  }
0x2b: {  	s6 =	sld [smem:$0x3F8A]  }
0x2c: {  	s7 =	sld [smem:$0x3F8B]  }
0x2d: {  	s3 =	simm.s32 $0x108;
	s8 =	sld [smem:$0x3F8C]  }
0x2e: {  	s3 =	simm.s32 @!p0 $0x1082;
	s9 =	sld [smem:$0x3F8D]  }
0x2f: {  	lr =	sadd.s32 s0, s3;
	s0 =	sld [smem:$0x3F84]  }
0x30: {  	s3 =	sld [smem:$0x3F87]  }
0x31: {  	[smem:$0x3F90] =	sst s10  }
0x32: {  	s10 =	sld [smem:$0x3F8E];
	_ =	sdelay $0x3  }
0x33: {  	p0 =	seq.s32 s10, $0x1;
	s10 =	sld [smem:$0x3F90];
	_ =	sdelay $0x3  }
0x34: {  	[smem:$0x3F90] =	sst s10  }
0x35: {  	s10 =	sld [smem:$0x3F8F];
	_ =	sdelay $0x3  }
0x36: {  	p1 =	seq.s32 s10, $0x1;
	s10 =	sld [smem:$0x3F90];
	_ =	sdelay $0x3  }
0x37: {  	[smem:$0x3F90] =	sst s10  }
0x38: {  	s10 =	sld [smem:$0x3F91]  }
0x39: {  	_ = 	snop;
	(pc) =	sbr.ind lr, $3  }
0x3a: {  	_ = 	snop  }
0x3b: {  	_ = 	snop  }
0x3c: {  	p2 =	seq.s32 s10, $0x1;
	s10 =	sld [smem:$0x3F90]  }
0x3d: {  	_ =	shalt  }
0x3e: {  	_ =	shalt  }
0x3f: {  	_ =	shalt  }
0x40: {  	_ =	shalt  }
0x41: {  	_ =	shalt  }
0x42: {  	_ =	shalt  }
0x43: {  	_ =	shalt  }
0x44: {  	_ =	shalt  }
0x45: {  	_ =	shalt  }
0x46: {  	_ =	shalt  }
0x47: {  	_ =	shalt  }
0x48: {  	_ =	shalt  }
0x49: {  	_ =	shalt  }
0x4a: {  	_ =	shalt  }
0x4b: {  	_ =	shalt  }
0x4c: {  	_ =	shalt  }
0x4d: {  	_ =	shalt  }
0x4e: {  	_ =	shalt  }
0x4f: {  	_ =	shalt  }
0x50: {  	_ =	shalt  }
0x51: {  	_ =	shalt  }
0x52: {  	_ =	shalt  }
0x53: {  	_ =	shalt  }
0x54: {  	_ =	shalt  }
0x55: {  	_ =	shalt  }
0x56: {  	_ =	shalt  }
0x57: {  	_ =	shalt  }
0x58: {  	_ =	shalt  }
0x59: {  	_ =	shalt  }
0x5a: {  	_ =	shalt  }
0x5b: {  	_ =	shalt  }
0x5c: {  	_ =	shalt  }
0x5d: {  	_ =	shalt  }
0x5e: {  	_ =	shalt  }
0x5f: {  	_ =	shalt  }
0x60: {  	_ =	shalt  }
0x61: {  	_ =	shalt  }
0x62: {  	_ =	shalt  }
0x63: {  	_ =	shalt  }
0x64: {  	_ =	shalt  }
0x65: {  	_ =	shalt  }
0x66: {  	_ =	shalt  }
0x67: {  	_ =	shalt  }
0x68: {  	_ =	shalt  }
0x69: {  	_ =	shalt  }
0x6a: {  	_ =	shalt  }
0x6b: {  	_ =	shalt  }
0x6c: {  	_ =	shalt  }
0x6d: {  	_ =	shalt  }
0x6e: {  	_ =	shalt  }
0x6f: {  	_ =	shalt  }
0x70: {  	_ =	shalt  }
0x71: {  	_ =	shalt  }
0x72: {  	_ =	shalt  }
0x73: {  	_ =	shalt  }
0x74: {  	_ =	shalt  }
0x75: {  	_ =	shalt  }
0x76: {  	_ =	shalt  }
0x77: {  	_ =	shalt  }
0x78: {  	_ =	shalt  }
0x79: {  	_ =	shalt  }
0x7a: {  	_ =	shalt  }
0x7b: {  	_ =	shalt  }
0x7c: {  	_ =	shalt  }
0x7d: {  	_ =	shalt  }
0x7e: {  	_ =	shalt  }
0x7f: {  	_ =	shalt  }
0x80: {  	_ =	shalt  }
0x81: {  	_ =	shalt  }
0x82: {  	_ =	shalt  }
0x83: {  	_ =	shalt  }
0x84: {  	_ =	shalt  }
0x85: {  	_ =	shalt  }
0x86: {  	_ =	shalt  }
0x87: {  	_ =	shalt  }
.Lfunc_end0:
.L_simem_size_0:
called_computation.2_lowered:
.L_overlay_start_0:
0x88: {  	s2 =	sld [smem:$0x3FD9]  }
0x89: {  	s3 =	sld [smem:$0x3FFE];
	_ =	sdelay $0x1  }
0x8a: {  	s1 =	srdreg.scid  }
0x8b: {  	s0 =	sand.u32 $0x1, s1  }
0x8c: {  	s16 =	sshll.u32 s0, $0xA;
	s2 =	sadd.s32 s3, s2  }
0x8d: {  	s2 =	sadd.s32 s2, s16  }
0x8e: {  	[smem:$0x3F9C] =	sst s2  }
0x8f: {  	_ = 	snop  }
0x90: {  	(tm) =	ssettm $0x1  }
0x91: {  	s17 =	sld [smem:$0x3FFB];
	_ =	sdelay $0x3  }
0x92: {  	_ =	strace s17  }
0x93: {  	s2 =	sld [smem:$0x3FFC];
	_ =	sdelay $0x3  }
0x94: {  	_ =	strace s2  }
0x95: {  	s2 =	sld [smem:$0x3FFD];
	_ =	sdelay $0x3  }
0x96: {  	_ =	strace s2  }
0x97: {  	_ =	strace $0x8FFFFFFF  }
0x98: {  	s18 =	sld [smem:$0x3FDB];
	_ =	sdelay $0x1  }
0x99: {  	s19 =	simm.s32 $_scs_section_size  }
0x9a: {  	s4 =	simm.s32 $_size__tile_overlayer_lowered;
	s5 =	simm.s32 $_tile_overlayer_lowered  }
0x9b: {  	s22 =	simm.s32 $0x1BFF;
	s21 =	sshll.u32 s5, $0x1;
	s2 =	sadd.s32 s19, s18  }
0x9c: {  	s6 =	simm.s32 $0x0;
	s20 =	sshll.u32 s4, $0x1;
	s4 =	sadd.s32 s21, s2  }
0x9d: {  	[timem:s6], [sflag:s22] =	dma.local [hbm:s4], s20  }
0x9e: {  	_ =	swait.ge [sflag:s22], s20  }
0x9f: {  	s3 =	ssub.s32 $0x0, s20;
	[sflag:s22] =	ssyncset.done $0x0  }
0xa0: {  	[sflag:s22] =	ssyncadd.s32 s3;
	_ =	sdelay $0x1  }
0xa1: {  	s23 =	simm.s32 $0x1B8B  }
0xa2: {  	_ =	swait.ge [sflag:s23], $0x1  }
0xa3: {  	[sflag:s23] =	ssyncset.done $0x0  }
0xa4: {  	s25 =	simm.s32 $0x1B8E;
	s24 =	sld [smem:$0x3FFE];
	[sflag:s23] =	ssyncadd.s32 $0xFFFFFFFF  }
0xa5: {  	s26 =	simm.s32 $execute0_lowered;
	[smem:$0x3FD2] =	sst s25  }
0xa6: {  	s4 =	sshll.u32 s26, $0x1;
	_ =	strace $0x8000004C;
	[dreg:$0x1] =	wrdreg $0xFFFFFFFF  }
0xa7: {  	s28 =	simm.s32 $_size_execute0_lowered;
	s2 =	sadd.s32 s2, s4;
	[dreg:$0x0] =	wrdreg $0x0  }
0xa8: {  	s4 =	sshll.u32 s28, $0x1;
	[dreg:$0x2] =	wrdreg s2  }
0xa9: {  	[dreg:$0x3] =	wrdreg s4  }
0xaa: {  	[dreg:$0x4] =	wrdreg $0xC0  }
0xab: {  	_ =	task [dreg:s6], $0x5FFFF  }
0xac: {  	[dreg:$0x1] =	wrdreg $0xFFFFFFFF  }
0xad: {  	[dreg:$0x0] =	wrdreg $0x60  }
0xae: {  	[dreg:$0x2] =	wrdreg s24  }
0xaf: {  	[dreg:$0x3] =	wrdreg $0x90000  }
0xb0: {  	[dreg:$0x4] =	wrdreg $0x9  }
0xb1: {  	_ =	task.clear_ibuf [dreg:s6], $0x5FFFF;
	_ =	strace $0x9000004C  }
0xb2: {  	s29 =	simm.s32 $0x9;
	_ =	strace $0x8000004E  }
0xb3: {  	_ =	swait.ge [sflag:s29], $0x1  }
0xb4: {  	[sflag:s29] =	ssyncadd.s32 $0xFFFFFFFF  }
0xb5: {  	_ =	strace $0x9000004E  }
0xb6: {  	_ =	sfence  }
0xb7: {  	s30 =	sld [smem:$0x0];
	_ =	sdelay $0x2  }
0xb8: {  	s31 =	sshll.u32 s1, $0xD;
	s1 =	sshrl.u32 s1, $0x2  }
0xb9: {  	s3 =	sand.u32 $0x4000, s31;
	s1 =	sadd.s32 s1, s30  }
0xba: {  	s0 =	sor.u32 s3, s0;
	s1 =	sshll.u32 s1, $0x11  }
0xbb: {  	s0 =	sor.u32 s1, s0  }
0xbc: {  	s0 =	sadd.s32 $0x8F2B, s0  }
0xbd: {  	[sflag:s0] =	ssyncadd.remote.s32 $0x1  }
0xbe: {  	_ =	sfence.sel $0xFFFF  }
0xbf: {  	[dreg:$0x0] =	wrdreg $0xFFFFFFFF;
	(pc) =	sbr.abs _section_cstart, $3  }
0xc0: {  	[dreg:$0x1] =	wrdreg $0xFFFFFFFF  }
0xc1: {  	_ =	task.clear_ibuf [dreg:s6], $0x2FFFF;
	_ =	strace $0x9FFFFFFF  }
0xc2: {  	(tm) =	ssettm $0x7FFFFFFF  }
0xc3: {  	_ =	shalt  }
tec
execute0_lowered:
.L_overlay_start_1:
0x0: {  	(tag) =	ssettag $0x1  }
0x1: {  	s5 =	rddreg [dreg:$0x0];
	s1 =	stileid.u32  }
0x2: {  	s2 =	rddreg [dreg:$0x1];
	s9 =	smul.u32 $0x2800, s1  }
0x3: {  	s0 =	rddreg [dreg:$0x2];
	s11 =	smul.u32 $0x278, s1  }
0x4: {  	s6 =	srdreg.scid;
	s12 =	smul.u32 $0x4F000, s1  }
0x5: {  	s3 =	simm.s32 $0x0;
	s6 =	sand.u32 $0x1, s6;
	s23 =	smul.u32 $0x13C00, s1  }
0x6: {  	[smem:$0x7FF] =	sst s3;
	s4 =	sadd.s32 $0xCAC00, s5;
	s14 =	smul.u32 $0x4F00, s6  }
0x7: {  	s10 =	sadd.s32 $0xB6C00, s5;
	s13 =	sadd.s32 $0x168C00, s5;
	s20 =	smul.u32 $0x50000, s6  }
0x8: {  	s31 =	sshll.u32 s1, $0x6;
	s16 =	smul.u32 $0x278000, s6;
	s17 =	sshllo.u32 s6, $0x1  }
0x9: {  	_ =	strace $0x8000004D;
	s8 =	ssub.s32 $0x2, s6;
	s24 =	smul.u32 $0x2780, s17  }
0xa: {  	s7 =	sshrl.u32 s9, $0x3;
	s19 =	sshrl.u32 s8, $0x1;
	s26 =	smul.u32 $0x28000, s17  }
0xb: {  	s21 =	sshrl.u32 s12, $0x2;
	s17 =	smul.u32 $0x13C000, s17;
	s7 =	sadd.s32 s7, s5  }
0xc: {  	s15 =	ssub.s32 s8, s19;
	s22 =	sadd.s32 s11, s14;
	s18 =	sadd.s32 s21, s2  }
0xd: {  	s25 =	sadd.s32 s23, s16;
	s19 =	simm.s32 $0x1;
	s5 =	sadd.s32 $0x9A00, s7  }
0xe: {  	s12 =	sshll.u32 s22, $0x4;
	s7 =	sadd.s32 s9, s20;
	s8 =	sshrl.u32 s25, $0x3  }
0xf: {  	s11 =	sadd.s32 s11, s24;
	s28 =	sadd.s32 s9, s26;
	s14 =	sadd.s32 s23, s17  }
0x10: {  	s16 =	sshrl.u32 s18, $0x3;
	s17 =	simm.s32 $0x80;
	s18 =	simm.s32 $0x5000  }
0x11: {  	s20 =	simm.s32 $0x0;
	s6 =	sadd.s32 s4, s12;
	s7 =	sshrl.u32 s7, $0x3  }
0x12: {  	s8 =	sadd.s32 s13, s8;
	s11 =	sshll.u32 s11, $0x4;
	s29 =	sshrl.u32 s28, $0x3  }
0x13: {  	s30 =	sshrl.u32 s14, $0x3;
	s12 =	smax.u32 s15, $0x1;
	s14 =	simm.s32 $0x2  }
0x14: {  	s15 =	sor.u32 $0x1C02, s31;
	s7 =	sadd.s32 s10, s7;
	s9 =	sadd.s32 s4, s11  }
0x15: {  	s10 =	sadd.s32 s10, s29;
	s11 =	sadd.s32 s13, s30;
	s13 =	simm.s32 $0x2800  }
.LBB2_1:
0x16: {  	[tilespmem:s13], [sflag:$0x2] =	stream.linear.gather [hbm4b:s5+s3], $0x2780, $0x38;
	[tilespmem:$0x1CC00] =	vst v63  }
0x17: {  	_ =	swait.ge [sflag:s14], $0x2780  }
0x18: {  	[sflag:s14] =	ssyncset.done $0x0  }
0x19: {  	[sflag:s14] =	ssyncadd.s32 $0xFFFFD880  }
0x1a: {  	[spmem:s16], [sflag:s15] =	dma.local [hbm:s6], $0x2780  }
0x1b: {  	_ =	swait.ge [sflag:s14], $0x2780  }
0x1c: {  	[sflag:s14] =	ssyncset.done $0x0  }
0x1d: {  	[sflag:s14] =	ssyncadd.s32 $0xFFFFD880  }
0x1e: {  	[tilespmem:s3], [sflag:$0x2] =	stream.linear.gather [hbm4b:s7+s3], $0x2780, $0x38;
	[tilespmem:$0x1CC00] =	vst v63  }
0x1f: {  	_ =	swait.ge [sflag:s14], $0x2780  }
0x20: {  	[sflag:s14] =	ssyncset.done $0x0  }
0x21: {  	[sflag:s14] =	ssyncadd.s32 $0xFFFFD880  }
0x22: {  	s21 =	simm.s32 $0x0;
	[bflag:$0x0] =	sbarrier.arrive $0xFFFF  }
0x23: {  	[tilespmem:s18], [sflag:$0x1] =	stream.indirect.gather [hbm4b:s4+s17], $0x80, s21, s17, $0xb8;
	[tilespmem:$0x1CC00] =	vst v63  }
0x24: {  	_ =	swait.ge [sflag:s19], $0x4000  }
0x25: {  	[sflag:s19] =	ssyncset.done $0x0  }
0x26: {  	s31 =	simm.s32 $0x2800;
	[sflag:s19] =	ssyncadd.s32 $0xFFFFC000  }
0x27: {  	[spmem:s2] =	stream.indirect.scatter.add.f32 [tilespmem:s18], [sflag:$0x2], $0x80, s31, s17, $0xb8;
	[tilespmem:$0x1CC00] =	vst v63  }
0x28: {  	_ =	swait.ge [sflag:s14], $0x4000  }
0x29: {  	s22 =	simm.s32 $0x400;
	s21 =	simm.s32 $0x200;
	[sflag:s14] =	ssyncset.done $0x0  }
.LBB2_2:
0x2a: {  	s23 =	sshra.s32 s21, $0x2  }
0x2b: {  	[sflag:s14] =	ssyncadd.s32 $0xFFFFC000;
	s21 =	smov.u32 s22;
	s24 =	sadd.s32 $0x200, s22  }
0x2c: {  	[tilespmem:s18], [sflag:$0x1] =	stream.indirect.gather [hbm4b:s4+s17], $0x80, s23, s17, $0xb8;
	[tilespmem:$0x1CC00] =	vst v63  }
0x2d: {  	p0 =	sne.s32 s22, $0x9C00;
	_ =	swait.ge [sflag:s19], $0x4000  }
.Ltmp0:
0x2e: {  	[sflag:s19] =	ssyncset.done $0x0;
	(pc) =	sbr.rel @p0 .LBB2_2-.Ltmp0, $4  }
0x2f: {  	s22 =	sadd.s32 $0x2800, s23;
	[sflag:s19] =	ssyncadd.s32 $0xFFFFC000  }
0x30: {  	[spmem:s2] =	stream.indirect.scatter.add.f32 [tilespmem:s18], [sflag:$0x2], $0x80, s22, s17, $0xb8;
	[tilespmem:$0x1CC00] =	vst v63  }
0x31: {  	_ =	swait.ge [sflag:s14], $0x4000  }
0x32: {  	s22 =	smov.u32 s24;
	[sflag:s14] =	ssyncset.done $0x0  }
0x33: {  	s21 =	sshra.s32 s21, $0x2;
	[sflag:s14] =	ssyncadd.s32 $0xFFFFC000  }
0x34: {  	[tilespmem:s18], [sflag:$0x1] =	stream.indirect.gather [hbm4b:s4+s17], $0x80, s21, s17, $0xb8;
	[tilespmem:$0x1CC00] =	vst v63  }
0x35: {  	_ =	swait.ge [sflag:s19], $0x4000  }
0x36: {  	[sflag:s19] =	ssyncset.done $0x0  }
0x37: {  	s21 =	sadd.s32 $0x2800, s21;
	[sflag:s19] =	ssyncadd.s32 $0xFFFFC000  }
0x38: {  	[spmem:s2] =	stream.indirect.scatter.add.f32 [tilespmem:s18], [sflag:$0x2], $0x80, s21, s17, $0xb8;
	[tilespmem:$0x1CC00] =	vst v63  }
0x39: {  	_ =	swait.ge [sflag:s14], $0x4000  }
0x3a: {  	[sflag:s14] =	ssyncset.done $0x0  }
0x3b: {  	[sflag:s14] =	ssyncadd.s32 $0xFFFFC000  }
0x3c: {  	[bflag:$0x0] =	sbarrier.arrive $0xFFFF  }
0x3d: {  	[hbm:s8], [sflag:s15] =	dma.local [spmem:s16], $0x2780  }
0x3e: {  	_ =	swait.ge [sflag:s14], $0x2780  }
0x3f: {  	[sflag:s14] =	ssyncset.done $0x0  }
0x40: {  	[sflag:s14] =	ssyncadd.s32 $0xFFFFD880  }
0x41: {  	[bflag:$0x0] =	sbarrier.arrive $0xFFFF  }
0x42: {  	[spmem:s16], [sflag:s15] =	dma.local [hbm:s9], $0x2780  }
0x43: {  	_ =	swait.ge [sflag:s14], $0x2780  }
0x44: {  	[sflag:s14] =	ssyncset.done $0x0  }
0x45: {  	s29 =	simm.s32 $0x0;
	[sflag:s14] =	ssyncadd.s32 $0xFFFFD880  }
0x46: {  	[tilespmem:s29], [sflag:$0x2] =	stream.linear.gather [hbm4b:s10+s29], $0x2780, $0x38;
	[tilespmem:$0x1CC00] =	vst v63  }
0x47: {  	_ =	swait.ge [sflag:s14], $0x2780  }
0x48: {  	[sflag:s14] =	ssyncset.done $0x0  }
0x49: {  	[sflag:s14] =	ssyncadd.s32 $0xFFFFD880  }
0x4a: {  	s30 =	simm.s32 $0x0;
	[bflag:$0x0] =	sbarrier.arrive $0xFFFF  }
0x4b: {  	[tilespmem:s18], [sflag:$0x1] =	stream.indirect.gather [hbm4b:s4+s17], $0x80, s30, s17, $0xb8;
	[tilespmem:$0x1CC00] =	vst v63  }
0x4c: {  	_ =	swait.ge [sflag:s19], $0x4000  }
0x4d: {  	[sflag:s19] =	ssyncset.done $0x0  }
0x4e: {  	s31 =	simm.s32 $0x2800;
	[sflag:s19] =	ssyncadd.s32 $0xFFFFC000  }
0x4f: {  	[spmem:s2] =	stream.indirect.scatter.add.f32 [tilespmem:s18], [sflag:$0x2], $0x80, s31, s17, $0xb8;
	[tilespmem:$0x1CC00] =	vst v63  }
0x50: {  	_ =	swait.ge [sflag:s14], $0x4000  }
0x51: {  	s22 =	simm.s32 $0x400;
	s21 =	simm.s32 $0x200;
	[sflag:s14] =	ssyncset.done $0x0  }
.LBB2_4:
0x52: {  	s23 =	sshra.s32 s21, $0x2  }
0x53: {  	[sflag:s14] =	ssyncadd.s32 $0xFFFFC000;
	s21 =	smov.u32 s22;
	s24 =	sadd.s32 $0x200, s22  }
0x54: {  	[tilespmem:s18], [sflag:$0x1] =	stream.indirect.gather [hbm4b:s4+s17], $0x80, s23, s17, $0xb8;
	[tilespmem:$0x1CC00] =	vst v63  }
0x55: {  	p0 =	sne.s32 s22, $0x9C00;
	_ =	swait.ge [sflag:s19], $0x4000  }
.Ltmp1:
0x56: {  	[sflag:s19] =	ssyncset.done $0x0;
	(pc) =	sbr.rel @p0 .LBB2_4-.Ltmp1, $4  }
0x57: {  	s22 =	sadd.s32 $0x2800, s23;
	[sflag:s19] =	ssyncadd.s32 $0xFFFFC000  }
0x58: {  	[spmem:s2] =	stream.indirect.scatter.add.f32 [tilespmem:s18], [sflag:$0x2], $0x80, s22, s17, $0xb8;
	[tilespmem:$0x1CC00] =	vst v63  }
0x59: {  	_ =	swait.ge [sflag:s14], $0x4000  }
0x5a: {  	s22 =	smov.u32 s24;
	[sflag:s14] =	ssyncset.done $0x0  }
0x5b: {  	s21 =	sshra.s32 s21, $0x2;
	[sflag:s14] =	ssyncadd.s32 $0xFFFFC000  }
0x5c: {  	[tilespmem:s18], [sflag:$0x1] =	stream.indirect.gather [hbm4b:s4+s17], $0x80, s21, s17, $0xb8;
	[tilespmem:$0x1CC00] =	vst v63  }
0x5d: {  	_ =	swait.ge [sflag:s19], $0x4000  }
0x5e: {  	[sflag:s19] =	ssyncset.done $0x0  }
0x5f: {  	s21 =	sadd.s32 $0x2800, s21;
	[sflag:s19] =	ssyncadd.s32 $0xFFFFC000  }
0x60: {  	[spmem:s2] =	stream.indirect.scatter.add.f32 [tilespmem:s18], [sflag:$0x2], $0x80, s21, s17, $0xb8;
	[tilespmem:$0x1CC00] =	vst v63  }
0x61: {  	_ =	swait.ge [sflag:s14], $0x4000  }
0x62: {  	[sflag:s14] =	ssyncset.done $0x0  }
0x63: {  	s20 =	sadd.s32 $0x1, s20;
	[sflag:s14] =	ssyncadd.s32 $0xFFFFC000  }
0x64: {  	p0 =	sne.s32 s20, s12;
	[bflag:$0x0] =	sbarrier.arrive $0xFFFF  }
0x65: {  	[hbm:s11], [sflag:s15] =	dma.local [spmem:s16], $0x2780  }
.Ltmp2:
0x66: {  	_ =	swait.ge [sflag:s14], $0x2780;
	(pc) =	sbr.rel @p0 .LBB2_1-.Ltmp2, $3  }
0x67: {  	[sflag:s14] =	ssyncset.done $0x0  }
0x68: {  	[sflag:s14] =	ssyncadd.s32 $0xFFFFD880  }
0x69: {  	[bflag:$0x0] =	sbarrier.arrive $0xFFFF;
	_ =	sdelay $0x1  }
0x6a: {  	_ =	sfence.sel $0x180000  }
0x6b: {  	[bflag:$0x0] =	sbarrier.arrive $0xFFFF  }
0x6c: {  	p0 =	sne.s32 s1, $0x0;
	_ =	strace $0x9000004D  }
0x6d: {  	s0 =	sadd.s32 @!p0 $0x100000, s0;
	[bflag:$0x2] =	sbarrier.arrive $0xFFFF  }
0x6e: {  	[sflag:s0] =	ssyncadd.tile.s32 @!p0 $0x1;
	_ =	shalt  }
.Lfunc_end2:
_tile_overlayer_lowered:
.L_overlay_start_2:
0x6f: {  	(tag) =	ssettag $0x2  }
0x70: {  	s0 =	rddreg [dreg:$0x0];
	s2 =	stileid.u32  }
0x71: {  	s1 =	rddreg [dreg:$0x1];
	p0 =	sne.s32 s2, $0x0  }
0x72: {  	s3 =	rddreg [dreg:$0x2];
	[bflag:$0x3] =	sbarrier.arrive $0xFFFF;
	s2 =	simm.s32 @!p0 $0x1C02  }
0x73: {  	[timem:s3], [sflag:s2] =	dma.local @!p0 [hbm:s0], s1  }
0x74: {  	s0 =	simm.s32 @!p0 $0x2  }
0x75: {  	_ =	swait.ge @!p0 [sflag:s0], s1  }
0x76: {  	s1 =	ssub.s32 @!p0 $0x0, s1;
	[sflag:s0] =	ssyncset.done @!p0 $0x0  }
0x77: {  	[sflag:s0] =	ssyncadd.s32 @!p0 s1  }
0x78: {  	[bflag:$0x3] =	sbarrier.arrive $0xFFFF  }
0x79: {  	_ =	shalt  }

// kernel: kernel.29.cloned.1.call-start
scs
__scs_entry_jumppad:
0x0: {  	(pc) =	sbr.rel $0x88, $3  }
0x1: {  	(tag) =	ssettag $0x0;
	lr =	simm.s32 $0x1  }
0x2: {  	[smem:$0x3F75] =	sst lr;
	_ =	strace $0xD0000000  }
0x3: {  	_ = 	snop  }
0x4: {  	_ = 	snop  }
0x5: {  	_ = 	snop  }
0x6: {  	_ = 	snop  }
0x7: {  	_ = 	snop  }
__scs_overlays_trampoline_lowered:
0x8: {  	[smem:$0x3F84] =	sst s0  }
0x9: {  	[smem:$0x3F85] =	sst s1  }
0xa: {  	[smem:$0x3F86] =	sst s2  }
0xb: {  	[smem:$0x3F87] =	sst s3  }
0xc: {  	[smem:$0x3F88] =	sst s4  }
0xd: {  	[smem:$0x3F89] =	sst s5  }
0xe: {  	[smem:$0x3F8A] =	sst s6  }
0xf: {  	[smem:$0x3F8B] =	sst s7  }
0x10: {  	[smem:$0x3F8C] =	sst s8  }
0x11: {  	[smem:$0x3F8D] =	sst s9;
	s0 =	simm.s32 @!p0 $0x0  }
0x12: {  	s1 =	sld [smem:$0x3F73];
	s0 =	simm.s32 @p0 $0x1  }
0x13: {  	[smem:$0x3F8E] =	sst s0;
	s0 =	simm.s32 @!p1 $0x0  }
0x14: {  	s2 =	sld [smem:$0x3F72];
	s0 =	simm.s32 @p1 $0x1  }
0x15: {  	[smem:$0x3F8F] =	sst s0;
	s0 =	simm.s32 @!p2 $0x0  }
0x16: {  	s3 =	sld [smem:$0x3FDB];
	s0 =	simm.s32 @p2 $0x1  }
0x17: {  	s4 =	simm.s32 $0x1BF5;
	[smem:$0x3F91] =	sst s0  }
0x18: {  	s0 =	sld [smem:$0x3F74];
	_ =	swait.ge [sflag:s4], $0x0  }
0x19: {  	s7 =	sld [smem:$0x3F75]  }
0x1a: {  	s8 =	sadd.s32 $0xFFFFE003, lr  }
0x1b: {  	s9 =	sadd.s32 $0xFFFFFEF7, lr;
	s5 =	simm.s32 $0xFFFFFFFF;
	p2 =	slt.u32 s8, $0xFFFFF086  }
0x1c: {  	p1 =	slt.u32 s9, $0xF7A;
	s5 =	simm.s32 @!p2 $0x0  }
0x1d: {  	s5 =	simm.s32 @p1 $0x1;
	p0 =	seq.s32 s7, s2  }
0x1e: {  	s7 =	smul.u32 @!p0 $0xF7A, s2;
	p2 =	seq.s32 @!p0 s5, $0x0  }
0x1f: {  	s9 =	smul.u32 $0xF7A, s1;
	s8 =	simm.s32 @!p0 $0x1BF5;
	p2 =	por !p2, p0  }
0x20: {  	[sflag:s8] =	ssyncset.s32 @!p0 $0xFFFFF086;
	s6 =	sadd.s32 @!p0 s3, s7;
	s7 =	simm.s32 @!p0 $0x108  }
0x21: {  	s3 =	sadd.s32 s3, s9;
	s6 =	sadd.s32 @!p0 $0x88, s6;
	s7 =	simm.s32 @p2 $0x1082  }
0x22: {  	[simem:s7], [sflag:s8] =	dma.local @!p0 [hbm:s6], $0xF7A  }
0x23: {  	s9 =	sor.u32 $0xD0000000, s2;
	s6 =	simm.s32 $0x108;
	_ =	swait.ge @!p0 [sflag:s8], $0x0  }
0x24: {  	s3 =	sadd.s32 $0x88, s3;
	s6 =	simm.s32 @!p1 $0x1082;
	[sflag:s4] =	ssyncset.s32 $0xFFFFF086  }
0x25: {  	[simem:s6], [sflag:s4] =	dma.local [hbm:s3], $0xF7A  }
0x26: {  	[smem:$0x3F75] =	sst s1;
	(tag) =	ssettag s2;
	_ =	strace s9  }
0x27: {  	s1 =	sld [smem:$0x3F85]  }
0x28: {  	s2 =	sld [smem:$0x3F86]  }
0x29: {  	s4 =	sld [smem:$0x3F88]  }
0x2a: {  	p0 =	seq.s32 s5, $0x0;
	s5 =	sld [smem:$0x3F89]  }
0x2b: {  	s6 =	sld [smem:$0x3F8A]  }
0x2c: {  	s7 =	sld [smem:$0x3F8B]  }
0x2d: {  	s3 =	simm.s32 $0x108;
	s8 =	sld [smem:$0x3F8C]  }
0x2e: {  	s3 =	simm.s32 @!p0 $0x1082;
	s9 =	sld [smem:$0x3F8D]  }
0x2f: {  	lr =	sadd.s32 s0, s3;
	s0 =	sld [smem:$0x3F84]  }
0x30: {  	s3 =	sld [smem:$0x3F87]  }
0x31: {  	[smem:$0x3F90] =	sst s10  }
0x32: {  	s10 =	sld [smem:$0x3F8E];
	_ =	sdelay $0x3  }
0x33: {  	p0 =	seq.s32 s10, $0x1;
	s10 =	sld [smem:$0x3F90];
	_ =	sdelay $0x3  }
0x34: {  	[smem:$0x3F90] =	sst s10  }
0x35: {  	s10 =	sld [smem:$0x3F8F];
	_ =	sdelay $0x3  }
0x36: {  	p1 =	seq.s32 s10, $0x1;
	s10 =	sld [smem:$0x3F90];
	_ =	sdelay $0x3  }
0x37: {  	[smem:$0x3F90] =	sst s10  }
0x38: {  	s10 =	sld [smem:$0x3F91]  }
0x39: {  	_ = 	snop;
	(pc) =	sbr.ind lr, $3  }
0x3a: {  	_ = 	snop  }
0x3b: {  	_ = 	snop  }
0x3c: {  	p2 =	seq.s32 s10, $0x1;
	s10 =	sld [smem:$0x3F90]  }
0x3d: {  	_ =	shalt  }
0x3e: {  	_ =	shalt  }
0x3f: {  	_ =	shalt  }
0x40: {  	_ =	shalt  }
0x41: {  	_ =	shalt  }
0x42: {  	_ =	shalt  }
0x43: {  	_ =	shalt  }
0x44: {  	_ =	shalt  }
0x45: {  	_ =	shalt  }
0x46: {  	_ =	shalt  }
0x47: {  	_ =	shalt  }
0x48: {  	_ =	shalt  }
0x49: {  	_ =	shalt  }
0x4a: {  	_ =	shalt  }
0x4b: {  	_ =	shalt  }
0x4c: {  	_ =	shalt  }
0x4d: {  	_ =	shalt  }
0x4e: {  	_ =	shalt  }
0x4f: {  	_ =	shalt  }
0x50: {  	_ =	shalt  }
0x51: {  	_ =	shalt  }
0x52: {  	_ =	shalt  }
0x53: {  	_ =	shalt  }
0x54: {  	_ =	shalt  }
0x55: {  	_ =	shalt  }
0x56: {  	_ =	shalt  }
0x57: {  	_ =	shalt  }
0x58: {  	_ =	shalt  }
0x59: {  	_ =	shalt  }
0x5a: {  	_ =	shalt  }
0x5b: {  	_ =	shalt  }
0x5c: {  	_ =	shalt  }
0x5d: {  	_ =	shalt  }
0x5e: {  	_ =	shalt  }
0x5f: {  	_ =	shalt  }
0x60: {  	_ =	shalt  }
0x61: {  	_ =	shalt  }
0x62: {  	_ =	shalt  }
0x63: {  	_ =	shalt  }
0x64: {  	_ =	shalt  }
0x65: {  	_ =	shalt  }
0x66: {  	_ =	shalt  }
0x67: {  	_ =	shalt  }
0x68: {  	_ =	shalt  }
0x69: {  	_ =	shalt  }
0x6a: {  	_ =	shalt  }
0x6b: {  	_ =	shalt  }
0x6c: {  	_ =	shalt  }
0x6d: {  	_ =	shalt  }
0x6e: {  	_ =	shalt  }
0x6f: {  	_ =	shalt  }
0x70: {  	_ =	shalt  }
0x71: {  	_ =	shalt  }
0x72: {  	_ =	shalt  }
0x73: {  	_ =	shalt  }
0x74: {  	_ =	shalt  }
0x75: {  	_ =	shalt  }
0x76: {  	_ =	shalt  }
0x77: {  	_ =	shalt  }
0x78: {  	_ =	shalt  }
0x79: {  	_ =	shalt  }
0x7a: {  	_ =	shalt  }
0x7b: {  	_ =	shalt  }
0x7c: {  	_ =	shalt  }
0x7d: {  	_ =	shalt  }
0x7e: {  	_ =	shalt  }
0x7f: {  	_ =	shalt  }
0x80: {  	_ =	shalt  }
0x81: {  	_ =	shalt  }
0x82: {  	_ =	shalt  }
0x83: {  	_ =	shalt  }
0x84: {  	_ =	shalt  }
0x85: {  	_ =	shalt  }
0x86: {  	_ =	shalt  }
0x87: {  	_ =	shalt  }
.Lfunc_end0:
.L_simem_size_0:
called_computation.3_lowered:
.L_overlay_start_0:
0x88: {  	s2 =	sld [smem:$0x3FD9]  }
0x89: {  	s3 =	sld [smem:$0x3FFE];
	_ =	sdelay $0x1  }
0x8a: {  	s1 =	srdreg.scid  }
0x8b: {  	s0 =	sand.u32 $0x1, s1  }
0x8c: {  	s16 =	sshll.u32 s0, $0xA;
	s2 =	sadd.s32 s3, s2  }
0x8d: {  	s2 =	sadd.s32 s2, s16  }
0x8e: {  	[smem:$0x3F9C] =	sst s2  }
0x8f: {  	_ = 	snop  }
0x90: {  	(tm) =	ssettm $0x1  }
0x91: {  	s17 =	sld [smem:$0x3FFB];
	_ =	sdelay $0x3  }
0x92: {  	_ =	strace s17  }
0x93: {  	s2 =	sld [smem:$0x3FFC];
	_ =	sdelay $0x3  }
0x94: {  	_ =	strace s2  }
0x95: {  	s2 =	sld [smem:$0x3FFD];
	_ =	sdelay $0x3  }
0x96: {  	_ =	strace s2  }
0x97: {  	_ =	strace $0x8FFFFFFF  }
0x98: {  	s18 =	sld [smem:$0x3FDB];
	_ =	sdelay $0x1  }
0x99: {  	s19 =	simm.s32 $_scs_section_size  }
0x9a: {  	s4 =	simm.s32 $_size__tile_overlayer_lowered;
	s5 =	simm.s32 $_tile_overlayer_lowered  }
0x9b: {  	s22 =	simm.s32 $0x1BFF;
	s21 =	sshll.u32 s5, $0x1;
	s2 =	sadd.s32 s19, s18  }
0x9c: {  	s6 =	simm.s32 $0x0;
	s20 =	sshll.u32 s4, $0x1;
	s4 =	sadd.s32 s21, s2  }
0x9d: {  	[timem:s6], [sflag:s22] =	dma.local [hbm:s4], s20  }
0x9e: {  	_ =	swait.ge [sflag:s22], s20  }
0x9f: {  	s3 =	ssub.s32 $0x0, s20;
	[sflag:s22] =	ssyncset.done $0x0  }
0xa0: {  	[sflag:s22] =	ssyncadd.s32 s3;
	_ =	sdelay $0x1  }
0xa1: {  	s23 =	simm.s32 $0x1B8B  }
0xa2: {  	_ =	swait.ge [sflag:s23], $0x1  }
0xa3: {  	[sflag:s23] =	ssyncset.done $0x0  }
0xa4: {  	s25 =	simm.s32 $0x1B8E;
	s24 =	sld [smem:$0x3FFE];
	[sflag:s23] =	ssyncadd.s32 $0xFFFFFFFF  }
0xa5: {  	s26 =	simm.s32 $execute0_lowered;
	[smem:$0x3FD2] =	sst s25  }
0xa6: {  	s4 =	sshll.u32 s26, $0x1;
	_ =	strace $0x8000004F;
	[dreg:$0x1] =	wrdreg $0xFFFFFFFF  }
0xa7: {  	s28 =	simm.s32 $_size_execute0_lowered;
	s2 =	sadd.s32 s2, s4;
	[dreg:$0x0] =	wrdreg $0x0  }
0xa8: {  	s4 =	sshll.u32 s28, $0x1;
	[dreg:$0x2] =	wrdreg s2  }
0xa9: {  	[dreg:$0x3] =	wrdreg s4  }
0xaa: {  	[dreg:$0x4] =	wrdreg $0xC0  }
0xab: {  	_ =	task [dreg:s6], $0x5FFFF  }
0xac: {  	[dreg:$0x1] =	wrdreg $0xFFFFFFFF  }
0xad: {  	[dreg:$0x0] =	wrdreg $0x60  }
0xae: {  	[dreg:$0x2] =	wrdreg s24  }
0xaf: {  	[dreg:$0x3] =	wrdreg $0x90000  }
0xb0: {  	[dreg:$0x4] =	wrdreg $0x9  }
0xb1: {  	_ =	task.clear_ibuf [dreg:s6], $0x5FFFF;
	_ =	strace $0x9000004F  }
0xb2: {  	s29 =	simm.s32 $0x9;
	_ =	strace $0x80000051  }
0xb3: {  	_ =	swait.ge [sflag:s29], $0x1  }
0xb4: {  	[sflag:s29] =	ssyncadd.s32 $0xFFFFFFFF  }
0xb5: {  	_ =	strace $0x90000051  }
0xb6: {  	_ =	sfence  }
0xb7: {  	s30 =	sld [smem:$0x0];
	_ =	sdelay $0x2  }
0xb8: {  	s31 =	sshll.u32 s1, $0xD;
	s1 =	sshrl.u32 s1, $0x2  }
0xb9: {  	s3 =	sand.u32 $0x4000, s31;
	s1 =	sadd.s32 s1, s30  }
0xba: {  	s0 =	sor.u32 s3, s0;
	s1 =	sshll.u32 s1, $0x11  }
0xbb: {  	s0 =	sor.u32 s1, s0  }
0xbc: {  	s0 =	sadd.s32 $0x8F2B, s0  }
0xbd: {  	[sflag:s0] =	ssyncadd.remote.s32 $0x1  }
0xbe: {  	_ =	sfence.sel $0xFFFF  }
0xbf: {  	[dreg:$0x0] =	wrdreg $0xFFFFFFFF;
	(pc) =	sbr.abs _section_cstart, $3  }
0xc0: {  	[dreg:$0x1] =	wrdreg $0xFFFFFFFF  }
0xc1: {  	_ =	task.clear_ibuf [dreg:s6], $0x2FFFF;
	_ =	strace $0x9FFFFFFF  }
0xc2: {  	(tm) =	ssettm $0x7FFFFFFF  }
0xc3: {  	_ =	shalt  }
tec
execute0_lowered:
.L_overlay_start_1:
0x0: {  	(tag) =	ssettag $0x1  }
0x1: {  	s5 =	rddreg [dreg:$0x0];
	s1 =	stileid.u32  }
0x2: {  	s2 =	rddreg [dreg:$0x1];
	s9 =	smul.u32 $0x2800, s1  }
0x3: {  	s0 =	rddreg [dreg:$0x2];
	s11 =	smul.u32 $0x278, s1  }
0x4: {  	s6 =	srdreg.scid;
	s12 =	smul.u32 $0x4F000, s1  }
0x5: {  	s3 =	simm.s32 $0x0;
	s6 =	sand.u32 $0x1, s6;
	s23 =	smul.u32 $0x13C00, s1  }
0x6: {  	[smem:$0x7FF] =	sst s3;
	s4 =	sadd.s32 $0xCAC00, s5;
	s14 =	smul.u32 $0x4F00, s6  }
0x7: {  	s10 =	sadd.s32 $0xB6C00, s5;
	s13 =	sadd.s32 $0x168C00, s5;
	s20 =	smul.u32 $0x50000, s6  }
0x8: {  	s31 =	sshll.u32 s1, $0x6;
	s16 =	smul.u32 $0x278000, s6;
	s17 =	sshllo.u32 s6, $0x1  }
0x9: {  	_ =	strace $0x80000050;
	s8 =	ssub.s32 $0x2, s6;
	s24 =	smul.u32 $0x2780, s17  }
0xa: {  	s7 =	sshrl.u32 s9, $0x3;
	s19 =	sshrl.u32 s8, $0x1;
	s26 =	smul.u32 $0x28000, s17  }
0xb: {  	s21 =	sshrl.u32 s12, $0x2;
	s17 =	smul.u32 $0x13C000, s17;
	s7 =	sadd.s32 s7, s5  }
0xc: {  	s15 =	ssub.s32 s8, s19;
	s22 =	sadd.s32 s11, s14;
	s18 =	sadd.s32 s21, s2  }
0xd: {  	s25 =	sadd.s32 s23, s16;
	s19 =	simm.s32 $0x1;
	s5 =	sadd.s32 $0x9A00, s7  }
0xe: {  	s12 =	sshll.u32 s22, $0x4;
	s7 =	sadd.s32 s9, s20;
	s8 =	sshrl.u32 s25, $0x3  }
0xf: {  	s11 =	sadd.s32 s11, s24;
	s28 =	sadd.s32 s9, s26;
	s14 =	sadd.s32 s23, s17  }
0x10: {  	s16 =	sshrl.u32 s18, $0x3;
	s17 =	simm.s32 $0x80;
	s18 =	simm.s32 $0x5000  }
0x11: {  	s20 =	simm.s32 $0x0;
	s6 =	sadd.s32 s4, s12;
	s7 =	sshrl.u32 s7, $0x3  }
0x12: {  	s8 =	sadd.s32 s13, s8;
	s11 =	sshll.u32 s11, $0x4;
	s29 =	sshrl.u32 s28, $0x3  }
0x13: {  	s30 =	sshrl.u32 s14, $0x3;
	s12 =	smax.u32 s15, $0x1;
	s14 =	simm.s32 $0x2  }
0x14: {  	s15 =	sor.u32 $0x1C02, s31;
	s7 =	sadd.s32 s10, s7;
	s9 =	sadd.s32 s4, s11  }
0x15: {  	s10 =	sadd.s32 s10, s29;
	s11 =	sadd.s32 s13, s30;
	s13 =	simm.s32 $0x2800  }
.LBB2_1:
0x16: {  	[tilespmem:s13], [sflag:$0x2] =	stream.linear.gather [hbm4b:s5+s3], $0x2780, $0x38;
	[tilespmem:$0x1CC00] =	vst v63  }
0x17: {  	_ =	swait.ge [sflag:s14], $0x2780  }
0x18: {  	[sflag:s14] =	ssyncset.done $0x0  }
0x19: {  	[sflag:s14] =	ssyncadd.s32 $0xFFFFD880  }
0x1a: {  	[spmem:s16], [sflag:s15] =	dma.local [hbm:s6], $0x2780  }
0x1b: {  	_ =	swait.ge [sflag:s14], $0x2780  }
0x1c: {  	[sflag:s14] =	ssyncset.done $0x0  }
0x1d: {  	[sflag:s14] =	ssyncadd.s32 $0xFFFFD880  }
0x1e: {  	[tilespmem:s3], [sflag:$0x2] =	stream.linear.gather [hbm4b:s7+s3], $0x2780, $0x38;
	[tilespmem:$0x1CC00] =	vst v63  }
0x1f: {  	_ =	swait.ge [sflag:s14], $0x2780  }
0x20: {  	[sflag:s14] =	ssyncset.done $0x0  }
0x21: {  	[sflag:s14] =	ssyncadd.s32 $0xFFFFD880  }
0x22: {  	s21 =	simm.s32 $0x0;
	[bflag:$0x0] =	sbarrier.arrive $0xFFFF  }
0x23: {  	[tilespmem:s18], [sflag:$0x1] =	stream.indirect.gather [hbm4b:s4+s17], $0x80, s21, s17, $0xb8;
	[tilespmem:$0x1CC00] =	vst v63  }
0x24: {  	_ =	swait.ge [sflag:s19], $0x4000  }
0x25: {  	[sflag:s19] =	ssyncset.done $0x0  }
0x26: {  	s31 =	simm.s32 $0x2800;
	[sflag:s19] =	ssyncadd.s32 $0xFFFFC000  }
0x27: {  	[spmem:s2] =	stream.indirect.scatter.add.f32 [tilespmem:s18], [sflag:$0x2], $0x80, s31, s17, $0xb8;
	[tilespmem:$0x1CC00] =	vst v63  }
0x28: {  	_ =	swait.ge [sflag:s14], $0x4000  }
0x29: {  	s22 =	simm.s32 $0x400;
	s21 =	simm.s32 $0x200;
	[sflag:s14] =	ssyncset.done $0x0  }
.LBB2_2:
0x2a: {  	s23 =	sshra.s32 s21, $0x2  }
0x2b: {  	[sflag:s14] =	ssyncadd.s32 $0xFFFFC000;
	s21 =	smov.u32 s22;
	s24 =	sadd.s32 $0x200, s22  }
0x2c: {  	[tilespmem:s18], [sflag:$0x1] =	stream.indirect.gather [hbm4b:s4+s17], $0x80, s23, s17, $0xb8;
	[tilespmem:$0x1CC00] =	vst v63  }
0x2d: {  	p0 =	sne.s32 s22, $0x9C00;
	_ =	swait.ge [sflag:s19], $0x4000  }
.Ltmp0:
0x2e: {  	[sflag:s19] =	ssyncset.done $0x0;
	(pc) =	sbr.rel @p0 .LBB2_2-.Ltmp0, $4  }
0x2f: {  	s22 =	sadd.s32 $0x2800, s23;
	[sflag:s19] =	ssyncadd.s32 $0xFFFFC000  }
0x30: {  	[spmem:s2] =	stream.indirect.scatter.add.f32 [tilespmem:s18], [sflag:$0x2], $0x80, s22, s17, $0xb8;
	[tilespmem:$0x1CC00] =	vst v63  }
0x31: {  	_ =	swait.ge [sflag:s14], $0x4000  }
0x32: {  	s22 =	smov.u32 s24;
	[sflag:s14] =	ssyncset.done $0x0  }
0x33: {  	s21 =	sshra.s32 s21, $0x2;
	[sflag:s14] =	ssyncadd.s32 $0xFFFFC000  }
0x34: {  	[tilespmem:s18], [sflag:$0x1] =	stream.indirect.gather [hbm4b:s4+s17], $0x80, s21, s17, $0xb8;
	[tilespmem:$0x1CC00] =	vst v63  }
0x35: {  	_ =	swait.ge [sflag:s19], $0x4000  }
0x36: {  	[sflag:s19] =	ssyncset.done $0x0  }
0x37: {  	s21 =	sadd.s32 $0x2800, s21;
	[sflag:s19] =	ssyncadd.s32 $0xFFFFC000  }
0x38: {  	[spmem:s2] =	stream.indirect.scatter.add.f32 [tilespmem:s18], [sflag:$0x2], $0x80, s21, s17, $0xb8;
	[tilespmem:$0x1CC00] =	vst v63  }
0x39: {  	_ =	swait.ge [sflag:s14], $0x4000  }
0x3a: {  	[sflag:s14] =	ssyncset.done $0x0  }
0x3b: {  	[sflag:s14] =	ssyncadd.s32 $0xFFFFC000  }
0x3c: {  	[bflag:$0x0] =	sbarrier.arrive $0xFFFF  }
0x3d: {  	[hbm:s8], [sflag:s15] =	dma.local [spmem:s16], $0x2780  }
0x3e: {  	_ =	swait.ge [sflag:s14], $0x2780  }
0x3f: {  	[sflag:s14] =	ssyncset.done $0x0  }
0x40: {  	[sflag:s14] =	ssyncadd.s32 $0xFFFFD880  }
0x41: {  	[bflag:$0x0] =	sbarrier.arrive $0xFFFF  }
0x42: {  	[spmem:s16], [sflag:s15] =	dma.local [hbm:s9], $0x2780  }
0x43: {  	_ =	swait.ge [sflag:s14], $0x2780  }
0x44: {  	[sflag:s14] =	ssyncset.done $0x0  }
0x45: {  	s29 =	simm.s32 $0x0;
	[sflag:s14] =	ssyncadd.s32 $0xFFFFD880  }
0x46: {  	[tilespmem:s29], [sflag:$0x2] =	stream.linear.gather [hbm4b:s10+s29], $0x2780, $0x38;
	[tilespmem:$0x1CC00] =	vst v63  }
0x47: {  	_ =	swait.ge [sflag:s14], $0x2780  }
0x48: {  	[sflag:s14] =	ssyncset.done $0x0  }
0x49: {  	[sflag:s14] =	ssyncadd.s32 $0xFFFFD880  }
0x4a: {  	s30 =	simm.s32 $0x0;
	[bflag:$0x0] =	sbarrier.arrive $0xFFFF  }
0x4b: {  	[tilespmem:s18], [sflag:$0x1] =	stream.indirect.gather [hbm4b:s4+s17], $0x80, s30, s17, $0xb8;
	[tilespmem:$0x1CC00] =	vst v63  }
0x4c: {  	_ =	swait.ge [sflag:s19], $0x4000  }
0x4d: {  	[sflag:s19] =	ssyncset.done $0x0  }
0x4e: {  	s31 =	simm.s32 $0x2800;
	[sflag:s19] =	ssyncadd.s32 $0xFFFFC000  }
0x4f: {  	[spmem:s2] =	stream.indirect.scatter.add.f32 [tilespmem:s18], [sflag:$0x2], $0x80, s31, s17, $0xb8;
	[tilespmem:$0x1CC00] =	vst v63  }
0x50: {  	_ =	swait.ge [sflag:s14], $0x4000  }
0x51: {  	s22 =	simm.s32 $0x400;
	s21 =	simm.s32 $0x200;
	[sflag:s14] =	ssyncset.done $0x0  }
.LBB2_4:
0x52: {  	s23 =	sshra.s32 s21, $0x2  }
0x53: {  	[sflag:s14] =	ssyncadd.s32 $0xFFFFC000;
	s21 =	smov.u32 s22;
	s24 =	sadd.s32 $0x200, s22  }
0x54: {  	[tilespmem:s18], [sflag:$0x1] =	stream.indirect.gather [hbm4b:s4+s17], $0x80, s23, s17, $0xb8;
	[tilespmem:$0x1CC00] =	vst v63  }
0x55: {  	p0 =	sne.s32 s22, $0x9C00;
	_ =	swait.ge [sflag:s19], $0x4000  }
.Ltmp1:
0x56: {  	[sflag:s19] =	ssyncset.done $0x0;
	(pc) =	sbr.rel @p0 .LBB2_4-.Ltmp1, $4  }
0x57: {  	s22 =	sadd.s32 $0x2800, s23;
	[sflag:s19] =	ssyncadd.s32 $0xFFFFC000  }
0x58: {  	[spmem:s2] =	stream.indirect.scatter.add.f32 [tilespmem:s18], [sflag:$0x2], $0x80, s22, s17, $0xb8;
	[tilespmem:$0x1CC00] =	vst v63  }
0x59: {  	_ =	swait.ge [sflag:s14], $0x4000  }
0x5a: {  	s22 =	smov.u32 s24;
	[sflag:s14] =	ssyncset.done $0x0  }
0x5b: {  	s21 =	sshra.s32 s21, $0x2;
	[sflag:s14] =	ssyncadd.s32 $0xFFFFC000  }
0x5c: {  	[tilespmem:s18], [sflag:$0x1] =	stream.indirect.gather [hbm4b:s4+s17], $0x80, s21, s17, $0xb8;
	[tilespmem:$0x1CC00] =	vst v63  }
0x5d: {  	_ =	swait.ge [sflag:s19], $0x4000  }
0x5e: {  	[sflag:s19] =	ssyncset.done $0x0  }
0x5f: {  	s21 =	sadd.s32 $0x2800, s21;
	[sflag:s19] =	ssyncadd.s32 $0xFFFFC000  }
0x60: {  	[spmem:s2] =	stream.indirect.scatter.add.f32 [tilespmem:s18], [sflag:$0x2], $0x80, s21, s17, $0xb8;
	[tilespmem:$0x1CC00] =	vst v63  }
0x61: {  	_ =	swait.ge [sflag:s14], $0x4000  }
0x62: {  	[sflag:s14] =	ssyncset.done $0x0  }
0x63: {  	s20 =	sadd.s32 $0x1, s20;
	[sflag:s14] =	ssyncadd.s32 $0xFFFFC000  }
0x64: {  	p0 =	sne.s32 s20, s12;
	[bflag:$0x0] =	sbarrier.arrive $0xFFFF  }
0x65: {  	[hbm:s11], [sflag:s15] =	dma.local [spmem:s16], $0x2780  }
.Ltmp2:
0x66: {  	_ =	swait.ge [sflag:s14], $0x2780;
	(pc) =	sbr.rel @p0 .LBB2_1-.Ltmp2, $3  }
0x67: {  	[sflag:s14] =	ssyncset.done $0x0  }
0x68: {  	[sflag:s14] =	ssyncadd.s32 $0xFFFFD880  }
0x69: {  	[bflag:$0x0] =	sbarrier.arrive $0xFFFF;
	_ =	sdelay $0x1  }
0x6a: {  	_ =	sfence.sel $0x180000  }
0x6b: {  	[bflag:$0x0] =	sbarrier.arrive $0xFFFF  }
0x6c: {  	p0 =	sne.s32 s1, $0x0;
	_ =	strace $0x90000050  }
0x6d: {  	s0 =	sadd.s32 @!p0 $0x100000, s0;
	[bflag:$0x2] =	sbarrier.arrive $0xFFFF  }
0x6e: {  	[sflag:s0] =	ssyncadd.tile.s32 @!p0 $0x1;
	_ =	shalt  }
.Lfunc_end2:
_tile_overlayer_lowered:
.L_overlay_start_2:
0x6f: {  	(tag) =	ssettag $0x2  }
0x70: {  	s0 =	rddreg [dreg:$0x0];
	s2 =	stileid.u32  }
0x71: {  	s1 =	rddreg [dreg:$0x1];
	p0 =	sne.s32 s2, $0x0  }
0x72: {  	s3 =	rddreg [dreg:$0x2];
	[bflag:$0x3] =	sbarrier.arrive $0xFFFF;
	s2 =	simm.s32 @!p0 $0x1C02  }
0x73: {  	[timem:s3], [sflag:s2] =	dma.local @!p0 [hbm:s0], s1  }
0x74: {  	s0 =	simm.s32 @!p0 $0x2  }
0x75: {  	_ =	swait.ge @!p0 [sflag:s0], s1  }
0x76: {  	s1 =	ssub.s32 @!p0 $0x0, s1;
	[sflag:s0] =	ssyncset.done @!p0 $0x0  }
0x77: {  	[sflag:s0] =	ssyncadd.s32 @!p0 s1  }
0x78: {  	[bflag:$0x3] =	sbarrier.arrive $0xFFFF  }
0x79: {  	_ =	shalt  }

</sc_bundles>
